<compile_context>
chip_gen: v7x
topology: tpu7x:2x2x1
jax: 0.10.2.dev20260603
libtpu: 0.0.44.dev20260713+nightly
codegen_flags: <defaults>
</compile_context>

<pallas_src>
import functools

import jax
import jax.numpy as jnp
from jax import lax
from jax.experimental import pallas as pl
from jax.experimental.pallas import tpu as pltpu
from jax.experimental.pallas import tpu_sc as plsc

_L = 16
_G = 8


@functools.lru_cache(maxsize=None)
def _build(B, V, D):
    info = plsc.get_sparse_core_info()
    NC, NS = info.num_cores, info.num_subcores
    NW = NC * NS
    b_per_w = B // NW
    n_dg = b_per_w // _L
    rows_per_idx = D

    mesh = plsc.VectorSubcoreMesh(core_axis_name="c", subcore_axis_name="s")

    @functools.partial(
        pl.kernel,
        mesh=mesh,
        compiler_params=pltpu.CompilerParams(
            use_tc_tiling_on_sc=True, needs_layout_passes=False
        ),
        out_type=jax.ShapeDtypeStruct((B * D,), jnp.float32),
        scratch_types=[
            pltpu.VMEM((b_per_w,), jnp.int32),
            pltpu.VMEM((2 * _G * rows_per_idx, 128), jnp.float32),
            pltpu.VMEM((b_per_w * D,), jnp.float32),
            pltpu.SemaphoreType.DMA,
            pltpu.SemaphoreType.DMA,
            pltpu.SemaphoreType.DMA,
        ],
    )
    def gather_kernel(
        idx_hbm, table_hbm, out_hbm, idx_v, tile_v, rows_v, sem_a, sem_b, osem
    ):
        wid = lax.axis_index("s") * NC + lax.axis_index("c")
        base = wid * b_per_w * D
        pltpu.sync_copy(idx_hbm.at[wid], idx_v)

        iota = lax.iota(jnp.int32, _L)
        tsems = (sem_a, sem_b)

        def fire(vv, half):
            for j in range(_G):
                i_scalar = vv[half * _G + j]
                cbase = pl.multiple_of((i_scalar >> 7) * 128, 128)
                slot = (half * _G + j) * rows_per_idx
                pltpu.async_copy(
                    table_hbm.at[:, pl.ds(cbase, 128)],
                    tile_v.at[pl.ds(slot, rows_per_idx)],
                    tsems[half],
                )

        def drain_tiles(half):
            for _ in range(_G):
                pltpu.make_async_copy(
                    table_hbm.at[:, pl.ds(0, 128)],
                    tile_v.at[pl.ds(0, rows_per_idx)],
                    tsems[half],
                ).wait()

        def extract(vv, g, half):
            for j in range(_G):
                i_scalar = vv[half * _G + j]
                l_vec = jnp.full((_L,), i_scalar & 127, jnp.int32)
                slot = (half * _G + j) * rows_per_idx
                h0 = plsc.load_gather(tile_v, [iota + slot, l_vec])
                h1 = plsc.load_gather(tile_v, [iota + (slot + _L), l_vec])
                rbase = (g * _G + j) * D
                rows_v[pl.ds(rbase, _L)] = h0
                rows_v[pl.ds(rbase + _L, _L)] = h1

        def flush(g):
            pltpu.async_copy(
                rows_v.at[pl.ds(g * _G * D, _G * D)],
                out_hbm.at[pl.ds(base + g * _G * D, _G * D)],
                osem,
            )

        vv0 = idx_v[pl.ds(0, _L)]
        fire(vv0, 0)

        def body(gg, _):
            vv = idx_v[pl.ds(gg * _L, _L)]
            off2 = jnp.minimum((gg + 1) * _L, (n_dg - 1) * _L)
            vv2 = idx_v[pl.ds(pl.multiple_of(off2, _L), _L)]
            fire(vv, 1)
            drain_tiles(0)
            extract(vv, 2 * gg, 0)
            flush(2 * gg)
            fire(vv2, 0)
            drain_tiles(1)
            extract(vv, 2 * gg + 1, 1)
            flush(2 * gg + 1)
            return 0

        lax.fori_loop(0, n_dg, body, 0)
        drain_tiles(0)
        for _ in range(2 * n_dg):
            pltpu.make_async_copy(
                rows_v.at[pl.ds(0, _G * D)],
                out_hbm.at[pl.ds(0, _G * D)],
                osem,
            ).wait()

    return gather_kernel


def kernel(user_idx, table):
    B, = user_idx.shape
    V, D = table.shape
    info = plsc.get_sparse_core_info()
    NW = info.num_cores * info.num_subcores
    idx = user_idx.astype(jnp.int32).reshape(NW, -1)
    flat = _build(B, V, D)(idx, table.T)
    return flat.reshape(B, D)

# --- scband reference (transcript-rebuilt; emitter-appended) ---
"""Pipeline reference for scband-user-embeddings-21199958573615 (READ-ONLY COPY).

The authoritative reference and input builder live on the scoring server;
editing this copy changes nothing except your own understanding.
"""

import jax, jax.numpy as jnp
import numpy as np

NUM_USERS = 1000000
EMBED_DIM = 32
BATCH = 16384

def setup_inputs(seed: int = 0) -> dict:
    key = jax.random.key(seed)
    k_idx, k_tab = jax.random.split(key)
    user_idx = jax.random.randint(k_idx, (BATCH,), 0, NUM_USERS, dtype=jnp.int64 if jax.config.jax_enable_x64 else jnp.int32)
    table = jax.random.normal(k_tab, (NUM_USERS, EMBED_DIM), dtype=jnp.float32)
    return {"user_idx": user_idx, "table": table}

def reference(user_idx, table):
    # nn.Embedding forward: row gather from the embedding table
    embed = jnp.take(table, user_idx, axis=0)
    return embed

if __name__ == "__main__":
    import jax
    _d = setup_inputs()
    print(jax.jit(kernel)(*tuple(_d.values())))

</pallas_src>

<mosaic_0001>
#map = affine_map<(d0, d1) -> (0, 0)>
#map1 = affine_map<(d0, d1) -> (0)>
module attributes {stable_mosaic.version = 14 : i64} {
  func.func @gather_kernel(%arg0: i32, %arg1: i32, %arg2: memref<32x512xi32, #tpu.memory_space<hbm>>, %arg3: memref<32x1000000xf32, #tpu.memory_space<hbm>>, %arg4: memref<524288xf32, #tpu.memory_space<hbm>>, %arg5: memref<512xi32, #tpu.memory_space<vmem>>, %arg6: memref<512x128xf32, #tpu.memory_space<vmem>>, %arg7: memref<16384xf32, #tpu.memory_space<vmem>>, %arg8: memref<!tpu.dma_semaphore, #tpu.memory_space<semaphore_mem>>, %arg9: memref<!tpu.dma_semaphore, #tpu.memory_space<semaphore_mem>>, %arg10: memref<!tpu.dma_semaphore, #tpu.memory_space<semaphore_mem>>) attributes {dimension_semantics = [#tpu.dimension_semantics<core_parallel>, #tpu.dimension_semantics<subcore_parallel>], iteration_bounds = array<i64: 2, 16>, scalar_prefetch = 0 : i64, scratch_operands = 6 : i64, tpu.core_type = #tpu.core_type<sc_vector_subcore>, window_params = [{transform_indices = #map}, {transform_indices = #map}, {transform_indices = #map1}]} {
    %mul3A = arith.constant 2 : i32
    %mul3A_0 = arith.muli %arg1, %mul3A : i32
    %add3A = arith.addi %mul3A_0, %arg0 : i32
    %mul3A_1 = arith.constant 512 : i32
    %mul3A_2 = arith.muli %add3A, %mul3A_1 : i32
    %mul3A_3 = arith.constant 32 : i32
    %mul3A_4 = arith.muli %mul3A_2, %mul3A_3 : i32
    "tpu.region"() ({
      %run_scoped3A = tpu.sem_alloc : memref<!tpu.dma_semaphore, #tpu.memory_space<semaphore_mem>>
      %dma_start3A_750 = arith.constant 0 : i32
      %dma_start3A_751 = tpu.memref_slice %arg2[%add3A, %dma_start3A_750] : memref<32x512xi32, #tpu.memory_space<hbm>> -> memref<1x512xi32, #tpu.memory_space<hbm>>
      %dma_start3A_752 = tpu.memref_squeeze %dma_start3A_751 : memref<1x512xi32, #tpu.memory_space<hbm>> -> memref<512xi32, #tpu.memory_space<hbm>>
      %dma_start3A_753 = arith.constant 0 : i32
      %dma_start3A_754 = tpu.memref_slice %arg2[%add3A, %dma_start3A_753] : memref<32x512xi32, #tpu.memory_space<hbm>> -> memref<1x512xi32, #tpu.memory_space<hbm>>
      %dma_start3A_755 = tpu.memref_squeeze %dma_start3A_754 : memref<1x512xi32, #tpu.memory_space<hbm>> -> memref<512xi32, #tpu.memory_space<hbm>>
      tpu.enqueue_dma source(%dma_start3A_755 : memref<512xi32, #tpu.memory_space<hbm>>) target(%arg5 : memref<512xi32, #tpu.memory_space<vmem>>) target_semaphore(%run_scoped3A : memref<!tpu.dma_semaphore, #tpu.memory_space<semaphore_mem>>)
      %dma_wait3A_756 = arith.constant 0 : i32
      %dma_wait3A_757 = tpu.memref_slice %arg2[%add3A, %dma_wait3A_756] : memref<32x512xi32, #tpu.memory_space<hbm>> -> memref<1x512xi32, #tpu.memory_space<hbm>>
      %dma_wait3A_758 = tpu.memref_squeeze %dma_wait3A_757 : memref<1x512xi32, #tpu.memory_space<hbm>> -> memref<512xi32, #tpu.memory_space<hbm>>
      %dma_wait3A_759 = arith.constant 0 : i32
      %dma_wait3A_760 = tpu.memref_slice %arg2[%add3A, %dma_wait3A_759] : memref<32x512xi32, #tpu.memory_space<hbm>> -> memref<1x512xi32, #tpu.memory_space<hbm>>
      %dma_wait3A_761 = tpu.memref_squeeze %dma_wait3A_760 : memref<1x512xi32, #tpu.memory_space<hbm>> -> memref<512xi32, #tpu.memory_space<hbm>>
      tpu.wait_dma2 semaphore(%run_scoped3A : memref<!tpu.dma_semaphore, #tpu.memory_space<semaphore_mem>>) src(%dma_wait3A_761 : memref<512xi32, #tpu.memory_space<hbm>>) dst(%arg5 : memref<512xi32, #tpu.memory_space<vmem>>)
      tpu.yield
    }) : () -> ()
    %iota3A = tpu.iota {dimensions = array<i32: 0>} : vector<16xi32>
    %get3A = arith.constant 0 : index
    %get3A_5 = tpu.vector_load %arg5[%get3A] {strides = array<i32>} : memref<512xi32, #tpu.memory_space<vmem>>, vector<16xi32>,
    %slice3A = vector.extract_strided_slice %get3A_5 {offsets = [0], sizes = [1], strides = [1]} : vector<16xi32> to vector<1xi32>
    %squeeze3A = vector.extract %slice3A[0] : i32 from vector<1xi32>
    %shift_right_arithmetic3A = arith.constant 7 : i32
    %shift_right_arithmetic3A_6 = arith.shrsi %squeeze3A, %shift_right_arithmetic3A : i32
    %mul3A_7 = arith.constant 128 : i32
    %mul3A_8 = arith.muli %shift_right_arithmetic3A_6, %mul3A_7 : i32
    %multiple_of3A = tpu.assume_multiple %mul3A_8, 128 : i32
    %dma_start3A = arith.constant 0 : i32
    %dma_start3A_9 = arith.constant 0 : i32
    %dma_start3A_10 = tpu.memref_slice %arg6[%dma_start3A, %dma_start3A_9] : memref<512x128xf32, #tpu.memory_space<vmem>> -> memref<32x128xf32, #tpu.memory_space<vmem>>
    %dma_start3A_11 = arith.constant 0 : i32
    %dma_start3A_12 = tpu.memref_slice %arg3[%dma_start3A_11, %multiple_of3A] : memref<32x1000000xf32, #tpu.memory_space<hbm>> -> memref<32x128xf32, #tpu.memory_space<hbm>>
    %dma_start3A_13 = arith.constant 0 : i32
    %dma_start3A_14 = arith.constant 0 : i32
    %dma_start3A_15 = tpu.memref_slice %arg6[%dma_start3A_13, %dma_start3A_14] : memref<512x128xf32, #tpu.memory_space<vmem>> -> memref<32x128xf32, #tpu.memory_space<vmem>>
    %dma_start3A_16 = arith.constant 0 : i32
    %dma_start3A_17 = tpu.memref_slice %arg3[%dma_start3A_16, %multiple_of3A] : memref<32x1000000xf32, #tpu.memory_space<hbm>> -> memref<32x128xf32, #tpu.memory_space<hbm>>
    tpu.enqueue_dma source(%dma_start3A_17 : memref<32x128xf32, #tpu.memory_space<hbm>>) target(%dma_start3A_15 : memref<32x128xf32, #tpu.memory_space<vmem>>) target_semaphore(%arg8 : memref<!tpu.dma_semaphore, #tpu.memory_space<semaphore_mem>>)
    %slice3A_18 = vector.extract_strided_slice %get3A_5 {offsets = [1], sizes = [1], strides = [1]} : vector<16xi32> to vector<1xi32>
    %squeeze3A_19 = vector.extract %slice3A_18[0] : i32 from vector<1xi32>
    %shift_right_arithmetic3A_20 = arith.constant 7 : i32
    %shift_right_arithmetic3A_21 = arith.shrsi %squeeze3A_19, %shift_right_arithmetic3A_20 : i32
    %mul3A_22 = arith.constant 128 : i32
    %mul3A_23 = arith.muli %shift_right_arithmetic3A_21, %mul3A_22 : i32
    %multiple_of3A_24 = tpu.assume_multiple %mul3A_23, 128 : i32
    %dma_start3A_25 = arith.constant 32 : i32
    %dma_start3A_26 = arith.constant 0 : i32
    %dma_start3A_27 = tpu.memref_slice %arg6[%dma_start3A_25, %dma_start3A_26] : memref<512x128xf32, #tpu.memory_space<vmem>> -> memref<32x128xf32, #tpu.memory_space<vmem>>
    %dma_start3A_28 = arith.constant 0 : i32
    %dma_start3A_29 = tpu.memref_slice %arg3[%dma_start3A_28, %multiple_of3A_24] : memref<32x1000000xf32, #tpu.memory_space<hbm>> -> memref<32x128xf32, #tpu.memory_space<hbm>>
    %dma_start3A_30 = arith.constant 32 : i32
    %dma_start3A_31 = arith.constant 0 : i32
    %dma_start3A_32 = tpu.memref_slice %arg6[%dma_start3A_30, %dma_start3A_31] : memref<512x128xf32, #tpu.memory_space<vmem>> -> memref<32x128xf32, #tpu.memory_space<vmem>>
    %dma_start3A_33 = arith.constant 0 : i32
    %dma_start3A_34 = tpu.memref_slice %arg3[%dma_start3A_33, %multiple_of3A_24] : memref<32x1000000xf32, #tpu.memory_space<hbm>> -> memref<32x128xf32, #tpu.memory_space<hbm>>
    tpu.enqueue_dma source(%dma_start3A_34 : memref<32x128xf32, #tpu.memory_space<hbm>>) target(%dma_start3A_32 : memref<32x128xf32, #tpu.memory_space<vmem>>) target_semaphore(%arg8 : memref<!tpu.dma_semaphore, #tpu.memory_space<semaphore_mem>>)
    %slice3A_35 = vector.extract_strided_slice %get3A_5 {offsets = [2], sizes = [1], strides = [1]} : vector<16xi32> to vector<1xi32>
    %squeeze3A_36 = vector.extract %slice3A_35[0] : i32 from vector<1xi32>
    %shift_right_arithmetic3A_37 = arith.constant 7 : i32
    %shift_right_arithmetic3A_38 = arith.shrsi %squeeze3A_36, %shift_right_arithmetic3A_37 : i32
    %mul3A_39 = arith.constant 128 : i32
    %mul3A_40 = arith.muli %shift_right_arithmetic3A_38, %mul3A_39 : i32
    %multiple_of3A_41 = tpu.assume_multiple %mul3A_40, 128 : i32
    %dma_start3A_42 = arith.constant 64 : i32
    %dma_start3A_43 = arith.constant 0 : i32
    %dma_start3A_44 = tpu.memref_slice %arg6[%dma_start3A_42, %dma_start3A_43] : memref<512x128xf32, #tpu.memory_space<vmem>> -> memref<32x128xf32, #tpu.memory_space<vmem>>
    %dma_start3A_45 = arith.constant 0 : i32
    %dma_start3A_46 = tpu.memref_slice %arg3[%dma_start3A_45, %multiple_of3A_41] : memref<32x1000000xf32, #tpu.memory_space<hbm>> -> memref<32x128xf32, #tpu.memory_space<hbm>>
    %dma_start3A_47 = arith.constant 64 : i32
    %dma_start3A_48 = arith.constant 0 : i32
    %dma_start3A_49 = tpu.memref_slice %arg6[%dma_start3A_47, %dma_start3A_48] : memref<512x128xf32, #tpu.memory_space<vmem>> -> memref<32x128xf32, #tpu.memory_space<vmem>>
    %dma_start3A_50 = arith.constant 0 : i32
    %dma_start3A_51 = tpu.memref_slice %arg3[%dma_start3A_50, %multiple_of3A_41] : memref<32x1000000xf32, #tpu.memory_space<hbm>> -> memref<32x128xf32, #tpu.memory_space<hbm>>
    tpu.enqueue_dma source(%dma_start3A_51 : memref<32x128xf32, #tpu.memory_space<hbm>>) target(%dma_start3A_49 : memref<32x128xf32, #tpu.memory_space<vmem>>) target_semaphore(%arg8 : memref<!tpu.dma_semaphore, #tpu.memory_space<semaphore_mem>>)
    %slice3A_52 = vector.extract_strided_slice %get3A_5 {offsets = [3], sizes = [1], strides = [1]} : vector<16xi32> to vector<1xi32>
    %squeeze3A_53 = vector.extract %slice3A_52[0] : i32 from vector<1xi32>
    %shift_right_arithmetic3A_54 = arith.constant 7 : i32
    %shift_right_arithmetic3A_55 = arith.shrsi %squeeze3A_53, %shift_right_arithmetic3A_54 : i32
    %mul3A_56 = arith.constant 128 : i32
    %mul3A_57 = arith.muli %shift_right_arithmetic3A_55, %mul3A_56 : i32
    %multiple_of3A_58 = tpu.assume_multiple %mul3A_57, 128 : i32
    %dma_start3A_59 = arith.constant 96 : i32
    %dma_start3A_60 = arith.constant 0 : i32
    %dma_start3A_61 = tpu.memref_slice %arg6[%dma_start3A_59, %dma_start3A_60] : memref<512x128xf32, #tpu.memory_space<vmem>> -> memref<32x128xf32, #tpu.memory_space<vmem>>
    %dma_start3A_62 = arith.constant 0 : i32
    %dma_start3A_63 = tpu.memref_slice %arg3[%dma_start3A_62, %multiple_of3A_58] : memref<32x1000000xf32, #tpu.memory_space<hbm>> -> memref<32x128xf32, #tpu.memory_space<hbm>>
    %dma_start3A_64 = arith.constant 96 : i32
    %dma_start3A_65 = arith.constant 0 : i32
    %dma_start3A_66 = tpu.memref_slice %arg6[%dma_start3A_64, %dma_start3A_65] : memref<512x128xf32, #tpu.memory_space<vmem>> -> memref<32x128xf32, #tpu.memory_space<vmem>>
    %dma_start3A_67 = arith.constant 0 : i32
    %dma_start3A_68 = tpu.memref_slice %arg3[%dma_start3A_67, %multiple_of3A_58] : memref<32x1000000xf32, #tpu.memory_space<hbm>> -> memref<32x128xf32, #tpu.memory_space<hbm>>
    tpu.enqueue_dma source(%dma_start3A_68 : memref<32x128xf32, #tpu.memory_space<hbm>>) target(%dma_start3A_66 : memref<32x128xf32, #tpu.memory_space<vmem>>) target_semaphore(%arg8 : memref<!tpu.dma_semaphore, #tpu.memory_space<semaphore_mem>>)
    %slice3A_69 = vector.extract_strided_slice %get3A_5 {offsets = [4], sizes = [1], strides = [1]} : vector<16xi32> to vector<1xi32>
    %squeeze3A_70 = vector.extract %slice3A_69[0] : i32 from vector<1xi32>
    %shift_right_arithmetic3A_71 = arith.constant 7 : i32
    %shift_right_arithmetic3A_72 = arith.shrsi %squeeze3A_70, %shift_right_arithmetic3A_71 : i32
    %mul3A_73 = arith.constant 128 : i32
    %mul3A_74 = arith.muli %shift_right_arithmetic3A_72, %mul3A_73 : i32
    %multiple_of3A_75 = tpu.assume_multiple %mul3A_74, 128 : i32
    %dma_start3A_76 = arith.constant 128 : i32
    %dma_start3A_77 = arith.constant 0 : i32
    %dma_start3A_78 = tpu.memref_slice %arg6[%dma_start3A_76, %dma_start3A_77] : memref<512x128xf32, #tpu.memory_space<vmem>> -> memref<32x128xf32, #tpu.memory_space<vmem>>
    %dma_start3A_79 = arith.constant 0 : i32
    %dma_start3A_80 = tpu.memref_slice %arg3[%dma_start3A_79, %multiple_of3A_75] : memref<32x1000000xf32, #tpu.memory_space<hbm>> -> memref<32x128xf32, #tpu.memory_space<hbm>>
    %dma_start3A_81 = arith.constant 128 : i32
    %dma_start3A_82 = arith.constant 0 : i32
    %dma_start3A_83 = tpu.memref_slice %arg6[%dma_start3A_81, %dma_start3A_82] : memref<512x128xf32, #tpu.memory_space<vmem>> -> memref<32x128xf32, #tpu.memory_space<vmem>>
    %dma_start3A_84 = arith.constant 0 : i32
    %dma_start3A_85 = tpu.memref_slice %arg3[%dma_start3A_84, %multiple_of3A_75] : memref<32x1000000xf32, #tpu.memory_space<hbm>> -> memref<32x128xf32, #tpu.memory_space<hbm>>
    tpu.enqueue_dma source(%dma_start3A_85 : memref<32x128xf32, #tpu.memory_space<hbm>>) target(%dma_start3A_83 : memref<32x128xf32, #tpu.memory_space<vmem>>) target_semaphore(%arg8 : memref<!tpu.dma_semaphore, #tpu.memory_space<semaphore_mem>>)
    %slice3A_86 = vector.extract_strided_slice %get3A_5 {offsets = [5], sizes = [1], strides = [1]} : vector<16xi32> to vector<1xi32>
    %squeeze3A_87 = vector.extract %slice3A_86[0] : i32 from vector<1xi32>
    %shift_right_arithmetic3A_88 = arith.constant 7 : i32
    %shift_right_arithmetic3A_89 = arith.shrsi %squeeze3A_87, %shift_right_arithmetic3A_88 : i32
    %mul3A_90 = arith.constant 128 : i32
    %mul3A_91 = arith.muli %shift_right_arithmetic3A_89, %mul3A_90 : i32
    %multiple_of3A_92 = tpu.assume_multiple %mul3A_91, 128 : i32
    %dma_start3A_93 = arith.constant 160 : i32
    %dma_start3A_94 = arith.constant 0 : i32
    %dma_start3A_95 = tpu.memref_slice %arg6[%dma_start3A_93, %dma_start3A_94] : memref<512x128xf32, #tpu.memory_space<vmem>> -> memref<32x128xf32, #tpu.memory_space<vmem>>
    %dma_start3A_96 = arith.constant 0 : i32
    %dma_start3A_97 = tpu.memref_slice %arg3[%dma_start3A_96, %multiple_of3A_92] : memref<32x1000000xf32, #tpu.memory_space<hbm>> -> memref<32x128xf32, #tpu.memory_space<hbm>>
    %dma_start3A_98 = arith.constant 160 : i32
    %dma_start3A_99 = arith.constant 0 : i32
    %dma_start3A_100 = tpu.memref_slice %arg6[%dma_start3A_98, %dma_start3A_99] : memref<512x128xf32, #tpu.memory_space<vmem>> -> memref<32x128xf32, #tpu.memory_space<vmem>>
    %dma_start3A_101 = arith.constant 0 : i32
    %dma_start3A_102 = tpu.memref_slice %arg3[%dma_start3A_101, %multiple_of3A_92] : memref<32x1000000xf32, #tpu.memory_space<hbm>> -> memref<32x128xf32, #tpu.memory_space<hbm>>
    tpu.enqueue_dma source(%dma_start3A_102 : memref<32x128xf32, #tpu.memory_space<hbm>>) target(%dma_start3A_100 : memref<32x128xf32, #tpu.memory_space<vmem>>) target_semaphore(%arg8 : memref<!tpu.dma_semaphore, #tpu.memory_space<semaphore_mem>>)
    %slice3A_103 = vector.extract_strided_slice %get3A_5 {offsets = [6], sizes = [1], strides = [1]} : vector<16xi32> to vector<1xi32>
    %squeeze3A_104 = vector.extract %slice3A_103[0] : i32 from vector<1xi32>
    %shift_right_arithmetic3A_105 = arith.constant 7 : i32
    %shift_right_arithmetic3A_106 = arith.shrsi %squeeze3A_104, %shift_right_arithmetic3A_105 : i32
    %mul3A_107 = arith.constant 128 : i32
    %mul3A_108 = arith.muli %shift_right_arithmetic3A_106, %mul3A_107 : i32
    %multiple_of3A_109 = tpu.assume_multiple %mul3A_108, 128 : i32
    %dma_start3A_110 = arith.constant 192 : i32
    %dma_start3A_111 = arith.constant 0 : i32
    %dma_start3A_112 = tpu.memref_slice %arg6[%dma_start3A_110, %dma_start3A_111] : memref<512x128xf32, #tpu.memory_space<vmem>> -> memref<32x128xf32, #tpu.memory_space<vmem>>
    %dma_start3A_113 = arith.constant 0 : i32
    %dma_start3A_114 = tpu.memref_slice %arg3[%dma_start3A_113, %multiple_of3A_109] : memref<32x1000000xf32, #tpu.memory_space<hbm>> -> memref<32x128xf32, #tpu.memory_space<hbm>>
    %dma_start3A_115 = arith.constant 192 : i32
    %dma_start3A_116 = arith.constant 0 : i32
    %dma_start3A_117 = tpu.memref_slice %arg6[%dma_start3A_115, %dma_start3A_116] : memref<512x128xf32, #tpu.memory_space<vmem>> -> memref<32x128xf32, #tpu.memory_space<vmem>>
    %dma_start3A_118 = arith.constant 0 : i32
    %dma_start3A_119 = tpu.memref_slice %arg3[%dma_start3A_118, %multiple_of3A_109] : memref<32x1000000xf32, #tpu.memory_space<hbm>> -> memref<32x128xf32, #tpu.memory_space<hbm>>
    tpu.enqueue_dma source(%dma_start3A_119 : memref<32x128xf32, #tpu.memory_space<hbm>>) target(%dma_start3A_117 : memref<32x128xf32, #tpu.memory_space<vmem>>) target_semaphore(%arg8 : memref<!tpu.dma_semaphore, #tpu.memory_space<semaphore_mem>>)
    %slice3A_120 = vector.extract_strided_slice %get3A_5 {offsets = [7], sizes = [1], strides = [1]} : vector<16xi32> to vector<1xi32>
    %squeeze3A_121 = vector.extract %slice3A_120[0] : i32 from vector<1xi32>
    %shift_right_arithmetic3A_122 = arith.constant 7 : i32
    %shift_right_arithmetic3A_123 = arith.shrsi %squeeze3A_121, %shift_right_arithmetic3A_122 : i32
    %mul3A_124 = arith.constant 128 : i32
    %mul3A_125 = arith.muli %shift_right_arithmetic3A_123, %mul3A_124 : i32
    %multiple_of3A_126 = tpu.assume_multiple %mul3A_125, 128 : i32
    %dma_start3A_127 = arith.constant 224 : i32
    %dma_start3A_128 = arith.constant 0 : i32
    %dma_start3A_129 = tpu.memref_slice %arg6[%dma_start3A_127, %dma_start3A_128] : memref<512x128xf32, #tpu.memory_space<vmem>> -> memref<32x128xf32, #tpu.memory_space<vmem>>
    %dma_start3A_130 = arith.constant 0 : i32
    %dma_start3A_131 = tpu.memref_slice %arg3[%dma_start3A_130, %multiple_of3A_126] : memref<32x1000000xf32, #tpu.memory_space<hbm>> -> memref<32x128xf32, #tpu.memory_space<hbm>>
    %dma_start3A_132 = arith.constant 224 : i32
    %dma_start3A_133 = arith.constant 0 : i32
    %dma_start3A_134 = tpu.memref_slice %arg6[%dma_start3A_132, %dma_start3A_133] : memref<512x128xf32, #tpu.memory_space<vmem>> -> memref<32x128xf32, #tpu.memory_space<vmem>>
    %dma_start3A_135 = arith.constant 0 : i32
    %dma_start3A_136 = tpu.memref_slice %arg3[%dma_start3A_135, %multiple_of3A_126] : memref<32x1000000xf32, #tpu.memory_space<hbm>> -> memref<32x128xf32, #tpu.memory_space<hbm>>
    tpu.enqueue_dma source(%dma_start3A_136 : memref<32x128xf32, #tpu.memory_space<hbm>>) target(%dma_start3A_134 : memref<32x128xf32, #tpu.memory_space<vmem>>) target_semaphore(%arg8 : memref<!tpu.dma_semaphore, #tpu.memory_space<semaphore_mem>>)
    %scan3A = arith.constant 0 : i32
    %scan3A_137 = arith.constant 0 : i32
    %scan3A_138 = arith.constant 32 : i32
    %scan3A_139 = arith.addi %scan3A_137, %scan3A_138 : i32
    %scan3A_140 = arith.constant 1 : i32
    %scan3A_141 = scf.for %scan3A_750 = %scan3A_137 to %scan3A_139 step %scan3A_140 iter_args(%scan3A_751 = %scan3A) -> (i32)  : i32 {
      %mul3A_752 = arith.constant 16 : i32
      %mul3A_753 = arith.muli %scan3A_750, %mul3A_752 : i32
      %get3A_754 = arith.index_cast %mul3A_753 : i32 to index
      %get3A_755 = tpu.vector_load %arg5[%get3A_754] {strides = array<i32>} : memref<512xi32, #tpu.memory_space<vmem>>, vector<16xi32>,
      %add3A_756 = arith.constant 1 : i32
      %add3A_757 = arith.addi %scan3A_750, %add3A_756 : i32
      %mul3A_758 = arith.constant 16 : i32
      %mul3A_759 = arith.muli %add3A_757, %mul3A_758 : i32
      %min3A = arith.constant 496 : i32
      %min3A_760 = arith.minsi %mul3A_759, %min3A : i32
      %multiple_of3A_761 = tpu.assume_multiple %min3A_760, 16 : i32
      %get3A_762 = arith.index_cast %multiple_of3A_761 : i32 to index
      %get3A_763 = tpu.vector_load %arg5[%get3A_762] {strides = array<i32>} : memref<512xi32, #tpu.memory_space<vmem>>, vector<16xi32>,
      %slice3A_764 = vector.extract_strided_slice %get3A_755 {offsets = [8], sizes = [1], strides = [1]} : vector<16xi32> to vector<1xi32>
      %squeeze3A_765 = vector.extract %slice3A_764[0] : i32 from vector<1xi32>
      %shift_right_arithmetic3A_766 = arith.constant 7 : i32
      %shift_right_arithmetic3A_767 = arith.shrsi %squeeze3A_765, %shift_right_arithmetic3A_766 : i32
      %mul3A_768 = arith.constant 128 : i32
      %mul3A_769 = arith.muli %shift_right_arithmetic3A_767, %mul3A_768 : i32
      %multiple_of3A_770 = tpu.assume_multiple %mul3A_769, 128 : i32
      %dma_start3A_771 = arith.constant 256 : i32
      %dma_start3A_772 = arith.constant 0 : i32
      %dma_start3A_773 = tpu.memref_slice %arg6[%dma_start3A_771, %dma_start3A_772] : memref<512x128xf32, #tpu.memory_space<vmem>> -> memref<32x128xf32, #tpu.memory_space<vmem>>
      %dma_start3A_774 = arith.constant 0 : i32
      %dma_start3A_775 = tpu.memref_slice %arg3[%dma_start3A_774, %multiple_of3A_770] : memref<32x1000000xf32, #tpu.memory_space<hbm>> -> memref<32x128xf32, #tpu.memory_space<hbm>>
      %dma_start3A_776 = arith.constant 256 : i32
      %dma_start3A_777 = arith.constant 0 : i32
      %dma_start3A_778 = tpu.memref_slice %arg6[%dma_start3A_776, %dma_start3A_777] : memref<512x128xf32, #tpu.memory_space<vmem>> -> memref<32x128xf32, #tpu.memory_space<vmem>>
      %dma_start3A_779 = arith.constant 0 : i32
      %dma_start3A_780 = tpu.memref_slice %arg3[%dma_start3A_779, %multiple_of3A_770] : memref<32x1000000xf32, #tpu.memory_space<hbm>> -> memref<32x128xf32, #tpu.memory_space<hbm>>
      tpu.enqueue_dma source(%dma_start3A_780 : memref<32x128xf32, #tpu.memory_space<hbm>>) target(%dma_start3A_778 : memref<32x128xf32, #tpu.memory_space<vmem>>) target_semaphore(%arg9 : memref<!tpu.dma_semaphore, #tpu.memory_space<semaphore_mem>>)
      %slice3A_781 = vector.extract_strided_slice %get3A_755 {offsets = [9], sizes = [1], strides = [1]} : vector<16xi32> to vector<1xi32>
      %squeeze3A_782 = vector.extract %slice3A_781[0] : i32 from vector<1xi32>
      %shift_right_arithmetic3A_783 = arith.constant 7 : i32
      %shift_right_arithmetic3A_784 = arith.shrsi %squeeze3A_782, %shift_right_arithmetic3A_783 : i32
      %mul3A_785 = arith.constant 128 : i32
      %mul3A_786 = arith.muli %shift_right_arithmetic3A_784, %mul3A_785 : i32
      %multiple_of3A_787 = tpu.assume_multiple %mul3A_786, 128 : i32
      %dma_start3A_788 = arith.constant 288 : i32
      %dma_start3A_789 = arith.constant 0 : i32
      %dma_start3A_790 = tpu.memref_slice %arg6[%dma_start3A_788, %dma_start3A_789] : memref<512x128xf32, #tpu.memory_space<vmem>> -> memref<32x128xf32, #tpu.memory_space<vmem>>
      %dma_start3A_791 = arith.constant 0 : i32
      %dma_start3A_792 = tpu.memref_slice %arg3[%dma_start3A_791, %multiple_of3A_787] : memref<32x1000000xf32, #tpu.memory_space<hbm>> -> memref<32x128xf32, #tpu.memory_space<hbm>>
      %dma_start3A_793 = arith.constant 288 : i32
      %dma_start3A_794 = arith.constant 0 : i32
      %dma_start3A_795 = tpu.memref_slice %arg6[%dma_start3A_793, %dma_start3A_794] : memref<512x128xf32, #tpu.memory_space<vmem>> -> memref<32x128xf32, #tpu.memory_space<vmem>>
      %dma_start3A_796 = arith.constant 0 : i32
      %dma_start3A_797 = tpu.memref_slice %arg3[%dma_start3A_796, %multiple_of3A_787] : memref<32x1000000xf32, #tpu.memory_space<hbm>> -> memref<32x128xf32, #tpu.memory_space<hbm>>
      tpu.enqueue_dma source(%dma_start3A_797 : memref<32x128xf32, #tpu.memory_space<hbm>>) target(%dma_start3A_795 : memref<32x128xf32, #tpu.memory_space<vmem>>) target_semaphore(%arg9 : memref<!tpu.dma_semaphore, #tpu.memory_space<semaphore_mem>>)
      %slice3A_798 = vector.extract_strided_slice %get3A_755 {offsets = [10], sizes = [1], strides = [1]} : vector<16xi32> to vector<1xi32>
      %squeeze3A_799 = vector.extract %slice3A_798[0] : i32 from vector<1xi32>
      %shift_right_arithmetic3A_800 = arith.constant 7 : i32
      %shift_right_arithmetic3A_801 = arith.shrsi %squeeze3A_799, %shift_right_arithmetic3A_800 : i32
      %mul3A_802 = arith.constant 128 : i32
      %mul3A_803 = arith.muli %shift_right_arithmetic3A_801, %mul3A_802 : i32
      %multiple_of3A_804 = tpu.assume_multiple %mul3A_803, 128 : i32
      %dma_start3A_805 = arith.constant 320 : i32
      %dma_start3A_806 = arith.constant 0 : i32
      %dma_start3A_807 = tpu.memref_slice %arg6[%dma_start3A_805, %dma_start3A_806] : memref<512x128xf32, #tpu.memory_space<vmem>> -> memref<32x128xf32, #tpu.memory_space<vmem>>
      %dma_start3A_808 = arith.constant 0 : i32
      %dma_start3A_809 = tpu.memref_slice %arg3[%dma_start3A_808, %multiple_of3A_804] : memref<32x1000000xf32, #tpu.memory_space<hbm>> -> memref<32x128xf32, #tpu.memory_space<hbm>>
      %dma_start3A_810 = arith.constant 320 : i32
      %dma_start3A_811 = arith.constant 0 : i32
      %dma_start3A_812 = tpu.memref_slice %arg6[%dma_start3A_810, %dma_start3A_811] : memref<512x128xf32, #tpu.memory_space<vmem>> -> memref<32x128xf32, #tpu.memory_space<vmem>>
      %dma_start3A_813 = arith.constant 0 : i32
      %dma_start3A_814 = tpu.memref_slice %arg3[%dma_start3A_813, %multiple_of3A_804] : memref<32x1000000xf32, #tpu.memory_space<hbm>> -> memref<32x128xf32, #tpu.memory_space<hbm>>
      tpu.enqueue_dma source(%dma_start3A_814 : memref<32x128xf32, #tpu.memory_space<hbm>>) target(%dma_start3A_812 : memref<32x128xf32, #tpu.memory_space<vmem>>) target_semaphore(%arg9 : memref<!tpu.dma_semaphore, #tpu.memory_space<semaphore_mem>>)
      %slice3A_815 = vector.extract_strided_slice %get3A_755 {offsets = [11], sizes = [1], strides = [1]} : vector<16xi32> to vector<1xi32>
      %squeeze3A_816 = vector.extract %slice3A_815[0] : i32 from vector<1xi32>
      %shift_right_arithmetic3A_817 = arith.constant 7 : i32
      %shift_right_arithmetic3A_818 = arith.shrsi %squeeze3A_816, %shift_right_arithmetic3A_817 : i32
      %mul3A_819 = arith.constant 128 : i32
      %mul3A_820 = arith.muli %shift_right_arithmetic3A_818, %mul3A_819 : i32
      %multiple_of3A_821 = tpu.assume_multiple %mul3A_820, 128 : i32
      %dma_start3A_822 = arith.constant 352 : i32
      %dma_start3A_823 = arith.constant 0 : i32
      %dma_start3A_824 = tpu.memref_slice %arg6[%dma_start3A_822, %dma_start3A_823] : memref<512x128xf32, #tpu.memory_space<vmem>> -> memref<32x128xf32, #tpu.memory_space<vmem>>
      %dma_start3A_825 = arith.constant 0 : i32
      %dma_start3A_826 = tpu.memref_slice %arg3[%dma_start3A_825, %multiple_of3A_821] : memref<32x1000000xf32, #tpu.memory_space<hbm>> -> memref<32x128xf32, #tpu.memory_space<hbm>>
      %dma_start3A_827 = arith.constant 352 : i32
      %dma_start3A_828 = arith.constant 0 : i32
      %dma_start3A_829 = tpu.memref_slice %arg6[%dma_start3A_827, %dma_start3A_828] : memref<512x128xf32, #tpu.memory_space<vmem>> -> memref<32x128xf32, #tpu.memory_space<vmem>>
      %dma_start3A_830 = arith.constant 0 : i32
      %dma_start3A_831 = tpu.memref_slice %arg3[%dma_start3A_830, %multiple_of3A_821] : memref<32x1000000xf32, #tpu.memory_space<hbm>> -> memref<32x128xf32, #tpu.memory_space<hbm>>
      tpu.enqueue_dma source(%dma_start3A_831 : memref<32x128xf32, #tpu.memory_space<hbm>>) target(%dma_start3A_829 : memref<32x128xf32, #tpu.memory_space<vmem>>) target_semaphore(%arg9 : memref<!tpu.dma_semaphore, #tpu.memory_space<semaphore_mem>>)
      %slice3A_832 = vector.extract_strided_slice %get3A_755 {offsets = [12], sizes = [1], strides = [1]} : vector<16xi32> to vector<1xi32>
      %squeeze3A_833 = vector.extract %slice3A_832[0] : i32 from vector<1xi32>
      %shift_right_arithmetic3A_834 = arith.constant 7 : i32
      %shift_right_arithmetic3A_835 = arith.shrsi %squeeze3A_833, %shift_right_arithmetic3A_834 : i32
      %mul3A_836 = arith.constant 128 : i32
      %mul3A_837 = arith.muli %shift_right_arithmetic3A_835, %mul3A_836 : i32
      %multiple_of3A_838 = tpu.assume_multiple %mul3A_837, 128 : i32
      %dma_start3A_839 = arith.constant 384 : i32
      %dma_start3A_840 = arith.constant 0 : i32
      %dma_start3A_841 = tpu.memref_slice %arg6[%dma_start3A_839, %dma_start3A_840] : memref<512x128xf32, #tpu.memory_space<vmem>> -> memref<32x128xf32, #tpu.memory_space<vmem>>
      %dma_start3A_842 = arith.constant 0 : i32
      %dma_start3A_843 = tpu.memref_slice %arg3[%dma_start3A_842, %multiple_of3A_838] : memref<32x1000000xf32, #tpu.memory_space<hbm>> -> memref<32x128xf32, #tpu.memory_space<hbm>>
      %dma_start3A_844 = arith.constant 384 : i32
      %dma_start3A_845 = arith.constant 0 : i32
      %dma_start3A_846 = tpu.memref_slice %arg6[%dma_start3A_844, %dma_start3A_845] : memref<512x128xf32, #tpu.memory_space<vmem>> -> memref<32x128xf32, #tpu.memory_space<vmem>>
      %dma_start3A_847 = arith.constant 0 : i32
      %dma_start3A_848 = tpu.memref_slice %arg3[%dma_start3A_847, %multiple_of3A_838] : memref<32x1000000xf32, #tpu.memory_space<hbm>> -> memref<32x128xf32, #tpu.memory_space<hbm>>
      tpu.enqueue_dma source(%dma_start3A_848 : memref<32x128xf32, #tpu.memory_space<hbm>>) target(%dma_start3A_846 : memref<32x128xf32, #tpu.memory_space<vmem>>) target_semaphore(%arg9 : memref<!tpu.dma_semaphore, #tpu.memory_space<semaphore_mem>>)
      %slice3A_849 = vector.extract_strided_slice %get3A_755 {offsets = [13], sizes = [1], strides = [1]} : vector<16xi32> to vector<1xi32>
      %squeeze3A_850 = vector.extract %slice3A_849[0] : i32 from vector<1xi32>
      %shift_right_arithmetic3A_851 = arith.constant 7 : i32
      %shift_right_arithmetic3A_852 = arith.shrsi %squeeze3A_850, %shift_right_arithmetic3A_851 : i32
      %mul3A_853 = arith.constant 128 : i32
      %mul3A_854 = arith.muli %shift_right_arithmetic3A_852, %mul3A_853 : i32
      %multiple_of3A_855 = tpu.assume_multiple %mul3A_854, 128 : i32
      %dma_start3A_856 = arith.constant 416 : i32
      %dma_start3A_857 = arith.constant 0 : i32
      %dma_start3A_858 = tpu.memref_slice %arg6[%dma_start3A_856, %dma_start3A_857] : memref<512x128xf32, #tpu.memory_space<vmem>> -> memref<32x128xf32, #tpu.memory_space<vmem>>
      %dma_start3A_859 = arith.constant 0 : i32
      %dma_start3A_860 = tpu.memref_slice %arg3[%dma_start3A_859, %multiple_of3A_855] : memref<32x1000000xf32, #tpu.memory_space<hbm>> -> memref<32x128xf32, #tpu.memory_space<hbm>>
      %dma_start3A_861 = arith.constant 416 : i32
      %dma_start3A_862 = arith.constant 0 : i32
      %dma_start3A_863 = tpu.memref_slice %arg6[%dma_start3A_861, %dma_start3A_862] : memref<512x128xf32, #tpu.memory_space<vmem>> -> memref<32x128xf32, #tpu.memory_space<vmem>>
      %dma_start3A_864 = arith.constant 0 : i32
      %dma_start3A_865 = tpu.memref_slice %arg3[%dma_start3A_864, %multiple_of3A_855] : memref<32x1000000xf32, #tpu.memory_space<hbm>> -> memref<32x128xf32, #tpu.memory_space<hbm>>
      tpu.enqueue_dma source(%dma_start3A_865 : memref<32x128xf32, #tpu.memory_space<hbm>>) target(%dma_start3A_863 : memref<32x128xf32, #tpu.memory_space<vmem>>) target_semaphore(%arg9 : memref<!tpu.dma_semaphore, #tpu.memory_space<semaphore_mem>>)
      %slice3A_866 = vector.extract_strided_slice %get3A_755 {offsets = [14], sizes = [1], strides = [1]} : vector<16xi32> to vector<1xi32>
      %squeeze3A_867 = vector.extract %slice3A_866[0] : i32 from vector<1xi32>
      %shift_right_arithmetic3A_868 = arith.constant 7 : i32
      %shift_right_arithmetic3A_869 = arith.shrsi %squeeze3A_867, %shift_right_arithmetic3A_868 : i32
      %mul3A_870 = arith.constant 128 : i32
      %mul3A_871 = arith.muli %shift_right_arithmetic3A_869, %mul3A_870 : i32
      %multiple_of3A_872 = tpu.assume_multiple %mul3A_871, 128 : i32
      %dma_start3A_873 = arith.constant 448 : i32
      %dma_start3A_874 = arith.constant 0 : i32
      %dma_start3A_875 = tpu.memref_slice %arg6[%dma_start3A_873, %dma_start3A_874] : memref<512x128xf32, #tpu.memory_space<vmem>> -> memref<32x128xf32, #tpu.memory_space<vmem>>
      %dma_start3A_876 = arith.constant 0 : i32
      %dma_start3A_877 = tpu.memref_slice %arg3[%dma_start3A_876, %multiple_of3A_872] : memref<32x1000000xf32, #tpu.memory_space<hbm>> -> memref<32x128xf32, #tpu.memory_space<hbm>>
      %dma_start3A_878 = arith.constant 448 : i32
      %dma_start3A_879 = arith.constant 0 : i32
      %dma_start3A_880 = tpu.memref_slice %arg6[%dma_start3A_878, %dma_start3A_879] : memref<512x128xf32, #tpu.memory_space<vmem>> -> memref<32x128xf32, #tpu.memory_space<vmem>>
      %dma_start3A_881 = arith.constant 0 : i32
      %dma_start3A_882 = tpu.memref_slice %arg3[%dma_start3A_881, %multiple_of3A_872] : memref<32x1000000xf32, #tpu.memory_space<hbm>> -> memref<32x128xf32, #tpu.memory_space<hbm>>
      tpu.enqueue_dma source(%dma_start3A_882 : memref<32x128xf32, #tpu.memory_space<hbm>>) target(%dma_start3A_880 : memref<32x128xf32, #tpu.memory_space<vmem>>) target_semaphore(%arg9 : memref<!tpu.dma_semaphore, #tpu.memory_space<semaphore_mem>>)
      %slice3A_883 = vector.extract_strided_slice %get3A_755 {offsets = [15], sizes = [1], strides = [1]} : vector<16xi32> to vector<1xi32>
      %squeeze3A_884 = vector.extract %slice3A_883[0] : i32 from vector<1xi32>
      %shift_right_arithmetic3A_885 = arith.constant 7 : i32
      %shift_right_arithmetic3A_886 = arith.shrsi %squeeze3A_884, %shift_right_arithmetic3A_885 : i32
      %mul3A_887 = arith.constant 128 : i32
      %mul3A_888 = arith.muli %shift_right_arithmetic3A_886, %mul3A_887 : i32
      %multiple_of3A_889 = tpu.assume_multiple %mul3A_888, 128 : i32
      %dma_start3A_890 = arith.constant 480 : i32
      %dma_start3A_891 = arith.constant 0 : i32
      %dma_start3A_892 = tpu.memref_slice %arg6[%dma_start3A_890, %dma_start3A_891] : memref<512x128xf32, #tpu.memory_space<vmem>> -> memref<32x128xf32, #tpu.memory_space<vmem>>
      %dma_start3A_893 = arith.constant 0 : i32
      %dma_start3A_894 = tpu.memref_slice %arg3[%dma_start3A_893, %multiple_of3A_889] : memref<32x1000000xf32, #tpu.memory_space<hbm>> -> memref<32x128xf32, #tpu.memory_space<hbm>>
      %dma_start3A_895 = arith.constant 480 : i32
      %dma_start3A_896 = arith.constant 0 : i32
      %dma_start3A_897 = tpu.memref_slice %arg6[%dma_start3A_895, %dma_start3A_896] : memref<512x128xf32, #tpu.memory_space<vmem>> -> memref<32x128xf32, #tpu.memory_space<vmem>>
      %dma_start3A_898 = arith.constant 0 : i32
      %dma_start3A_899 = tpu.memref_slice %arg3[%dma_start3A_898, %multiple_of3A_889] : memref<32x1000000xf32, #tpu.memory_space<hbm>> -> memref<32x128xf32, #tpu.memory_space<hbm>>
      tpu.enqueue_dma source(%dma_start3A_899 : memref<32x128xf32, #tpu.memory_space<hbm>>) target(%dma_start3A_897 : memref<32x128xf32, #tpu.memory_space<vmem>>) target_semaphore(%arg9 : memref<!tpu.dma_semaphore, #tpu.memory_space<semaphore_mem>>)
      %dma_wait3A_900 = arith.constant 0 : i32
      %dma_wait3A_901 = arith.constant 0 : i32
      %dma_wait3A_902 = tpu.memref_slice %arg6[%dma_wait3A_900, %dma_wait3A_901] : memref<512x128xf32, #tpu.memory_space<vmem>> -> memref<32x128xf32, #tpu.memory_space<vmem>>
      %dma_wait3A_903 = arith.constant 0 : i32
      %dma_wait3A_904 = arith.constant 0 : i32
      %dma_wait3A_905 = tpu.memref_slice %arg3[%dma_wait3A_903, %dma_wait3A_904] : memref<32x1000000xf32, #tpu.memory_space<hbm>> -> memref<32x128xf32, #tpu.memory_space<hbm>>
      %dma_wait3A_906 = arith.constant 0 : i32
      %dma_wait3A_907 = arith.constant 0 : i32
      %dma_wait3A_908 = tpu.memref_slice %arg6[%dma_wait3A_906, %dma_wait3A_907] : memref<512x128xf32, #tpu.memory_space<vmem>> -> memref<32x128xf32, #tpu.memory_space<vmem>>
      %dma_wait3A_909 = arith.constant 0 : i32
      %dma_wait3A_910 = arith.constant 0 : i32
      %dma_wait3A_911 = tpu.memref_slice %arg3[%dma_wait3A_909, %dma_wait3A_910] : memref<32x1000000xf32, #tpu.memory_space<hbm>> -> memref<32x128xf32, #tpu.memory_space<hbm>>
      tpu.wait_dma2 semaphore(%arg8 : memref<!tpu.dma_semaphore, #tpu.memory_space<semaphore_mem>>) src(%dma_wait3A_911 : memref<32x128xf32, #tpu.memory_space<hbm>>) dst(%dma_wait3A_908 : memref<32x128xf32, #tpu.memory_space<vmem>>)
      %dma_wait3A_912 = arith.constant 0 : i32
      %dma_wait3A_913 = arith.constant 0 : i32
      %dma_wait3A_914 = tpu.memref_slice %arg6[%dma_wait3A_912, %dma_wait3A_913] : memref<512x128xf32, #tpu.memory_space<vmem>> -> memref<32x128xf32, #tpu.memory_space<vmem>>
      %dma_wait3A_915 = arith.constant 0 : i32
      %dma_wait3A_916 = arith.constant 0 : i32
      %dma_wait3A_917 = tpu.memref_slice %arg3[%dma_wait3A_915, %dma_wait3A_916] : memref<32x1000000xf32, #tpu.memory_space<hbm>> -> memref<32x128xf32, #tpu.memory_space<hbm>>
      %dma_wait3A_918 = arith.constant 0 : i32
      %dma_wait3A_919 = arith.constant 0 : i32
      %dma_wait3A_920 = tpu.memref_slice %arg6[%dma_wait3A_918, %dma_wait3A_919] : memref<512x128xf32, #tpu.memory_space<vmem>> -> memref<32x128xf32, #tpu.memory_space<vmem>>
      %dma_wait3A_921 = arith.constant 0 : i32
      %dma_wait3A_922 = arith.constant 0 : i32
      %dma_wait3A_923 = tpu.memref_slice %arg3[%dma_wait3A_921, %dma_wait3A_922] : memref<32x1000000xf32, #tpu.memory_space<hbm>> -> memref<32x128xf32, #tpu.memory_space<hbm>>
      tpu.wait_dma2 semaphore(%arg8 : memref<!tpu.dma_semaphore, #tpu.memory_space<semaphore_mem>>) src(%dma_wait3A_923 : memref<32x128xf32, #tpu.memory_space<hbm>>) dst(%dma_wait3A_920 : memref<32x128xf32, #tpu.memory_space<vmem>>)
      %dma_wait3A_924 = arith.constant 0 : i32
      %dma_wait3A_925 = arith.constant 0 : i32
      %dma_wait3A_926 = tpu.memref_slice %arg6[%dma_wait3A_924, %dma_wait3A_925] : memref<512x128xf32, #tpu.memory_space<vmem>> -> memref<32x128xf32, #tpu.memory_space<vmem>>
      %dma_wait3A_927 = arith.constant 0 : i32
      %dma_wait3A_928 = arith.constant 0 : i32
      %dma_wait3A_929 = tpu.memref_slice %arg3[%dma_wait3A_927, %dma_wait3A_928] : memref<32x1000000xf32, #tpu.memory_space<hbm>> -> memref<32x128xf32, #tpu.memory_space<hbm>>
      %dma_wait3A_930 = arith.constant 0 : i32
      %dma_wait3A_931 = arith.constant 0 : i32
      %dma_wait3A_932 = tpu.memref_slice %arg6[%dma_wait3A_930, %dma_wait3A_931] : memref<512x128xf32, #tpu.memory_space<vmem>> -> memref<32x128xf32, #tpu.memory_space<vmem>>
      %dma_wait3A_933 = arith.constant 0 : i32
      %dma_wait3A_934 = arith.constant 0 : i32
      %dma_wait3A_935 = tpu.memref_slice %arg3[%dma_wait3A_933, %dma_wait3A_934] : memref<32x1000000xf32, #tpu.memory_space<hbm>> -> memref<32x128xf32, #tpu.memory_space<hbm>>
      tpu.wait_dma2 semaphore(%arg8 : memref<!tpu.dma_semaphore, #tpu.memory_space<semaphore_mem>>) src(%dma_wait3A_935 : memref<32x128xf32, #tpu.memory_space<hbm>>) dst(%dma_wait3A_932 : memref<32x128xf32, #tpu.memory_space<vmem>>)
      %dma_wait3A_936 = arith.constant 0 : i32
      %dma_wait3A_937 = arith.constant 0 : i32
      %dma_wait3A_938 = tpu.memref_slice %arg6[%dma_wait3A_936, %dma_wait3A_937] : memref<512x128xf32, #tpu.memory_space<vmem>> -> memref<32x128xf32, #tpu.memory_space<vmem>>
      %dma_wait3A_939 = arith.constant 0 : i32
      %dma_wait3A_940 = arith.constant 0 : i32
      %dma_wait3A_941 = tpu.memref_slice %arg3[%dma_wait3A_939, %dma_wait3A_940] : memref<32x1000000xf32, #tpu.memory_space<hbm>> -> memref<32x128xf32, #tpu.memory_space<hbm>>
      %dma_wait3A_942 = arith.constant 0 : i32
      %dma_wait3A_943 = arith.constant 0 : i32
      %dma_wait3A_944 = tpu.memref_slice %arg6[%dma_wait3A_942, %dma_wait3A_943] : memref<512x128xf32, #tpu.memory_space<vmem>> -> memref<32x128xf32, #tpu.memory_space<vmem>>
      %dma_wait3A_945 = arith.constant 0 : i32
      %dma_wait3A_946 = arith.constant 0 : i32
      %dma_wait3A_947 = tpu.memref_slice %arg3[%dma_wait3A_945, %dma_wait3A_946] : memref<32x1000000xf32, #tpu.memory_space<hbm>> -> memref<32x128xf32, #tpu.memory_space<hbm>>
      tpu.wait_dma2 semaphore(%arg8 : memref<!tpu.dma_semaphore, #tpu.memory_space<semaphore_mem>>) src(%dma_wait3A_947 : memref<32x128xf32, #tpu.memory_space<hbm>>) dst(%dma_wait3A_944 : memref<32x128xf32, #tpu.memory_space<vmem>>)
      %dma_wait3A_948 = arith.constant 0 : i32
      %dma_wait3A_949 = arith.constant 0 : i32
      %dma_wait3A_950 = tpu.memref_slice %arg6[%dma_wait3A_948, %dma_wait3A_949] : memref<512x128xf32, #tpu.memory_space<vmem>> -> memref<32x128xf32, #tpu.memory_space<vmem>>
      %dma_wait3A_951 = arith.constant 0 : i32
      %dma_wait3A_952 = arith.constant 0 : i32
      %dma_wait3A_953 = tpu.memref_slice %arg3[%dma_wait3A_951, %dma_wait3A_952] : memref<32x1000000xf32, #tpu.memory_space<hbm>> -> memref<32x128xf32, #tpu.memory_space<hbm>>
      %dma_wait3A_954 = arith.constant 0 : i32
      %dma_wait3A_955 = arith.constant 0 : i32
      %dma_wait3A_956 = tpu.memref_slice %arg6[%dma_wait3A_954, %dma_wait3A_955] : memref<512x128xf32, #tpu.memory_space<vmem>> -> memref<32x128xf32, #tpu.memory_space<vmem>>
      %dma_wait3A_957 = arith.constant 0 : i32
      %dma_wait3A_958 = arith.constant 0 : i32
      %dma_wait3A_959 = tpu.memref_slice %arg3[%dma_wait3A_957, %dma_wait3A_958] : memref<32x1000000xf32, #tpu.memory_space<hbm>> -> memref<32x128xf32, #tpu.memory_space<hbm>>
      tpu.wait_dma2 semaphore(%arg8 : memref<!tpu.dma_semaphore, #tpu.memory_space<semaphore_mem>>) src(%dma_wait3A_959 : memref<32x128xf32, #tpu.memory_space<hbm>>) dst(%dma_wait3A_956 : memref<32x128xf32, #tpu.memory_space<vmem>>)
      %dma_wait3A_960 = arith.constant 0 : i32
      %dma_wait3A_961 = arith.constant 0 : i32
      %dma_wait3A_962 = tpu.memref_slice %arg6[%dma_wait3A_960, %dma_wait3A_961] : memref<512x128xf32, #tpu.memory_space<vmem>> -> memref<32x128xf32, #tpu.memory_space<vmem>>
      %dma_wait3A_963 = arith.constant 0 : i32
      %dma_wait3A_964 = arith.constant 0 : i32
      %dma_wait3A_965 = tpu.memref_slice %arg3[%dma_wait3A_963, %dma_wait3A_964] : memref<32x1000000xf32, #tpu.memory_space<hbm>> -> memref<32x128xf32, #tpu.memory_space<hbm>>
      %dma_wait3A_966 = arith.constant 0 : i32
      %dma_wait3A_967 = arith.constant 0 : i32
      %dma_wait3A_968 = tpu.memref_slice %arg6[%dma_wait3A_966, %dma_wait3A_967] : memref<512x128xf32, #tpu.memory_space<vmem>> -> memref<32x128xf32, #tpu.memory_space<vmem>>
      %dma_wait3A_969 = arith.constant 0 : i32
      %dma_wait3A_970 = arith.constant 0 : i32
      %dma_wait3A_971 = tpu.memref_slice %arg3[%dma_wait3A_969, %dma_wait3A_970] : memref<32x1000000xf32, #tpu.memory_space<hbm>> -> memref<32x128xf32, #tpu.memory_space<hbm>>
      tpu.wait_dma2 semaphore(%arg8 : memref<!tpu.dma_semaphore, #tpu.memory_space<semaphore_mem>>) src(%dma_wait3A_971 : memref<32x128xf32, #tpu.memory_space<hbm>>) dst(%dma_wait3A_968 : memref<32x128xf32, #tpu.memory_space<vmem>>)
      %dma_wait3A_972 = arith.constant 0 : i32
      %dma_wait3A_973 = arith.constant 0 : i32
      %dma_wait3A_974 = tpu.memref_slice %arg6[%dma_wait3A_972, %dma_wait3A_973] : memref<512x128xf32, #tpu.memory_space<vmem>> -> memref<32x128xf32, #tpu.memory_space<vmem>>
      %dma_wait3A_975 = arith.constant 0 : i32
      %dma_wait3A_976 = arith.constant 0 : i32
      %dma_wait3A_977 = tpu.memref_slice %arg3[%dma_wait3A_975, %dma_wait3A_976] : memref<32x1000000xf32, #tpu.memory_space<hbm>> -> memref<32x128xf32, #tpu.memory_space<hbm>>
      %dma_wait3A_978 = arith.constant 0 : i32
      %dma_wait3A_979 = arith.constant 0 : i32
      %dma_wait3A_980 = tpu.memref_slice %arg6[%dma_wait3A_978, %dma_wait3A_979] : memref<512x128xf32, #tpu.memory_space<vmem>> -> memref<32x128xf32, #tpu.memory_space<vmem>>
      %dma_wait3A_981 = arith.constant 0 : i32
      %dma_wait3A_982 = arith.constant 0 : i32
      %dma_wait3A_983 = tpu.memref_slice %arg3[%dma_wait3A_981, %dma_wait3A_982] : memref<32x1000000xf32, #tpu.memory_space<hbm>> -> memref<32x128xf32, #tpu.memory_space<hbm>>
      tpu.wait_dma2 semaphore(%arg8 : memref<!tpu.dma_semaphore, #tpu.memory_space<semaphore_mem>>) src(%dma_wait3A_983 : memref<32x128xf32, #tpu.memory_space<hbm>>) dst(%dma_wait3A_980 : memref<32x128xf32, #tpu.memory_space<vmem>>)
      %dma_wait3A_984 = arith.constant 0 : i32
      %dma_wait3A_985 = arith.constant 0 : i32
      %dma_wait3A_986 = tpu.memref_slice %arg6[%dma_wait3A_984, %dma_wait3A_985] : memref<512x128xf32, #tpu.memory_space<vmem>> -> memref<32x128xf32, #tpu.memory_space<vmem>>
      %dma_wait3A_987 = arith.constant 0 : i32
      %dma_wait3A_988 = arith.constant 0 : i32
      %dma_wait3A_989 = tpu.memref_slice %arg3[%dma_wait3A_987, %dma_wait3A_988] : memref<32x1000000xf32, #tpu.memory_space<hbm>> -> memref<32x128xf32, #tpu.memory_space<hbm>>
      %dma_wait3A_990 = arith.constant 0 : i32
      %dma_wait3A_991 = arith.constant 0 : i32
      %dma_wait3A_992 = tpu.memref_slice %arg6[%dma_wait3A_990, %dma_wait3A_991] : memref<512x128xf32, #tpu.memory_space<vmem>> -> memref<32x128xf32, #tpu.memory_space<vmem>>
      %dma_wait3A_993 = arith.constant 0 : i32
      %dma_wait3A_994 = arith.constant 0 : i32
      %dma_wait3A_995 = tpu.memref_slice %arg3[%dma_wait3A_993, %dma_wait3A_994] : memref<32x1000000xf32, #tpu.memory_space<hbm>> -> memref<32x128xf32, #tpu.memory_space<hbm>>
      tpu.wait_dma2 semaphore(%arg8 : memref<!tpu.dma_semaphore, #tpu.memory_space<semaphore_mem>>) src(%dma_wait3A_995 : memref<32x128xf32, #tpu.memory_space<hbm>>) dst(%dma_wait3A_992 : memref<32x128xf32, #tpu.memory_space<vmem>>)
      %mul3A_996 = arith.constant 2 : i32
      %mul3A_997 = arith.muli %mul3A_996, %scan3A_750 : i32
      %slice3A_998 = vector.extract_strided_slice %get3A_755 {offsets = [0], sizes = [1], strides = [1]} : vector<16xi32> to vector<1xi32>
      %squeeze3A_999 = vector.extract %slice3A_998[0] : i32 from vector<1xi32>
      %and3A = arith.constant 127 : i32
      %and3A_1000 = arith.andi %squeeze3A_999, %and3A : i32
      %broadcast_in_dim3A = vector.broadcast %and3A_1000 : i32 to vector<16xi32>
      %add3A_1001 = arith.constant 0 : i32
      %add3A_1002 = vector.broadcast %add3A_1001 : i32 to vector<16xi32>
      %add3A_1003 = arith.addi %iota3A, %add3A_1002 : vector<16xi32>
      %gather3A = tpu.vector_load_idx %arg6[%add3A_1003, %broadcast_in_dim3A] : memref<512x128xf32, #tpu.memory_space<vmem>>[vector<16xi32>, vector<16xi32>], vector<16xf32>,
      %add3A_1004 = arith.constant 16 : i32
      %add3A_1005 = vector.broadcast %add3A_1004 : i32 to vector<16xi32>
      %add3A_1006 = arith.addi %iota3A, %add3A_1005 : vector<16xi32>
      %gather3A_1007 = tpu.vector_load_idx %arg6[%add3A_1006, %broadcast_in_dim3A] : memref<512x128xf32, #tpu.memory_space<vmem>>[vector<16xi32>, vector<16xi32>], vector<16xf32>,
      %mul3A_1008 = arith.constant 8 : i32
      %mul3A_1009 = arith.muli %mul3A_997, %mul3A_1008 : i32
      %add3A_1010 = arith.constant 0 : i32
      %add3A_1011 = arith.addi %mul3A_1009, %add3A_1010 : i32
      %mul3A_1012 = arith.constant 32 : i32
      %mul3A_1013 = arith.muli %add3A_1011, %mul3A_1012 : i32
      %swap3A = arith.index_cast %mul3A_1013 : i32 to index
      %swap3A_1014 = tpu.vector_load %arg7[%swap3A] {strides = array<i32>} : memref<16384xf32, #tpu.memory_space<vmem>>, vector<16xf32>,
      tpu.vector_store %arg7[%swap3A], %gather3A {strides = array<i32>} : memref<16384xf32, #tpu.memory_space<vmem>>, vector<16xf32>,
      %add3A_1015 = arith.constant 16 : i32
      %add3A_1016 = arith.addi %mul3A_1013, %add3A_1015 : i32
      %swap3A_1017 = arith.index_cast %add3A_1016 : i32 to index
      %swap3A_1018 = tpu.vector_load %arg7[%swap3A_1017] {strides = array<i32>} : memref<16384xf32, #tpu.memory_space<vmem>>, vector<16xf32>,
      tpu.vector_store %arg7[%swap3A_1017], %gather3A_1007 {strides = array<i32>} : memref<16384xf32, #tpu.memory_space<vmem>>, vector<16xf32>,
      %slice3A_1019 = vector.extract_strided_slice %get3A_755 {offsets = [1], sizes = [1], strides = [1]} : vector<16xi32> to vector<1xi32>
      %squeeze3A_1020 = vector.extract %slice3A_1019[0] : i32 from vector<1xi32>
      %and3A_1021 = arith.constant 127 : i32
      %and3A_1022 = arith.andi %squeeze3A_1020, %and3A_1021 : i32
      %broadcast_in_dim3A_1023 = vector.broadcast %and3A_1022 : i32 to vector<16xi32>
      %add3A_1024 = arith.constant 32 : i32
      %add3A_1025 = vector.broadcast %add3A_1024 : i32 to vector<16xi32>
      %add3A_1026 = arith.addi %iota3A, %add3A_1025 : vector<16xi32>
      %gather3A_1027 = tpu.vector_load_idx %arg6[%add3A_1026, %broadcast_in_dim3A_1023] : memref<512x128xf32, #tpu.memory_space<vmem>>[vector<16xi32>, vector<16xi32>], vector<16xf32>,
      %add3A_1028 = arith.constant 48 : i32
      %add3A_1029 = vector.broadcast %add3A_1028 : i32 to vector<16xi32>
      %add3A_1030 = arith.addi %iota3A, %add3A_1029 : vector<16xi32>
      %gather3A_1031 = tpu.vector_load_idx %arg6[%add3A_1030, %broadcast_in_dim3A_1023] : memref<512x128xf32, #tpu.memory_space<vmem>>[vector<16xi32>, vector<16xi32>], vector<16xf32>,
      %mul3A_1032 = arith.constant 8 : i32
      %mul3A_1033 = arith.muli %mul3A_997, %mul3A_1032 : i32
      %add3A_1034 = arith.constant 1 : i32
      %add3A_1035 = arith.addi %mul3A_1033, %add3A_1034 : i32
      %mul3A_1036 = arith.constant 32 : i32
      %mul3A_1037 = arith.muli %add3A_1035, %mul3A_1036 : i32
      %swap3A_1038 = arith.index_cast %mul3A_1037 : i32 to index
      %swap3A_1039 = tpu.vector_load %arg7[%swap3A_1038] {strides = array<i32>} : memref<16384xf32, #tpu.memory_space<vmem>>, vector<16xf32>,
      tpu.vector_store %arg7[%swap3A_1038], %gather3A_1027 {strides = array<i32>} : memref<16384xf32, #tpu.memory_space<vmem>>, vector<16xf32>,
      %add3A_1040 = arith.constant 16 : i32
      %add3A_1041 = arith.addi %mul3A_1037, %add3A_1040 : i32
      %swap3A_1042 = arith.index_cast %add3A_1041 : i32 to index
      %swap3A_1043 = tpu.vector_load %arg7[%swap3A_1042] {strides = array<i32>} : memref<16384xf32, #tpu.memory_space<vmem>>, vector<16xf32>,
      tpu.vector_store %arg7[%swap3A_1042], %gather3A_1031 {strides = array<i32>} : memref<16384xf32, #tpu.memory_space<vmem>>, vector<16xf32>,
      %slice3A_1044 = vector.extract_strided_slice %get3A_755 {offsets = [2], sizes = [1], strides = [1]} : vector<16xi32> to vector<1xi32>
      %squeeze3A_1045 = vector.extract %slice3A_1044[0] : i32 from vector<1xi32>
      %and3A_1046 = arith.constant 127 : i32
      %and3A_1047 = arith.andi %squeeze3A_1045, %and3A_1046 : i32
      %broadcast_in_dim3A_1048 = vector.broadcast %and3A_1047 : i32 to vector<16xi32>
      %add3A_1049 = arith.constant 64 : i32
      %add3A_1050 = vector.broadcast %add3A_1049 : i32 to vector<16xi32>
      %add3A_1051 = arith.addi %iota3A, %add3A_1050 : vector<16xi32>
      %gather3A_1052 = tpu.vector_load_idx %arg6[%add3A_1051, %broadcast_in_dim3A_1048] : memref<512x128xf32, #tpu.memory_space<vmem>>[vector<16xi32>, vector<16xi32>], vector<16xf32>,
      %add3A_1053 = arith.constant 80 : i32
      %add3A_1054 = vector.broadcast %add3A_1053 : i32 to vector<16xi32>
      %add3A_1055 = arith.addi %iota3A, %add3A_1054 : vector<16xi32>
      %gather3A_1056 = tpu.vector_load_idx %arg6[%add3A_1055, %broadcast_in_dim3A_1048] : memref<512x128xf32, #tpu.memory_space<vmem>>[vector<16xi32>, vector<16xi32>], vector<16xf32>,
      %mul3A_1057 = arith.constant 8 : i32
      %mul3A_1058 = arith.muli %mul3A_997, %mul3A_1057 : i32
      %add3A_1059 = arith.constant 2 : i32
      %add3A_1060 = arith.addi %mul3A_1058, %add3A_1059 : i32
      %mul3A_1061 = arith.constant 32 : i32
      %mul3A_1062 = arith.muli %add3A_1060, %mul3A_1061 : i32
      %swap3A_1063 = arith.index_cast %mul3A_1062 : i32 to index
      %swap3A_1064 = tpu.vector_load %arg7[%swap3A_1063] {strides = array<i32>} : memref<16384xf32, #tpu.memory_space<vmem>>, vector<16xf32>,
      tpu.vector_store %arg7[%swap3A_1063], %gather3A_1052 {strides = array<i32>} : memref<16384xf32, #tpu.memory_space<vmem>>, vector<16xf32>,
      %add3A_1065 = arith.constant 16 : i32
      %add3A_1066 = arith.addi %mul3A_1062, %add3A_1065 : i32
      %swap3A_1067 = arith.index_cast %add3A_1066 : i32 to index
      %swap3A_1068 = tpu.vector_load %arg7[%swap3A_1067] {strides = array<i32>} : memref<16384xf32, #tpu.memory_space<vmem>>, vector<16xf32>,
      tpu.vector_store %arg7[%swap3A_1067], %gather3A_1056 {strides = array<i32>} : memref<16384xf32, #tpu.memory_space<vmem>>, vector<16xf32>,
      %slice3A_1069 = vector.extract_strided_slice %get3A_755 {offsets = [3], sizes = [1], strides = [1]} : vector<16xi32> to vector<1xi32>
      %squeeze3A_1070 = vector.extract %slice3A_1069[0] : i32 from vector<1xi32>
      %and3A_1071 = arith.constant 127 : i32
      %and3A_1072 = arith.andi %squeeze3A_1070, %and3A_1071 : i32
      %broadcast_in_dim3A_1073 = vector.broadcast %and3A_1072 : i32 to vector<16xi32>
      %add3A_1074 = arith.constant 96 : i32
      %add3A_1075 = vector.broadcast %add3A_1074 : i32 to vector<16xi32>
      %add3A_1076 = arith.addi %iota3A, %add3A_1075 : vector<16xi32>
      %gather3A_1077 = tpu.vector_load_idx %arg6[%add3A_1076, %broadcast_in_dim3A_1073] : memref<512x128xf32, #tpu.memory_space<vmem>>[vector<16xi32>, vector<16xi32>], vector<16xf32>,
      %add3A_1078 = arith.constant 112 : i32
      %add3A_1079 = vector.broadcast %add3A_1078 : i32 to vector<16xi32>
      %add3A_1080 = arith.addi %iota3A, %add3A_1079 : vector<16xi32>
      %gather3A_1081 = tpu.vector_load_idx %arg6[%add3A_1080, %broadcast_in_dim3A_1073] : memref<512x128xf32, #tpu.memory_space<vmem>>[vector<16xi32>, vector<16xi32>], vector<16xf32>,
      %mul3A_1082 = arith.constant 8 : i32
      %mul3A_1083 = arith.muli %mul3A_997, %mul3A_1082 : i32
      %add3A_1084 = arith.constant 3 : i32
      %add3A_1085 = arith.addi %mul3A_1083, %add3A_1084 : i32
      %mul3A_1086 = arith.constant 32 : i32
      %mul3A_1087 = arith.muli %add3A_1085, %mul3A_1086 : i32
      %swap3A_1088 = arith.index_cast %mul3A_1087 : i32 to index
      %swap3A_1089 = tpu.vector_load %arg7[%swap3A_1088] {strides = array<i32>} : memref<16384xf32, #tpu.memory_space<vmem>>, vector<16xf32>,
      tpu.vector_store %arg7[%swap3A_1088], %gather3A_1077 {strides = array<i32>} : memref<16384xf32, #tpu.memory_space<vmem>>, vector<16xf32>,
      %add3A_1090 = arith.constant 16 : i32
      %add3A_1091 = arith.addi %mul3A_1087, %add3A_1090 : i32
      %swap3A_1092 = arith.index_cast %add3A_1091 : i32 to index
      %swap3A_1093 = tpu.vector_load %arg7[%swap3A_1092] {strides = array<i32>} : memref<16384xf32, #tpu.memory_space<vmem>>, vector<16xf32>,
      tpu.vector_store %arg7[%swap3A_1092], %gather3A_1081 {strides = array<i32>} : memref<16384xf32, #tpu.memory_space<vmem>>, vector<16xf32>,
      %slice3A_1094 = vector.extract_strided_slice %get3A_755 {offsets = [4], sizes = [1], strides = [1]} : vector<16xi32> to vector<1xi32>
      %squeeze3A_1095 = vector.extract %slice3A_1094[0] : i32 from vector<1xi32>
      %and3A_1096 = arith.constant 127 : i32
      %and3A_1097 = arith.andi %squeeze3A_1095, %and3A_1096 : i32
      %broadcast_in_dim3A_1098 = vector.broadcast %and3A_1097 : i32 to vector<16xi32>
      %add3A_1099 = arith.constant 128 : i32
      %add3A_1100 = vector.broadcast %add3A_1099 : i32 to vector<16xi32>
      %add3A_1101 = arith.addi %iota3A, %add3A_1100 : vector<16xi32>
      %gather3A_1102 = tpu.vector_load_idx %arg6[%add3A_1101, %broadcast_in_dim3A_1098] : memref<512x128xf32, #tpu.memory_space<vmem>>[vector<16xi32>, vector<16xi32>], vector<16xf32>,
      %add3A_1103 = arith.constant 144 : i32
      %add3A_1104 = vector.broadcast %add3A_1103 : i32 to vector<16xi32>
      %add3A_1105 = arith.addi %iota3A, %add3A_1104 : vector<16xi32>
      %gather3A_1106 = tpu.vector_load_idx %arg6[%add3A_1105, %broadcast_in_dim3A_1098] : memref<512x128xf32, #tpu.memory_space<vmem>>[vector<16xi32>, vector<16xi32>], vector<16xf32>,
      %mul3A_1107 = arith.constant 8 : i32
      %mul3A_1108 = arith.muli %mul3A_997, %mul3A_1107 : i32
      %add3A_1109 = arith.constant 4 : i32
      %add3A_1110 = arith.addi %mul3A_1108, %add3A_1109 : i32
      %mul3A_1111 = arith.constant 32 : i32
      %mul3A_1112 = arith.muli %add3A_1110, %mul3A_1111 : i32
      %swap3A_1113 = arith.index_cast %mul3A_1112 : i32 to index
      %swap3A_1114 = tpu.vector_load %arg7[%swap3A_1113] {strides = array<i32>} : memref<16384xf32, #tpu.memory_space<vmem>>, vector<16xf32>,
      tpu.vector_store %arg7[%swap3A_1113], %gather3A_1102 {strides = array<i32>} : memref<16384xf32, #tpu.memory_space<vmem>>, vector<16xf32>,
      %add3A_1115 = arith.constant 16 : i32
      %add3A_1116 = arith.addi %mul3A_1112, %add3A_1115 : i32
      %swap3A_1117 = arith.index_cast %add3A_1116 : i32 to index
      %swap3A_1118 = tpu.vector_load %arg7[%swap3A_1117] {strides = array<i32>} : memref<16384xf32, #tpu.memory_space<vmem>>, vector<16xf32>,
      tpu.vector_store %arg7[%swap3A_1117], %gather3A_1106 {strides = array<i32>} : memref<16384xf32, #tpu.memory_space<vmem>>, vector<16xf32>,
      %slice3A_1119 = vector.extract_strided_slice %get3A_755 {offsets = [5], sizes = [1], strides = [1]} : vector<16xi32> to vector<1xi32>
      %squeeze3A_1120 = vector.extract %slice3A_1119[0] : i32 from vector<1xi32>
      %and3A_1121 = arith.constant 127 : i32
      %and3A_1122 = arith.andi %squeeze3A_1120, %and3A_1121 : i32
      %broadcast_in_dim3A_1123 = vector.broadcast %and3A_1122 : i32 to vector<16xi32>
      %add3A_1124 = arith.constant 160 : i32
      %add3A_1125 = vector.broadcast %add3A_1124 : i32 to vector<16xi32>
      %add3A_1126 = arith.addi %iota3A, %add3A_1125 : vector<16xi32>
      %gather3A_1127 = tpu.vector_load_idx %arg6[%add3A_1126, %broadcast_in_dim3A_1123] : memref<512x128xf32, #tpu.memory_space<vmem>>[vector<16xi32>, vector<16xi32>], vector<16xf32>,
      %add3A_1128 = arith.constant 176 : i32
      %add3A_1129 = vector.broadcast %add3A_1128 : i32 to vector<16xi32>
      %add3A_1130 = arith.addi %iota3A, %add3A_1129 : vector<16xi32>
      %gather3A_1131 = tpu.vector_load_idx %arg6[%add3A_1130, %broadcast_in_dim3A_1123] : memref<512x128xf32, #tpu.memory_space<vmem>>[vector<16xi32>, vector<16xi32>], vector<16xf32>,
      %mul3A_1132 = arith.constant 8 : i32
      %mul3A_1133 = arith.muli %mul3A_997, %mul3A_1132 : i32
      %add3A_1134 = arith.constant 5 : i32
      %add3A_1135 = arith.addi %mul3A_1133, %add3A_1134 : i32
      %mul3A_1136 = arith.constant 32 : i32
      %mul3A_1137 = arith.muli %add3A_1135, %mul3A_1136 : i32
      %swap3A_1138 = arith.index_cast %mul3A_1137 : i32 to index
      %swap3A_1139 = tpu.vector_load %arg7[%swap3A_1138] {strides = array<i32>} : memref<16384xf32, #tpu.memory_space<vmem>>, vector<16xf32>,
      tpu.vector_store %arg7[%swap3A_1138], %gather3A_1127 {strides = array<i32>} : memref<16384xf32, #tpu.memory_space<vmem>>, vector<16xf32>,
      %add3A_1140 = arith.constant 16 : i32
      %add3A_1141 = arith.addi %mul3A_1137, %add3A_1140 : i32
      %swap3A_1142 = arith.index_cast %add3A_1141 : i32 to index
      %swap3A_1143 = tpu.vector_load %arg7[%swap3A_1142] {strides = array<i32>} : memref<16384xf32, #tpu.memory_space<vmem>>, vector<16xf32>,
      tpu.vector_store %arg7[%swap3A_1142], %gather3A_1131 {strides = array<i32>} : memref<16384xf32, #tpu.memory_space<vmem>>, vector<16xf32>,
      %slice3A_1144 = vector.extract_strided_slice %get3A_755 {offsets = [6], sizes = [1], strides = [1]} : vector<16xi32> to vector<1xi32>
      %squeeze3A_1145 = vector.extract %slice3A_1144[0] : i32 from vector<1xi32>
      %and3A_1146 = arith.constant 127 : i32
      %and3A_1147 = arith.andi %squeeze3A_1145, %and3A_1146 : i32
      %broadcast_in_dim3A_1148 = vector.broadcast %and3A_1147 : i32 to vector<16xi32>
      %add3A_1149 = arith.constant 192 : i32
      %add3A_1150 = vector.broadcast %add3A_1149 : i32 to vector<16xi32>
      %add3A_1151 = arith.addi %iota3A, %add3A_1150 : vector<16xi32>
      %gather3A_1152 = tpu.vector_load_idx %arg6[%add3A_1151, %broadcast_in_dim3A_1148] : memref<512x128xf32, #tpu.memory_space<vmem>>[vector<16xi32>, vector<16xi32>], vector<16xf32>,
      %add3A_1153 = arith.constant 208 : i32
      %add3A_1154 = vector.broadcast %add3A_1153 : i32 to vector<16xi32>
      %add3A_1155 = arith.addi %iota3A, %add3A_1154 : vector<16xi32>
      %gather3A_1156 = tpu.vector_load_idx %arg6[%add3A_1155, %broadcast_in_dim3A_1148] : memref<512x128xf32, #tpu.memory_space<vmem>>[vector<16xi32>, vector<16xi32>], vector<16xf32>,
      %mul3A_1157 = arith.constant 8 : i32
      %mul3A_1158 = arith.muli %mul3A_997, %mul3A_1157 : i32
      %add3A_1159 = arith.constant 6 : i32
      %add3A_1160 = arith.addi %mul3A_1158, %add3A_1159 : i32
      %mul3A_1161 = arith.constant 32 : i32
      %mul3A_1162 = arith.muli %add3A_1160, %mul3A_1161 : i32
      %swap3A_1163 = arith.index_cast %mul3A_1162 : i32 to index
      %swap3A_1164 = tpu.vector_load %arg7[%swap3A_1163] {strides = array<i32>} : memref<16384xf32, #tpu.memory_space<vmem>>, vector<16xf32>,
      tpu.vector_store %arg7[%swap3A_1163], %gather3A_1152 {strides = array<i32>} : memref<16384xf32, #tpu.memory_space<vmem>>, vector<16xf32>,
      %add3A_1165 = arith.constant 16 : i32
      %add3A_1166 = arith.addi %mul3A_1162, %add3A_1165 : i32
      %swap3A_1167 = arith.index_cast %add3A_1166 : i32 to index
      %swap3A_1168 = tpu.vector_load %arg7[%swap3A_1167] {strides = array<i32>} : memref<16384xf32, #tpu.memory_space<vmem>>, vector<16xf32>,
      tpu.vector_store %arg7[%swap3A_1167], %gather3A_1156 {strides = array<i32>} : memref<16384xf32, #tpu.memory_space<vmem>>, vector<16xf32>,
      %slice3A_1169 = vector.extract_strided_slice %get3A_755 {offsets = [7], sizes = [1], strides = [1]} : vector<16xi32> to vector<1xi32>
      %squeeze3A_1170 = vector.extract %slice3A_1169[0] : i32 from vector<1xi32>
      %and3A_1171 = arith.constant 127 : i32
      %and3A_1172 = arith.andi %squeeze3A_1170, %and3A_1171 : i32
      %broadcast_in_dim3A_1173 = vector.broadcast %and3A_1172 : i32 to vector<16xi32>
      %add3A_1174 = arith.constant 224 : i32
      %add3A_1175 = vector.broadcast %add3A_1174 : i32 to vector<16xi32>
      %add3A_1176 = arith.addi %iota3A, %add3A_1175 : vector<16xi32>
      %gather3A_1177 = tpu.vector_load_idx %arg6[%add3A_1176, %broadcast_in_dim3A_1173] : memref<512x128xf32, #tpu.memory_space<vmem>>[vector<16xi32>, vector<16xi32>], vector<16xf32>,
      %add3A_1178 = arith.constant 240 : i32
      %add3A_1179 = vector.broadcast %add3A_1178 : i32 to vector<16xi32>
      %add3A_1180 = arith.addi %iota3A, %add3A_1179 : vector<16xi32>
      %gather3A_1181 = tpu.vector_load_idx %arg6[%add3A_1180, %broadcast_in_dim3A_1173] : memref<512x128xf32, #tpu.memory_space<vmem>>[vector<16xi32>, vector<16xi32>], vector<16xf32>,
      %mul3A_1182 = arith.constant 8 : i32
      %mul3A_1183 = arith.muli %mul3A_997, %mul3A_1182 : i32
      %add3A_1184 = arith.constant 7 : i32
      %add3A_1185 = arith.addi %mul3A_1183, %add3A_1184 : i32
      %mul3A_1186 = arith.constant 32 : i32
      %mul3A_1187 = arith.muli %add3A_1185, %mul3A_1186 : i32
      %swap3A_1188 = arith.index_cast %mul3A_1187 : i32 to index
      %swap3A_1189 = tpu.vector_load %arg7[%swap3A_1188] {strides = array<i32>} : memref<16384xf32, #tpu.memory_space<vmem>>, vector<16xf32>,
      tpu.vector_store %arg7[%swap3A_1188], %gather3A_1177 {strides = array<i32>} : memref<16384xf32, #tpu.memory_space<vmem>>, vector<16xf32>,
      %add3A_1190 = arith.constant 16 : i32
      %add3A_1191 = arith.addi %mul3A_1187, %add3A_1190 : i32
      %swap3A_1192 = arith.index_cast %add3A_1191 : i32 to index
      %swap3A_1193 = tpu.vector_load %arg7[%swap3A_1192] {strides = array<i32>} : memref<16384xf32, #tpu.memory_space<vmem>>, vector<16xf32>,
      tpu.vector_store %arg7[%swap3A_1192], %gather3A_1181 {strides = array<i32>} : memref<16384xf32, #tpu.memory_space<vmem>>, vector<16xf32>,
      %mul3A_1194 = arith.constant 2 : i32
      %mul3A_1195 = arith.muli %mul3A_1194, %scan3A_750 : i32
      %mul3A_1196 = arith.constant 8 : i32
      %mul3A_1197 = arith.muli %mul3A_1195, %mul3A_1196 : i32
      %mul3A_1198 = arith.constant 32 : i32
      %mul3A_1199 = arith.muli %mul3A_1197, %mul3A_1198 : i32
      %mul3A_1200 = arith.constant 8 : i32
      %mul3A_1201 = arith.muli %mul3A_1195, %mul3A_1200 : i32
      %mul3A_1202 = arith.constant 32 : i32
      %mul3A_1203 = arith.muli %mul3A_1201, %mul3A_1202 : i32
      %add3A_1204 = arith.addi %mul3A_4, %mul3A_1203 : i32
      %dma_start3A_1205 = tpu.memref_slice %arg7[%mul3A_1199] : memref<16384xf32, #tpu.memory_space<vmem>> -> memref<256xf32, #tpu.memory_space<vmem>>
      %dma_start3A_1206 = tpu.memref_slice %arg4[%add3A_1204] : memref<524288xf32, #tpu.memory_space<hbm>> -> memref<256xf32, #tpu.memory_space<hbm>>
      %dma_start3A_1207 = tpu.memref_slice %arg4[%add3A_1204] : memref<524288xf32, #tpu.memory_space<hbm>> -> memref<256xf32, #tpu.memory_space<hbm>>
      %dma_start3A_1208 = tpu.memref_slice %arg7[%mul3A_1199] : memref<16384xf32, #tpu.memory_space<vmem>> -> memref<256xf32, #tpu.memory_space<vmem>>
      tpu.enqueue_dma source(%dma_start3A_1208 : memref<256xf32, #tpu.memory_space<vmem>>) target(%dma_start3A_1207 : memref<256xf32, #tpu.memory_space<hbm>>) target_semaphore(%arg10 : memref<!tpu.dma_semaphore, #tpu.memory_space<semaphore_mem>>)
      %slice3A_1209 = vector.extract_strided_slice %get3A_763 {offsets = [0], sizes = [1], strides = [1]} : vector<16xi32> to vector<1xi32>
      %squeeze3A_1210 = vector.extract %slice3A_1209[0] : i32 from vector<1xi32>
      %shift_right_arithmetic3A_1211 = arith.constant 7 : i32
      %shift_right_arithmetic3A_1212 = arith.shrsi %squeeze3A_1210, %shift_right_arithmetic3A_1211 : i32
      %mul3A_1213 = arith.constant 128 : i32
      %mul3A_1214 = arith.muli %shift_right_arithmetic3A_1212, %mul3A_1213 : i32
      %multiple_of3A_1215 = tpu.assume_multiple %mul3A_1214, 128 : i32
      %dma_start3A_1216 = arith.constant 0 : i32
      %dma_start3A_1217 = arith.constant 0 : i32
      %dma_start3A_1218 = tpu.memref_slice %arg6[%dma_start3A_1216, %dma_start3A_1217] : memref<512x128xf32, #tpu.memory_space<vmem>> -> memref<32x128xf32, #tpu.memory_space<vmem>>
      %dma_start3A_1219 = arith.constant 0 : i32
      %dma_start3A_1220 = tpu.memref_slice %arg3[%dma_start3A_1219, %multiple_of3A_1215] : memref<32x1000000xf32, #tpu.memory_space<hbm>> -> memref<32x128xf32, #tpu.memory_space<hbm>>
      %dma_start3A_1221 = arith.constant 0 : i32
      %dma_start3A_1222 = arith.constant 0 : i32
      %dma_start3A_1223 = tpu.memref_slice %arg6[%dma_start3A_1221, %dma_start3A_1222] : memref<512x128xf32, #tpu.memory_space<vmem>> -> memref<32x128xf32, #tpu.memory_space<vmem>>
      %dma_start3A_1224 = arith.constant 0 : i32
      %dma_start3A_1225 = tpu.memref_slice %arg3[%dma_start3A_1224, %multiple_of3A_1215] : memref<32x1000000xf32, #tpu.memory_space<hbm>> -> memref<32x128xf32, #tpu.memory_space<hbm>>
      tpu.enqueue_dma source(%dma_start3A_1225 : memref<32x128xf32, #tpu.memory_space<hbm>>) target(%dma_start3A_1223 : memref<32x128xf32, #tpu.memory_space<vmem>>) target_semaphore(%arg8 : memref<!tpu.dma_semaphore, #tpu.memory_space<semaphore_mem>>)
      %slice3A_1226 = vector.extract_strided_slice %get3A_763 {offsets = [1], sizes = [1], strides = [1]} : vector<16xi32> to vector<1xi32>
      %squeeze3A_1227 = vector.extract %slice3A_1226[0] : i32 from vector<1xi32>
      %shift_right_arithmetic3A_1228 = arith.constant 7 : i32
      %shift_right_arithmetic3A_1229 = arith.shrsi %squeeze3A_1227, %shift_right_arithmetic3A_1228 : i32
      %mul3A_1230 = arith.constant 128 : i32
      %mul3A_1231 = arith.muli %shift_right_arithmetic3A_1229, %mul3A_1230 : i32
      %multiple_of3A_1232 = tpu.assume_multiple %mul3A_1231, 128 : i32
      %dma_start3A_1233 = arith.constant 32 : i32
      %dma_start3A_1234 = arith.constant 0 : i32
      %dma_start3A_1235 = tpu.memref_slice %arg6[%dma_start3A_1233, %dma_start3A_1234] : memref<512x128xf32, #tpu.memory_space<vmem>> -> memref<32x128xf32, #tpu.memory_space<vmem>>
      %dma_start3A_1236 = arith.constant 0 : i32
      %dma_start3A_1237 = tpu.memref_slice %arg3[%dma_start3A_1236, %multiple_of3A_1232] : memref<32x1000000xf32, #tpu.memory_space<hbm>> -> memref<32x128xf32, #tpu.memory_space<hbm>>
      %dma_start3A_1238 = arith.constant 32 : i32
      %dma_start3A_1239 = arith.constant 0 : i32
      %dma_start3A_1240 = tpu.memref_slice %arg6[%dma_start3A_1238, %dma_start3A_1239] : memref<512x128xf32, #tpu.memory_space<vmem>> -> memref<32x128xf32, #tpu.memory_space<vmem>>
      %dma_start3A_1241 = arith.constant 0 : i32
      %dma_start3A_1242 = tpu.memref_slice %arg3[%dma_start3A_1241, %multiple_of3A_1232] : memref<32x1000000xf32, #tpu.memory_space<hbm>> -> memref<32x128xf32, #tpu.memory_space<hbm>>
      tpu.enqueue_dma source(%dma_start3A_1242 : memref<32x128xf32, #tpu.memory_space<hbm>>) target(%dma_start3A_1240 : memref<32x128xf32, #tpu.memory_space<vmem>>) target_semaphore(%arg8 : memref<!tpu.dma_semaphore, #tpu.memory_space<semaphore_mem>>)
      %slice3A_1243 = vector.extract_strided_slice %get3A_763 {offsets = [2], sizes = [1], strides = [1]} : vector<16xi32> to vector<1xi32>
      %squeeze3A_1244 = vector.extract %slice3A_1243[0] : i32 from vector<1xi32>
      %shift_right_arithmetic3A_1245 = arith.constant 7 : i32
      %shift_right_arithmetic3A_1246 = arith.shrsi %squeeze3A_1244, %shift_right_arithmetic3A_1245 : i32
      %mul3A_1247 = arith.constant 128 : i32
      %mul3A_1248 = arith.muli %shift_right_arithmetic3A_1246, %mul3A_1247 : i32
      %multiple_of3A_1249 = tpu.assume_multiple %mul3A_1248, 128 : i32
      %dma_start3A_1250 = arith.constant 64 : i32
      %dma_start3A_1251 = arith.constant 0 : i32
      %dma_start3A_1252 = tpu.memref_slice %arg6[%dma_start3A_1250, %dma_start3A_1251] : memref<512x128xf32, #tpu.memory_space<vmem>> -> memref<32x128xf32, #tpu.memory_space<vmem>>
      %dma_start3A_1253 = arith.constant 0 : i32
      %dma_start3A_1254 = tpu.memref_slice %arg3[%dma_start3A_1253, %multiple_of3A_1249] : memref<32x1000000xf32, #tpu.memory_space<hbm>> -> memref<32x128xf32, #tpu.memory_space<hbm>>
      %dma_start3A_1255 = arith.constant 64 : i32
      %dma_start3A_1256 = arith.constant 0 : i32
      %dma_start3A_1257 = tpu.memref_slice %arg6[%dma_start3A_1255, %dma_start3A_1256] : memref<512x128xf32, #tpu.memory_space<vmem>> -> memref<32x128xf32, #tpu.memory_space<vmem>>
      %dma_start3A_1258 = arith.constant 0 : i32
      %dma_start3A_1259 = tpu.memref_slice %arg3[%dma_start3A_1258, %multiple_of3A_1249] : memref<32x1000000xf32, #tpu.memory_space<hbm>> -> memref<32x128xf32, #tpu.memory_space<hbm>>
      tpu.enqueue_dma source(%dma_start3A_1259 : memref<32x128xf32, #tpu.memory_space<hbm>>) target(%dma_start3A_1257 : memref<32x128xf32, #tpu.memory_space<vmem>>) target_semaphore(%arg8 : memref<!tpu.dma_semaphore, #tpu.memory_space<semaphore_mem>>)
      %slice3A_1260 = vector.extract_strided_slice %get3A_763 {offsets = [3], sizes = [1], strides = [1]} : vector<16xi32> to vector<1xi32>
      %squeeze3A_1261 = vector.extract %slice3A_1260[0] : i32 from vector<1xi32>
      %shift_right_arithmetic3A_1262 = arith.constant 7 : i32
      %shift_right_arithmetic3A_1263 = arith.shrsi %squeeze3A_1261, %shift_right_arithmetic3A_1262 : i32
      %mul3A_1264 = arith.constant 128 : i32
      %mul3A_1265 = arith.muli %shift_right_arithmetic3A_1263, %mul3A_1264 : i32
      %multiple_of3A_1266 = tpu.assume_multiple %mul3A_1265, 128 : i32
      %dma_start3A_1267 = arith.constant 96 : i32
      %dma_start3A_1268 = arith.constant 0 : i32
      %dma_start3A_1269 = tpu.memref_slice %arg6[%dma_start3A_1267, %dma_start3A_1268] : memref<512x128xf32, #tpu.memory_space<vmem>> -> memref<32x128xf32, #tpu.memory_space<vmem>>
      %dma_start3A_1270 = arith.constant 0 : i32
      %dma_start3A_1271 = tpu.memref_slice %arg3[%dma_start3A_1270, %multiple_of3A_1266] : memref<32x1000000xf32, #tpu.memory_space<hbm>> -> memref<32x128xf32, #tpu.memory_space<hbm>>
      %dma_start3A_1272 = arith.constant 96 : i32
      %dma_start3A_1273 = arith.constant 0 : i32
      %dma_start3A_1274 = tpu.memref_slice %arg6[%dma_start3A_1272, %dma_start3A_1273] : memref<512x128xf32, #tpu.memory_space<vmem>> -> memref<32x128xf32, #tpu.memory_space<vmem>>
      %dma_start3A_1275 = arith.constant 0 : i32
      %dma_start3A_1276 = tpu.memref_slice %arg3[%dma_start3A_1275, %multiple_of3A_1266] : memref<32x1000000xf32, #tpu.memory_space<hbm>> -> memref<32x128xf32, #tpu.memory_space<hbm>>
      tpu.enqueue_dma source(%dma_start3A_1276 : memref<32x128xf32, #tpu.memory_space<hbm>>) target(%dma_start3A_1274 : memref<32x128xf32, #tpu.memory_space<vmem>>) target_semaphore(%arg8 : memref<!tpu.dma_semaphore, #tpu.memory_space<semaphore_mem>>)
      %slice3A_1277 = vector.extract_strided_slice %get3A_763 {offsets = [4], sizes = [1], strides = [1]} : vector<16xi32> to vector<1xi32>
      %squeeze3A_1278 = vector.extract %slice3A_1277[0] : i32 from vector<1xi32>
      %shift_right_arithmetic3A_1279 = arith.constant 7 : i32
      %shift_right_arithmetic3A_1280 = arith.shrsi %squeeze3A_1278, %shift_right_arithmetic3A_1279 : i32
      %mul3A_1281 = arith.constant 128 : i32
      %mul3A_1282 = arith.muli %shift_right_arithmetic3A_1280, %mul3A_1281 : i32
      %multiple_of3A_1283 = tpu.assume_multiple %mul3A_1282, 128 : i32
      %dma_start3A_1284 = arith.constant 128 : i32
      %dma_start3A_1285 = arith.constant 0 : i32
      %dma_start3A_1286 = tpu.memref_slice %arg6[%dma_start3A_1284, %dma_start3A_1285] : memref<512x128xf32, #tpu.memory_space<vmem>> -> memref<32x128xf32, #tpu.memory_space<vmem>>
      %dma_start3A_1287 = arith.constant 0 : i32
      %dma_start3A_1288 = tpu.memref_slice %arg3[%dma_start3A_1287, %multiple_of3A_1283] : memref<32x1000000xf32, #tpu.memory_space<hbm>> -> memref<32x128xf32, #tpu.memory_space<hbm>>
      %dma_start3A_1289 = arith.constant 128 : i32
      %dma_start3A_1290 = arith.constant 0 : i32
      %dma_start3A_1291 = tpu.memref_slice %arg6[%dma_start3A_1289, %dma_start3A_1290] : memref<512x128xf32, #tpu.memory_space<vmem>> -> memref<32x128xf32, #tpu.memory_space<vmem>>
      %dma_start3A_1292 = arith.constant 0 : i32
      %dma_start3A_1293 = tpu.memref_slice %arg3[%dma_start3A_1292, %multiple_of3A_1283] : memref<32x1000000xf32, #tpu.memory_space<hbm>> -> memref<32x128xf32, #tpu.memory_space<hbm>>
      tpu.enqueue_dma source(%dma_start3A_1293 : memref<32x128xf32, #tpu.memory_space<hbm>>) target(%dma_start3A_1291 : memref<32x128xf32, #tpu.memory_space<vmem>>) target_semaphore(%arg8 : memref<!tpu.dma_semaphore, #tpu.memory_space<semaphore_mem>>)
      %slice3A_1294 = vector.extract_strided_slice %get3A_763 {offsets = [5], sizes = [1], strides = [1]} : vector<16xi32> to vector<1xi32>
      %squeeze3A_1295 = vector.extract %slice3A_1294[0] : i32 from vector<1xi32>
      %shift_right_arithmetic3A_1296 = arith.constant 7 : i32
      %shift_right_arithmetic3A_1297 = arith.shrsi %squeeze3A_1295, %shift_right_arithmetic3A_1296 : i32
      %mul3A_1298 = arith.constant 128 : i32
      %mul3A_1299 = arith.muli %shift_right_arithmetic3A_1297, %mul3A_1298 : i32
      %multiple_of3A_1300 = tpu.assume_multiple %mul3A_1299, 128 : i32
      %dma_start3A_1301 = arith.constant 160 : i32
      %dma_start3A_1302 = arith.constant 0 : i32
      %dma_start3A_1303 = tpu.memref_slice %arg6[%dma_start3A_1301, %dma_start3A_1302] : memref<512x128xf32, #tpu.memory_space<vmem>> -> memref<32x128xf32, #tpu.memory_space<vmem>>
      %dma_start3A_1304 = arith.constant 0 : i32
      %dma_start3A_1305 = tpu.memref_slice %arg3[%dma_start3A_1304, %multiple_of3A_1300] : memref<32x1000000xf32, #tpu.memory_space<hbm>> -> memref<32x128xf32, #tpu.memory_space<hbm>>
      %dma_start3A_1306 = arith.constant 160 : i32
      %dma_start3A_1307 = arith.constant 0 : i32
      %dma_start3A_1308 = tpu.memref_slice %arg6[%dma_start3A_1306, %dma_start3A_1307] : memref<512x128xf32, #tpu.memory_space<vmem>> -> memref<32x128xf32, #tpu.memory_space<vmem>>
      %dma_start3A_1309 = arith.constant 0 : i32
      %dma_start3A_1310 = tpu.memref_slice %arg3[%dma_start3A_1309, %multiple_of3A_1300] : memref<32x1000000xf32, #tpu.memory_space<hbm>> -> memref<32x128xf32, #tpu.memory_space<hbm>>
      tpu.enqueue_dma source(%dma_start3A_1310 : memref<32x128xf32, #tpu.memory_space<hbm>>) target(%dma_start3A_1308 : memref<32x128xf32, #tpu.memory_space<vmem>>) target_semaphore(%arg8 : memref<!tpu.dma_semaphore, #tpu.memory_space<semaphore_mem>>)
      %slice3A_1311 = vector.extract_strided_slice %get3A_763 {offsets = [6], sizes = [1], strides = [1]} : vector<16xi32> to vector<1xi32>
      %squeeze3A_1312 = vector.extract %slice3A_1311[0] : i32 from vector<1xi32>
      %shift_right_arithmetic3A_1313 = arith.constant 7 : i32
      %shift_right_arithmetic3A_1314 = arith.shrsi %squeeze3A_1312, %shift_right_arithmetic3A_1313 : i32
      %mul3A_1315 = arith.constant 128 : i32
      %mul3A_1316 = arith.muli %shift_right_arithmetic3A_1314, %mul3A_1315 : i32
      %multiple_of3A_1317 = tpu.assume_multiple %mul3A_1316, 128 : i32
      %dma_start3A_1318 = arith.constant 192 : i32
      %dma_start3A_1319 = arith.constant 0 : i32
      %dma_start3A_1320 = tpu.memref_slice %arg6[%dma_start3A_1318, %dma_start3A_1319] : memref<512x128xf32, #tpu.memory_space<vmem>> -> memref<32x128xf32, #tpu.memory_space<vmem>>
      %dma_start3A_1321 = arith.constant 0 : i32
      %dma_start3A_1322 = tpu.memref_slice %arg3[%dma_start3A_1321, %multiple_of3A_1317] : memref<32x1000000xf32, #tpu.memory_space<hbm>> -> memref<32x128xf32, #tpu.memory_space<hbm>>
      %dma_start3A_1323 = arith.constant 192 : i32
      %dma_start3A_1324 = arith.constant 0 : i32
      %dma_start3A_1325 = tpu.memref_slice %arg6[%dma_start3A_1323, %dma_start3A_1324] : memref<512x128xf32, #tpu.memory_space<vmem>> -> memref<32x128xf32, #tpu.memory_space<vmem>>
      %dma_start3A_1326 = arith.constant 0 : i32
      %dma_start3A_1327 = tpu.memref_slice %arg3[%dma_start3A_1326, %multiple_of3A_1317] : memref<32x1000000xf32, #tpu.memory_space<hbm>> -> memref<32x128xf32, #tpu.memory_space<hbm>>
      tpu.enqueue_dma source(%dma_start3A_1327 : memref<32x128xf32, #tpu.memory_space<hbm>>) target(%dma_start3A_1325 : memref<32x128xf32, #tpu.memory_space<vmem>>) target_semaphore(%arg8 : memref<!tpu.dma_semaphore, #tpu.memory_space<semaphore_mem>>)
      %slice3A_1328 = vector.extract_strided_slice %get3A_763 {offsets = [7], sizes = [1], strides = [1]} : vector<16xi32> to vector<1xi32>
      %squeeze3A_1329 = vector.extract %slice3A_1328[0] : i32 from vector<1xi32>
      %shift_right_arithmetic3A_1330 = arith.constant 7 : i32
      %shift_right_arithmetic3A_1331 = arith.shrsi %squeeze3A_1329, %shift_right_arithmetic3A_1330 : i32
      %mul3A_1332 = arith.constant 128 : i32
      %mul3A_1333 = arith.muli %shift_right_arithmetic3A_1331, %mul3A_1332 : i32
      %multiple_of3A_1334 = tpu.assume_multiple %mul3A_1333, 128 : i32
      %dma_start3A_1335 = arith.constant 224 : i32
      %dma_start3A_1336 = arith.constant 0 : i32
      %dma_start3A_1337 = tpu.memref_slice %arg6[%dma_start3A_1335, %dma_start3A_1336] : memref<512x128xf32, #tpu.memory_space<vmem>> -> memref<32x128xf32, #tpu.memory_space<vmem>>
      %dma_start3A_1338 = arith.constant 0 : i32
      %dma_start3A_1339 = tpu.memref_slice %arg3[%dma_start3A_1338, %multiple_of3A_1334] : memref<32x1000000xf32, #tpu.memory_space<hbm>> -> memref<32x128xf32, #tpu.memory_space<hbm>>
      %dma_start3A_1340 = arith.constant 224 : i32
      %dma_start3A_1341 = arith.constant 0 : i32
      %dma_start3A_1342 = tpu.memref_slice %arg6[%dma_start3A_1340, %dma_start3A_1341] : memref<512x128xf32, #tpu.memory_space<vmem>> -> memref<32x128xf32, #tpu.memory_space<vmem>>
      %dma_start3A_1343 = arith.constant 0 : i32
      %dma_start3A_1344 = tpu.memref_slice %arg3[%dma_start3A_1343, %multiple_of3A_1334] : memref<32x1000000xf32, #tpu.memory_space<hbm>> -> memref<32x128xf32, #tpu.memory_space<hbm>>
      tpu.enqueue_dma source(%dma_start3A_1344 : memref<32x128xf32, #tpu.memory_space<hbm>>) target(%dma_start3A_1342 : memref<32x128xf32, #tpu.memory_space<vmem>>) target_semaphore(%arg8 : memref<!tpu.dma_semaphore, #tpu.memory_space<semaphore_mem>>)
      %dma_wait3A_1345 = arith.constant 0 : i32
      %dma_wait3A_1346 = arith.constant 0 : i32
      %dma_wait3A_1347 = tpu.memref_slice %arg6[%dma_wait3A_1345, %dma_wait3A_1346] : memref<512x128xf32, #tpu.memory_space<vmem>> -> memref<32x128xf32, #tpu.memory_space<vmem>>
      %dma_wait3A_1348 = arith.constant 0 : i32
      %dma_wait3A_1349 = arith.constant 0 : i32
      %dma_wait3A_1350 = tpu.memref_slice %arg3[%dma_wait3A_1348, %dma_wait3A_1349] : memref<32x1000000xf32, #tpu.memory_space<hbm>> -> memref<32x128xf32, #tpu.memory_space<hbm>>
      %dma_wait3A_1351 = arith.constant 0 : i32
      %dma_wait3A_1352 = arith.constant 0 : i32
      %dma_wait3A_1353 = tpu.memref_slice %arg6[%dma_wait3A_1351, %dma_wait3A_1352] : memref<512x128xf32, #tpu.memory_space<vmem>> -> memref<32x128xf32, #tpu.memory_space<vmem>>
      %dma_wait3A_1354 = arith.constant 0 : i32
      %dma_wait3A_1355 = arith.constant 0 : i32
      %dma_wait3A_1356 = tpu.memref_slice %arg3[%dma_wait3A_1354, %dma_wait3A_1355] : memref<32x1000000xf32, #tpu.memory_space<hbm>> -> memref<32x128xf32, #tpu.memory_space<hbm>>
      tpu.wait_dma2 semaphore(%arg9 : memref<!tpu.dma_semaphore, #tpu.memory_space<semaphore_mem>>) src(%dma_wait3A_1356 : memref<32x128xf32, #tpu.memory_space<hbm>>) dst(%dma_wait3A_1353 : memref<32x128xf32, #tpu.memory_space<vmem>>)
      %dma_wait3A_1357 = arith.constant 0 : i32
      %dma_wait3A_1358 = arith.constant 0 : i32
      %dma_wait3A_1359 = tpu.memref_slice %arg6[%dma_wait3A_1357, %dma_wait3A_1358] : memref<512x128xf32, #tpu.memory_space<vmem>> -> memref<32x128xf32, #tpu.memory_space<vmem>>
      %dma_wait3A_1360 = arith.constant 0 : i32
      %dma_wait3A_1361 = arith.constant 0 : i32
      %dma_wait3A_1362 = tpu.memref_slice %arg3[%dma_wait3A_1360, %dma_wait3A_1361] : memref<32x1000000xf32, #tpu.memory_space<hbm>> -> memref<32x128xf32, #tpu.memory_space<hbm>>
      %dma_wait3A_1363 = arith.constant 0 : i32
      %dma_wait3A_1364 = arith.constant 0 : i32
      %dma_wait3A_1365 = tpu.memref_slice %arg6[%dma_wait3A_1363, %dma_wait3A_1364] : memref<512x128xf32, #tpu.memory_space<vmem>> -> memref<32x128xf32, #tpu.memory_space<vmem>>
      %dma_wait3A_1366 = arith.constant 0 : i32
      %dma_wait3A_1367 = arith.constant 0 : i32
      %dma_wait3A_1368 = tpu.memref_slice %arg3[%dma_wait3A_1366, %dma_wait3A_1367] : memref<32x1000000xf32, #tpu.memory_space<hbm>> -> memref<32x128xf32, #tpu.memory_space<hbm>>
      tpu.wait_dma2 semaphore(%arg9 : memref<!tpu.dma_semaphore, #tpu.memory_space<semaphore_mem>>) src(%dma_wait3A_1368 : memref<32x128xf32, #tpu.memory_space<hbm>>) dst(%dma_wait3A_1365 : memref<32x128xf32, #tpu.memory_space<vmem>>)
      %dma_wait3A_1369 = arith.constant 0 : i32
      %dma_wait3A_1370 = arith.constant 0 : i32
      %dma_wait3A_1371 = tpu.memref_slice %arg6[%dma_wait3A_1369, %dma_wait3A_1370] : memref<512x128xf32, #tpu.memory_space<vmem>> -> memref<32x128xf32, #tpu.memory_space<vmem>>
      %dma_wait3A_1372 = arith.constant 0 : i32
      %dma_wait3A_1373 = arith.constant 0 : i32
      %dma_wait3A_1374 = tpu.memref_slice %arg3[%dma_wait3A_1372, %dma_wait3A_1373] : memref<32x1000000xf32, #tpu.memory_space<hbm>> -> memref<32x128xf32, #tpu.memory_space<hbm>>
      %dma_wait3A_1375 = arith.constant 0 : i32
      %dma_wait3A_1376 = arith.constant 0 : i32
      %dma_wait3A_1377 = tpu.memref_slice %arg6[%dma_wait3A_1375, %dma_wait3A_1376] : memref<512x128xf32, #tpu.memory_space<vmem>> -> memref<32x128xf32, #tpu.memory_space<vmem>>
      %dma_wait3A_1378 = arith.constant 0 : i32
      %dma_wait3A_1379 = arith.constant 0 : i32
      %dma_wait3A_1380 = tpu.memref_slice %arg3[%dma_wait3A_1378, %dma_wait3A_1379] : memref<32x1000000xf32, #tpu.memory_space<hbm>> -> memref<32x128xf32, #tpu.memory_space<hbm>>
      tpu.wait_dma2 semaphore(%arg9 : memref<!tpu.dma_semaphore, #tpu.memory_space<semaphore_mem>>) src(%dma_wait3A_1380 : memref<32x128xf32, #tpu.memory_space<hbm>>) dst(%dma_wait3A_1377 : memref<32x128xf32, #tpu.memory_space<vmem>>)
      %dma_wait3A_1381 = arith.constant 0 : i32
      %dma_wait3A_1382 = arith.constant 0 : i32
      %dma_wait3A_1383 = tpu.memref_slice %arg6[%dma_wait3A_1381, %dma_wait3A_1382] : memref<512x128xf32, #tpu.memory_space<vmem>> -> memref<32x128xf32, #tpu.memory_space<vmem>>
      %dma_wait3A_1384 = arith.constant 0 : i32
      %dma_wait3A_1385 = arith.constant 0 : i32
      %dma_wait3A_1386 = tpu.memref_slice %arg3[%dma_wait3A_1384, %dma_wait3A_1385] : memref<32x1000000xf32, #tpu.memory_space<hbm>> -> memref<32x128xf32, #tpu.memory_space<hbm>>
      %dma_wait3A_1387 = arith.constant 0 : i32
      %dma_wait3A_1388 = arith.constant 0 : i32
      %dma_wait3A_1389 = tpu.memref_slice %arg6[%dma_wait3A_1387, %dma_wait3A_1388] : memref<512x128xf32, #tpu.memory_space<vmem>> -> memref<32x128xf32, #tpu.memory_space<vmem>>
      %dma_wait3A_1390 = arith.constant 0 : i32
      %dma_wait3A_1391 = arith.constant 0 : i32
      %dma_wait3A_1392 = tpu.memref_slice %arg3[%dma_wait3A_1390, %dma_wait3A_1391] : memref<32x1000000xf32, #tpu.memory_space<hbm>> -> memref<32x128xf32, #tpu.memory_space<hbm>>
      tpu.wait_dma2 semaphore(%arg9 : memref<!tpu.dma_semaphore, #tpu.memory_space<semaphore_mem>>) src(%dma_wait3A_1392 : memref<32x128xf32, #tpu.memory_space<hbm>>) dst(%dma_wait3A_1389 : memref<32x128xf32, #tpu.memory_space<vmem>>)
      %dma_wait3A_1393 = arith.constant 0 : i32
      %dma_wait3A_1394 = arith.constant 0 : i32
      %dma_wait3A_1395 = tpu.memref_slice %arg6[%dma_wait3A_1393, %dma_wait3A_1394] : memref<512x128xf32, #tpu.memory_space<vmem>> -> memref<32x128xf32, #tpu.memory_space<vmem>>
      %dma_wait3A_1396 = arith.constant 0 : i32
      %dma_wait3A_1397 = arith.constant 0 : i32
      %dma_wait3A_1398 = tpu.memref_slice %arg3[%dma_wait3A_1396, %dma_wait3A_1397] : memref<32x1000000xf32, #tpu.memory_space<hbm>> -> memref<32x128xf32, #tpu.memory_space<hbm>>
      %dma_wait3A_1399 = arith.constant 0 : i32
      %dma_wait3A_1400 = arith.constant 0 : i32
      %dma_wait3A_1401 = tpu.memref_slice %arg6[%dma_wait3A_1399, %dma_wait3A_1400] : memref<512x128xf32, #tpu.memory_space<vmem>> -> memref<32x128xf32, #tpu.memory_space<vmem>>
      %dma_wait3A_1402 = arith.constant 0 : i32
      %dma_wait3A_1403 = arith.constant 0 : i32
      %dma_wait3A_1404 = tpu.memref_slice %arg3[%dma_wait3A_1402, %dma_wait3A_1403] : memref<32x1000000xf32, #tpu.memory_space<hbm>> -> memref<32x128xf32, #tpu.memory_space<hbm>>
      tpu.wait_dma2 semaphore(%arg9 : memref<!tpu.dma_semaphore, #tpu.memory_space<semaphore_mem>>) src(%dma_wait3A_1404 : memref<32x128xf32, #tpu.memory_space<hbm>>) dst(%dma_wait3A_1401 : memref<32x128xf32, #tpu.memory_space<vmem>>)
      %dma_wait3A_1405 = arith.constant 0 : i32
      %dma_wait3A_1406 = arith.constant 0 : i32
      %dma_wait3A_1407 = tpu.memref_slice %arg6[%dma_wait3A_1405, %dma_wait3A_1406] : memref<512x128xf32, #tpu.memory_space<vmem>> -> memref<32x128xf32, #tpu.memory_space<vmem>>
      %dma_wait3A_1408 = arith.constant 0 : i32
      %dma_wait3A_1409 = arith.constant 0 : i32
      %dma_wait3A_1410 = tpu.memref_slice %arg3[%dma_wait3A_1408, %dma_wait3A_1409] : memref<32x1000000xf32, #tpu.memory_space<hbm>> -> memref<32x128xf32, #tpu.memory_space<hbm>>
      %dma_wait3A_1411 = arith.constant 0 : i32
      %dma_wait3A_1412 = arith.constant 0 : i32
      %dma_wait3A_1413 = tpu.memref_slice %arg6[%dma_wait3A_1411, %dma_wait3A_1412] : memref<512x128xf32, #tpu.memory_space<vmem>> -> memref<32x128xf32, #tpu.memory_space<vmem>>
      %dma_wait3A_1414 = arith.constant 0 : i32
      %dma_wait3A_1415 = arith.constant 0 : i32
      %dma_wait3A_1416 = tpu.memref_slice %arg3[%dma_wait3A_1414, %dma_wait3A_1415] : memref<32x1000000xf32, #tpu.memory_space<hbm>> -> memref<32x128xf32, #tpu.memory_space<hbm>>
      tpu.wait_dma2 semaphore(%arg9 : memref<!tpu.dma_semaphore, #tpu.memory_space<semaphore_mem>>) src(%dma_wait3A_1416 : memref<32x128xf32, #tpu.memory_space<hbm>>) dst(%dma_wait3A_1413 : memref<32x128xf32, #tpu.memory_space<vmem>>)
      %dma_wait3A_1417 = arith.constant 0 : i32
      %dma_wait3A_1418 = arith.constant 0 : i32
      %dma_wait3A_1419 = tpu.memref_slice %arg6[%dma_wait3A_1417, %dma_wait3A_1418] : memref<512x128xf32, #tpu.memory_space<vmem>> -> memref<32x128xf32, #tpu.memory_space<vmem>>
      %dma_wait3A_1420 = arith.constant 0 : i32
      %dma_wait3A_1421 = arith.constant 0 : i32
      %dma_wait3A_1422 = tpu.memref_slice %arg3[%dma_wait3A_1420, %dma_wait3A_1421] : memref<32x1000000xf32, #tpu.memory_space<hbm>> -> memref<32x128xf32, #tpu.memory_space<hbm>>
      %dma_wait3A_1423 = arith.constant 0 : i32
      %dma_wait3A_1424 = arith.constant 0 : i32
      %dma_wait3A_1425 = tpu.memref_slice %arg6[%dma_wait3A_1423, %dma_wait3A_1424] : memref<512x128xf32, #tpu.memory_space<vmem>> -> memref<32x128xf32, #tpu.memory_space<vmem>>
      %dma_wait3A_1426 = arith.constant 0 : i32
      %dma_wait3A_1427 = arith.constant 0 : i32
      %dma_wait3A_1428 = tpu.memref_slice %arg3[%dma_wait3A_1426, %dma_wait3A_1427] : memref<32x1000000xf32, #tpu.memory_space<hbm>> -> memref<32x128xf32, #tpu.memory_space<hbm>>
      tpu.wait_dma2 semaphore(%arg9 : memref<!tpu.dma_semaphore, #tpu.memory_space<semaphore_mem>>) src(%dma_wait3A_1428 : memref<32x128xf32, #tpu.memory_space<hbm>>) dst(%dma_wait3A_1425 : memref<32x128xf32, #tpu.memory_space<vmem>>)
      %dma_wait3A_1429 = arith.constant 0 : i32
      %dma_wait3A_1430 = arith.constant 0 : i32
      %dma_wait3A_1431 = tpu.memref_slice %arg6[%dma_wait3A_1429, %dma_wait3A_1430] : memref<512x128xf32, #tpu.memory_space<vmem>> -> memref<32x128xf32, #tpu.memory_space<vmem>>
      %dma_wait3A_1432 = arith.constant 0 : i32
      %dma_wait3A_1433 = arith.constant 0 : i32
      %dma_wait3A_1434 = tpu.memref_slice %arg3[%dma_wait3A_1432, %dma_wait3A_1433] : memref<32x1000000xf32, #tpu.memory_space<hbm>> -> memref<32x128xf32, #tpu.memory_space<hbm>>
      %dma_wait3A_1435 = arith.constant 0 : i32
      %dma_wait3A_1436 = arith.constant 0 : i32
      %dma_wait3A_1437 = tpu.memref_slice %arg6[%dma_wait3A_1435, %dma_wait3A_1436] : memref<512x128xf32, #tpu.memory_space<vmem>> -> memref<32x128xf32, #tpu.memory_space<vmem>>
      %dma_wait3A_1438 = arith.constant 0 : i32
      %dma_wait3A_1439 = arith.constant 0 : i32
      %dma_wait3A_1440 = tpu.memref_slice %arg3[%dma_wait3A_1438, %dma_wait3A_1439] : memref<32x1000000xf32, #tpu.memory_space<hbm>> -> memref<32x128xf32, #tpu.memory_space<hbm>>
      tpu.wait_dma2 semaphore(%arg9 : memref<!tpu.dma_semaphore, #tpu.memory_space<semaphore_mem>>) src(%dma_wait3A_1440 : memref<32x128xf32, #tpu.memory_space<hbm>>) dst(%dma_wait3A_1437 : memref<32x128xf32, #tpu.memory_space<vmem>>)
      %mul3A_1441 = arith.constant 2 : i32
      %mul3A_1442 = arith.muli %mul3A_1441, %scan3A_750 : i32
      %add3A_1443 = arith.constant 1 : i32
      %add3A_1444 = arith.addi %mul3A_1442, %add3A_1443 : i32
      %slice3A_1445 = vector.extract_strided_slice %get3A_755 {offsets = [8], sizes = [1], strides = [1]} : vector<16xi32> to vector<1xi32>
      %squeeze3A_1446 = vector.extract %slice3A_1445[0] : i32 from vector<1xi32>
      %and3A_1447 = arith.constant 127 : i32
      %and3A_1448 = arith.andi %squeeze3A_1446, %and3A_1447 : i32
      %broadcast_in_dim3A_1449 = vector.broadcast %and3A_1448 : i32 to vector<16xi32>
      %add3A_1450 = arith.constant 256 : i32
      %add3A_1451 = vector.broadcast %add3A_1450 : i32 to vector<16xi32>
      %add3A_1452 = arith.addi %iota3A, %add3A_1451 : vector<16xi32>
      %gather3A_1453 = tpu.vector_load_idx %arg6[%add3A_1452, %broadcast_in_dim3A_1449] : memref<512x128xf32, #tpu.memory_space<vmem>>[vector<16xi32>, vector<16xi32>], vector<16xf32>,
      %add3A_1454 = arith.constant 272 : i32
      %add3A_1455 = vector.broadcast %add3A_1454 : i32 to vector<16xi32>
      %add3A_1456 = arith.addi %iota3A, %add3A_1455 : vector<16xi32>
      %gather3A_1457 = tpu.vector_load_idx %arg6[%add3A_1456, %broadcast_in_dim3A_1449] : memref<512x128xf32, #tpu.memory_space<vmem>>[vector<16xi32>, vector<16xi32>], vector<16xf32>,
      %mul3A_1458 = arith.constant 8 : i32
      %mul3A_1459 = arith.muli %add3A_1444, %mul3A_1458 : i32
      %add3A_1460 = arith.constant 0 : i32
      %add3A_1461 = arith.addi %mul3A_1459, %add3A_1460 : i32
      %mul3A_1462 = arith.constant 32 : i32
      %mul3A_1463 = arith.muli %add3A_1461, %mul3A_1462 : i32
      %swap3A_1464 = arith.index_cast %mul3A_1463 : i32 to index
      %swap3A_1465 = tpu.vector_load %arg7[%swap3A_1464] {strides = array<i32>} : memref<16384xf32, #tpu.memory_space<vmem>>, vector<16xf32>,
      tpu.vector_store %arg7[%swap3A_1464], %gather3A_1453 {strides = array<i32>} : memref<16384xf32, #tpu.memory_space<vmem>>, vector<16xf32>,
      %add3A_1466 = arith.constant 16 : i32
      %add3A_1467 = arith.addi %mul3A_1463, %add3A_1466 : i32
      %swap3A_1468 = arith.index_cast %add3A_1467 : i32 to index
      %swap3A_1469 = tpu.vector_load %arg7[%swap3A_1468] {strides = array<i32>} : memref<16384xf32, #tpu.memory_space<vmem>>, vector<16xf32>,
      tpu.vector_store %arg7[%swap3A_1468], %gather3A_1457 {strides = array<i32>} : memref<16384xf32, #tpu.memory_space<vmem>>, vector<16xf32>,
      %slice3A_1470 = vector.extract_strided_slice %get3A_755 {offsets = [9], sizes = [1], strides = [1]} : vector<16xi32> to vector<1xi32>
      %squeeze3A_1471 = vector.extract %slice3A_1470[0] : i32 from vector<1xi32>
      %and3A_1472 = arith.constant 127 : i32
      %and3A_1473 = arith.andi %squeeze3A_1471, %and3A_1472 : i32
      %broadcast_in_dim3A_1474 = vector.broadcast %and3A_1473 : i32 to vector<16xi32>
      %add3A_1475 = arith.constant 288 : i32
      %add3A_1476 = vector.broadcast %add3A_1475 : i32 to vector<16xi32>
      %add3A_1477 = arith.addi %iota3A, %add3A_1476 : vector<16xi32>
      %gather3A_1478 = tpu.vector_load_idx %arg6[%add3A_1477, %broadcast_in_dim3A_1474] : memref<512x128xf32, #tpu.memory_space<vmem>>[vector<16xi32>, vector<16xi32>], vector<16xf32>,
      %add3A_1479 = arith.constant 304 : i32
      %add3A_1480 = vector.broadcast %add3A_1479 : i32 to vector<16xi32>
      %add3A_1481 = arith.addi %iota3A, %add3A_1480 : vector<16xi32>
      %gather3A_1482 = tpu.vector_load_idx %arg6[%add3A_1481, %broadcast_in_dim3A_1474] : memref<512x128xf32, #tpu.memory_space<vmem>>[vector<16xi32>, vector<16xi32>], vector<16xf32>,
      %mul3A_1483 = arith.constant 8 : i32
      %mul3A_1484 = arith.muli %add3A_1444, %mul3A_1483 : i32
      %add3A_1485 = arith.constant 1 : i32
      %add3A_1486 = arith.addi %mul3A_1484, %add3A_1485 : i32
      %mul3A_1487 = arith.constant 32 : i32
      %mul3A_1488 = arith.muli %add3A_1486, %mul3A_1487 : i32
      %swap3A_1489 = arith.index_cast %mul3A_1488 : i32 to index
      %swap3A_1490 = tpu.vector_load %arg7[%swap3A_1489] {strides = array<i32>} : memref<16384xf32, #tpu.memory_space<vmem>>, vector<16xf32>,
      tpu.vector_store %arg7[%swap3A_1489], %gather3A_1478 {strides = array<i32>} : memref<16384xf32, #tpu.memory_space<vmem>>, vector<16xf32>,
      %add3A_1491 = arith.constant 16 : i32
      %add3A_1492 = arith.addi %mul3A_1488, %add3A_1491 : i32
      %swap3A_1493 = arith.index_cast %add3A_1492 : i32 to index
      %swap3A_1494 = tpu.vector_load %arg7[%swap3A_1493] {strides = array<i32>} : memref<16384xf32, #tpu.memory_space<vmem>>, vector<16xf32>,
      tpu.vector_store %arg7[%swap3A_1493], %gather3A_1482 {strides = array<i32>} : memref<16384xf32, #tpu.memory_space<vmem>>, vector<16xf32>,
      %slice3A_1495 = vector.extract_strided_slice %get3A_755 {offsets = [10], sizes = [1], strides = [1]} : vector<16xi32> to vector<1xi32>
      %squeeze3A_1496 = vector.extract %slice3A_1495[0] : i32 from vector<1xi32>
      %and3A_1497 = arith.constant 127 : i32
      %and3A_1498 = arith.andi %squeeze3A_1496, %and3A_1497 : i32
      %broadcast_in_dim3A_1499 = vector.broadcast %and3A_1498 : i32 to vector<16xi32>
      %add3A_1500 = arith.constant 320 : i32
      %add3A_1501 = vector.broadcast %add3A_1500 : i32 to vector<16xi32>
      %add3A_1502 = arith.addi %iota3A, %add3A_1501 : vector<16xi32>
      %gather3A_1503 = tpu.vector_load_idx %arg6[%add3A_1502, %broadcast_in_dim3A_1499] : memref<512x128xf32, #tpu.memory_space<vmem>>[vector<16xi32>, vector<16xi32>], vector<16xf32>,
      %add3A_1504 = arith.constant 336 : i32
      %add3A_1505 = vector.broadcast %add3A_1504 : i32 to vector<16xi32>
      %add3A_1506 = arith.addi %iota3A, %add3A_1505 : vector<16xi32>
      %gather3A_1507 = tpu.vector_load_idx %arg6[%add3A_1506, %broadcast_in_dim3A_1499] : memref<512x128xf32, #tpu.memory_space<vmem>>[vector<16xi32>, vector<16xi32>], vector<16xf32>,
      %mul3A_1508 = arith.constant 8 : i32
      %mul3A_1509 = arith.muli %add3A_1444, %mul3A_1508 : i32
      %add3A_1510 = arith.constant 2 : i32
      %add3A_1511 = arith.addi %mul3A_1509, %add3A_1510 : i32
      %mul3A_1512 = arith.constant 32 : i32
      %mul3A_1513 = arith.muli %add3A_1511, %mul3A_1512 : i32
      %swap3A_1514 = arith.index_cast %mul3A_1513 : i32 to index
      %swap3A_1515 = tpu.vector_load %arg7[%swap3A_1514] {strides = array<i32>} : memref<16384xf32, #tpu.memory_space<vmem>>, vector<16xf32>,
      tpu.vector_store %arg7[%swap3A_1514], %gather3A_1503 {strides = array<i32>} : memref<16384xf32, #tpu.memory_space<vmem>>, vector<16xf32>,
      %add3A_1516 = arith.constant 16 : i32
      %add3A_1517 = arith.addi %mul3A_1513, %add3A_1516 : i32
      %swap3A_1518 = arith.index_cast %add3A_1517 : i32 to index
      %swap3A_1519 = tpu.vector_load %arg7[%swap3A_1518] {strides = array<i32>} : memref<16384xf32, #tpu.memory_space<vmem>>, vector<16xf32>,
      tpu.vector_store %arg7[%swap3A_1518], %gather3A_1507 {strides = array<i32>} : memref<16384xf32, #tpu.memory_space<vmem>>, vector<16xf32>,
      %slice3A_1520 = vector.extract_strided_slice %get3A_755 {offsets = [11], sizes = [1], strides = [1]} : vector<16xi32> to vector<1xi32>
      %squeeze3A_1521 = vector.extract %slice3A_1520[0] : i32 from vector<1xi32>
      %and3A_1522 = arith.constant 127 : i32
      %and3A_1523 = arith.andi %squeeze3A_1521, %and3A_1522 : i32
      %broadcast_in_dim3A_1524 = vector.broadcast %and3A_1523 : i32 to vector<16xi32>
      %add3A_1525 = arith.constant 352 : i32
      %add3A_1526 = vector.broadcast %add3A_1525 : i32 to vector<16xi32>
      %add3A_1527 = arith.addi %iota3A, %add3A_1526 : vector<16xi32>
      %gather3A_1528 = tpu.vector_load_idx %arg6[%add3A_1527, %broadcast_in_dim3A_1524] : memref<512x128xf32, #tpu.memory_space<vmem>>[vector<16xi32>, vector<16xi32>], vector<16xf32>,
      %add3A_1529 = arith.constant 368 : i32
      %add3A_1530 = vector.broadcast %add3A_1529 : i32 to vector<16xi32>
      %add3A_1531 = arith.addi %iota3A, %add3A_1530 : vector<16xi32>
      %gather3A_1532 = tpu.vector_load_idx %arg6[%add3A_1531, %broadcast_in_dim3A_1524] : memref<512x128xf32, #tpu.memory_space<vmem>>[vector<16xi32>, vector<16xi32>], vector<16xf32>,
      %mul3A_1533 = arith.constant 8 : i32
      %mul3A_1534 = arith.muli %add3A_1444, %mul3A_1533 : i32
      %add3A_1535 = arith.constant 3 : i32
      %add3A_1536 = arith.addi %mul3A_1534, %add3A_1535 : i32
      %mul3A_1537 = arith.constant 32 : i32
      %mul3A_1538 = arith.muli %add3A_1536, %mul3A_1537 : i32
      %swap3A_1539 = arith.index_cast %mul3A_1538 : i32 to index
      %swap3A_1540 = tpu.vector_load %arg7[%swap3A_1539] {strides = array<i32>} : memref<16384xf32, #tpu.memory_space<vmem>>, vector<16xf32>,
      tpu.vector_store %arg7[%swap3A_1539], %gather3A_1528 {strides = array<i32>} : memref<16384xf32, #tpu.memory_space<vmem>>, vector<16xf32>,
      %add3A_1541 = arith.constant 16 : i32
      %add3A_1542 = arith.addi %mul3A_1538, %add3A_1541 : i32
      %swap3A_1543 = arith.index_cast %add3A_1542 : i32 to index
      %swap3A_1544 = tpu.vector_load %arg7[%swap3A_1543] {strides = array<i32>} : memref<16384xf32, #tpu.memory_space<vmem>>, vector<16xf32>,
      tpu.vector_store %arg7[%swap3A_1543], %gather3A_1532 {strides = array<i32>} : memref<16384xf32, #tpu.memory_space<vmem>>, vector<16xf32>,
      %slice3A_1545 = vector.extract_strided_slice %get3A_755 {offsets = [12], sizes = [1], strides = [1]} : vector<16xi32> to vector<1xi32>
      %squeeze3A_1546 = vector.extract %slice3A_1545[0] : i32 from vector<1xi32>
      %and3A_1547 = arith.constant 127 : i32
      %and3A_1548 = arith.andi %squeeze3A_1546, %and3A_1547 : i32
      %broadcast_in_dim3A_1549 = vector.broadcast %and3A_1548 : i32 to vector<16xi32>
      %add3A_1550 = arith.constant 384 : i32
      %add3A_1551 = vector.broadcast %add3A_1550 : i32 to vector<16xi32>
      %add3A_1552 = arith.addi %iota3A, %add3A_1551 : vector<16xi32>
      %gather3A_1553 = tpu.vector_load_idx %arg6[%add3A_1552, %broadcast_in_dim3A_1549] : memref<512x128xf32, #tpu.memory_space<vmem>>[vector<16xi32>, vector<16xi32>], vector<16xf32>,
      %add3A_1554 = arith.constant 400 : i32
      %add3A_1555 = vector.broadcast %add3A_1554 : i32 to vector<16xi32>
      %add3A_1556 = arith.addi %iota3A, %add3A_1555 : vector<16xi32>
      %gather3A_1557 = tpu.vector_load_idx %arg6[%add3A_1556, %broadcast_in_dim3A_1549] : memref<512x128xf32, #tpu.memory_space<vmem>>[vector<16xi32>, vector<16xi32>], vector<16xf32>,
      %mul3A_1558 = arith.constant 8 : i32
      %mul3A_1559 = arith.muli %add3A_1444, %mul3A_1558 : i32
      %add3A_1560 = arith.constant 4 : i32
      %add3A_1561 = arith.addi %mul3A_1559, %add3A_1560 : i32
      %mul3A_1562 = arith.constant 32 : i32
      %mul3A_1563 = arith.muli %add3A_1561, %mul3A_1562 : i32
      %swap3A_1564 = arith.index_cast %mul3A_1563 : i32 to index
      %swap3A_1565 = tpu.vector_load %arg7[%swap3A_1564] {strides = array<i32>} : memref<16384xf32, #tpu.memory_space<vmem>>, vector<16xf32>,
      tpu.vector_store %arg7[%swap3A_1564], %gather3A_1553 {strides = array<i32>} : memref<16384xf32, #tpu.memory_space<vmem>>, vector<16xf32>,
      %add3A_1566 = arith.constant 16 : i32
      %add3A_1567 = arith.addi %mul3A_1563, %add3A_1566 : i32
      %swap3A_1568 = arith.index_cast %add3A_1567 : i32 to index
      %swap3A_1569 = tpu.vector_load %arg7[%swap3A_1568] {strides = array<i32>} : memref<16384xf32, #tpu.memory_space<vmem>>, vector<16xf32>,
      tpu.vector_store %arg7[%swap3A_1568], %gather3A_1557 {strides = array<i32>} : memref<16384xf32, #tpu.memory_space<vmem>>, vector<16xf32>,
      %slice3A_1570 = vector.extract_strided_slice %get3A_755 {offsets = [13], sizes = [1], strides = [1]} : vector<16xi32> to vector<1xi32>
      %squeeze3A_1571 = vector.extract %slice3A_1570[0] : i32 from vector<1xi32>
      %and3A_1572 = arith.constant 127 : i32
      %and3A_1573 = arith.andi %squeeze3A_1571, %and3A_1572 : i32
      %broadcast_in_dim3A_1574 = vector.broadcast %and3A_1573 : i32 to vector<16xi32>
      %add3A_1575 = arith.constant 416 : i32
      %add3A_1576 = vector.broadcast %add3A_1575 : i32 to vector<16xi32>
      %add3A_1577 = arith.addi %iota3A, %add3A_1576 : vector<16xi32>
      %gather3A_1578 = tpu.vector_load_idx %arg6[%add3A_1577, %broadcast_in_dim3A_1574] : memref<512x128xf32, #tpu.memory_space<vmem>>[vector<16xi32>, vector<16xi32>], vector<16xf32>,
      %add3A_1579 = arith.constant 432 : i32
      %add3A_1580 = vector.broadcast %add3A_1579 : i32 to vector<16xi32>
      %add3A_1581 = arith.addi %iota3A, %add3A_1580 : vector<16xi32>
      %gather3A_1582 = tpu.vector_load_idx %arg6[%add3A_1581, %broadcast_in_dim3A_1574] : memref<512x128xf32, #tpu.memory_space<vmem>>[vector<16xi32>, vector<16xi32>], vector<16xf32>,
      %mul3A_1583 = arith.constant 8 : i32
      %mul3A_1584 = arith.muli %add3A_1444, %mul3A_1583 : i32
      %add3A_1585 = arith.constant 5 : i32
      %add3A_1586 = arith.addi %mul3A_1584, %add3A_1585 : i32
      %mul3A_1587 = arith.constant 32 : i32
      %mul3A_1588 = arith.muli %add3A_1586, %mul3A_1587 : i32
      %swap3A_1589 = arith.index_cast %mul3A_1588 : i32 to index
      %swap3A_1590 = tpu.vector_load %arg7[%swap3A_1589] {strides = array<i32>} : memref<16384xf32, #tpu.memory_space<vmem>>, vector<16xf32>,
      tpu.vector_store %arg7[%swap3A_1589], %gather3A_1578 {strides = array<i32>} : memref<16384xf32, #tpu.memory_space<vmem>>, vector<16xf32>,
      %add3A_1591 = arith.constant 16 : i32
      %add3A_1592 = arith.addi %mul3A_1588, %add3A_1591 : i32
      %swap3A_1593 = arith.index_cast %add3A_1592 : i32 to index
      %swap3A_1594 = tpu.vector_load %arg7[%swap3A_1593] {strides = array<i32>} : memref<16384xf32, #tpu.memory_space<vmem>>, vector<16xf32>,
      tpu.vector_store %arg7[%swap3A_1593], %gather3A_1582 {strides = array<i32>} : memref<16384xf32, #tpu.memory_space<vmem>>, vector<16xf32>,
      %slice3A_1595 = vector.extract_strided_slice %get3A_755 {offsets = [14], sizes = [1], strides = [1]} : vector<16xi32> to vector<1xi32>
      %squeeze3A_1596 = vector.extract %slice3A_1595[0] : i32 from vector<1xi32>
      %and3A_1597 = arith.constant 127 : i32
      %and3A_1598 = arith.andi %squeeze3A_1596, %and3A_1597 : i32
      %broadcast_in_dim3A_1599 = vector.broadcast %and3A_1598 : i32 to vector<16xi32>
      %add3A_1600 = arith.constant 448 : i32
      %add3A_1601 = vector.broadcast %add3A_1600 : i32 to vector<16xi32>
      %add3A_1602 = arith.addi %iota3A, %add3A_1601 : vector<16xi32>
      %gather3A_1603 = tpu.vector_load_idx %arg6[%add3A_1602, %broadcast_in_dim3A_1599] : memref<512x128xf32, #tpu.memory_space<vmem>>[vector<16xi32>, vector<16xi32>], vector<16xf32>,
      %add3A_1604 = arith.constant 464 : i32
      %add3A_1605 = vector.broadcast %add3A_1604 : i32 to vector<16xi32>
      %add3A_1606 = arith.addi %iota3A, %add3A_1605 : vector<16xi32>
      %gather3A_1607 = tpu.vector_load_idx %arg6[%add3A_1606, %broadcast_in_dim3A_1599] : memref<512x128xf32, #tpu.memory_space<vmem>>[vector<16xi32>, vector<16xi32>], vector<16xf32>,
      %mul3A_1608 = arith.constant 8 : i32
      %mul3A_1609 = arith.muli %add3A_1444, %mul3A_1608 : i32
      %add3A_1610 = arith.constant 6 : i32
      %add3A_1611 = arith.addi %mul3A_1609, %add3A_1610 : i32
      %mul3A_1612 = arith.constant 32 : i32
      %mul3A_1613 = arith.muli %add3A_1611, %mul3A_1612 : i32
      %swap3A_1614 = arith.index_cast %mul3A_1613 : i32 to index
      %swap3A_1615 = tpu.vector_load %arg7[%swap3A_1614] {strides = array<i32>} : memref<16384xf32, #tpu.memory_space<vmem>>, vector<16xf32>,
      tpu.vector_store %arg7[%swap3A_1614], %gather3A_1603 {strides = array<i32>} : memref<16384xf32, #tpu.memory_space<vmem>>, vector<16xf32>,
      %add3A_1616 = arith.constant 16 : i32
      %add3A_1617 = arith.addi %mul3A_1613, %add3A_1616 : i32
      %swap3A_1618 = arith.index_cast %add3A_1617 : i32 to index
      %swap3A_1619 = tpu.vector_load %arg7[%swap3A_1618] {strides = array<i32>} : memref<16384xf32, #tpu.memory_space<vmem>>, vector<16xf32>,
      tpu.vector_store %arg7[%swap3A_1618], %gather3A_1607 {strides = array<i32>} : memref<16384xf32, #tpu.memory_space<vmem>>, vector<16xf32>,
      %slice3A_1620 = vector.extract_strided_slice %get3A_755 {offsets = [15], sizes = [1], strides = [1]} : vector<16xi32> to vector<1xi32>
      %squeeze3A_1621 = vector.extract %slice3A_1620[0] : i32 from vector<1xi32>
      %and3A_1622 = arith.constant 127 : i32
      %and3A_1623 = arith.andi %squeeze3A_1621, %and3A_1622 : i32
      %broadcast_in_dim3A_1624 = vector.broadcast %and3A_1623 : i32 to vector<16xi32>
      %add3A_1625 = arith.constant 480 : i32
      %add3A_1626 = vector.broadcast %add3A_1625 : i32 to vector<16xi32>
      %add3A_1627 = arith.addi %iota3A, %add3A_1626 : vector<16xi32>
      %gather3A_1628 = tpu.vector_load_idx %arg6[%add3A_1627, %broadcast_in_dim3A_1624] : memref<512x128xf32, #tpu.memory_space<vmem>>[vector<16xi32>, vector<16xi32>], vector<16xf32>,
      %add3A_1629 = arith.constant 496 : i32
      %add3A_1630 = vector.broadcast %add3A_1629 : i32 to vector<16xi32>
      %add3A_1631 = arith.addi %iota3A, %add3A_1630 : vector<16xi32>
      %gather3A_1632 = tpu.vector_load_idx %arg6[%add3A_1631, %broadcast_in_dim3A_1624] : memref<512x128xf32, #tpu.memory_space<vmem>>[vector<16xi32>, vector<16xi32>], vector<16xf32>,
      %mul3A_1633 = arith.constant 8 : i32
      %mul3A_1634 = arith.muli %add3A_1444, %mul3A_1633 : i32
      %add3A_1635 = arith.constant 7 : i32
      %add3A_1636 = arith.addi %mul3A_1634, %add3A_1635 : i32
      %mul3A_1637 = arith.constant 32 : i32
      %mul3A_1638 = arith.muli %add3A_1636, %mul3A_1637 : i32
      %swap3A_1639 = arith.index_cast %mul3A_1638 : i32 to index
      %swap3A_1640 = tpu.vector_load %arg7[%swap3A_1639] {strides = array<i32>} : memref<16384xf32, #tpu.memory_space<vmem>>, vector<16xf32>,
      tpu.vector_store %arg7[%swap3A_1639], %gather3A_1628 {strides = array<i32>} : memref<16384xf32, #tpu.memory_space<vmem>>, vector<16xf32>,
      %add3A_1641 = arith.constant 16 : i32
      %add3A_1642 = arith.addi %mul3A_1638, %add3A_1641 : i32
      %swap3A_1643 = arith.index_cast %add3A_1642 : i32 to index
      %swap3A_1644 = tpu.vector_load %arg7[%swap3A_1643] {strides = array<i32>} : memref<16384xf32, #tpu.memory_space<vmem>>, vector<16xf32>,
      tpu.vector_store %arg7[%swap3A_1643], %gather3A_1632 {strides = array<i32>} : memref<16384xf32, #tpu.memory_space<vmem>>, vector<16xf32>,
      %mul3A_1645 = arith.constant 2 : i32
      %mul3A_1646 = arith.muli %mul3A_1645, %scan3A_750 : i32
      %add3A_1647 = arith.constant 1 : i32
      %add3A_1648 = arith.addi %mul3A_1646, %add3A_1647 : i32
      %mul3A_1649 = arith.constant 8 : i32
      %mul3A_1650 = arith.muli %add3A_1648, %mul3A_1649 : i32
      %mul3A_1651 = arith.constant 32 : i32
      %mul3A_1652 = arith.muli %mul3A_1650, %mul3A_1651 : i32
      %mul3A_1653 = arith.constant 8 : i32
      %mul3A_1654 = arith.muli %add3A_1648, %mul3A_1653 : i32
      %mul3A_1655 = arith.constant 32 : i32
      %mul3A_1656 = arith.muli %mul3A_1654, %mul3A_1655 : i32
      %add3A_1657 = arith.addi %mul3A_4, %mul3A_1656 : i32
      %dma_start3A_1658 = tpu.memref_slice %arg7[%mul3A_1652] : memref<16384xf32, #tpu.memory_space<vmem>> -> memref<256xf32, #tpu.memory_space<vmem>>
      %dma_start3A_1659 = tpu.memref_slice %arg4[%add3A_1657] : memref<524288xf32, #tpu.memory_space<hbm>> -> memref<256xf32, #tpu.memory_space<hbm>>
      %dma_start3A_1660 = tpu.memref_slice %arg4[%add3A_1657] : memref<524288xf32, #tpu.memory_space<hbm>> -> memref<256xf32, #tpu.memory_space<hbm>>
      %dma_start3A_1661 = tpu.memref_slice %arg7[%mul3A_1652] : memref<16384xf32, #tpu.memory_space<vmem>> -> memref<256xf32, #tpu.memory_space<vmem>>
      tpu.enqueue_dma source(%dma_start3A_1661 : memref<256xf32, #tpu.memory_space<vmem>>) target(%dma_start3A_1660 : memref<256xf32, #tpu.memory_space<hbm>>) target_semaphore(%arg10 : memref<!tpu.dma_semaphore, #tpu.memory_space<semaphore_mem>>)
      %scan3A_1662 = arith.constant 0 : i32
      scf.yield %scan3A_1662 : i32
    }
    %scan3A_142 = arith.constant 32 : i32
    %dma_wait3A = arith.constant 0 : i32
    %dma_wait3A_143 = arith.constant 0 : i32
    %dma_wait3A_144 = tpu.memref_slice %arg6[%dma_wait3A, %dma_wait3A_143] : memref<512x128xf32, #tpu.memory_space<vmem>> -> memref<32x128xf32, #tpu.memory_space<vmem>>
    %dma_wait3A_145 = arith.constant 0 : i32
    %dma_wait3A_146 = arith.constant 0 : i32
    %dma_wait3A_147 = tpu.memref_slice %arg3[%dma_wait3A_145, %dma_wait3A_146] : memref<32x1000000xf32, #tpu.memory_space<hbm>> -> memref<32x128xf32, #tpu.memory_space<hbm>>
    %dma_wait3A_148 = arith.constant 0 : i32
    %dma_wait3A_149 = arith.constant 0 : i32
    %dma_wait3A_150 = tpu.memref_slice %arg6[%dma_wait3A_148, %dma_wait3A_149] : memref<512x128xf32, #tpu.memory_space<vmem>> -> memref<32x128xf32, #tpu.memory_space<vmem>>
    %dma_wait3A_151 = arith.constant 0 : i32
    %dma_wait3A_152 = arith.constant 0 : i32
    %dma_wait3A_153 = tpu.memref_slice %arg3[%dma_wait3A_151, %dma_wait3A_152] : memref<32x1000000xf32, #tpu.memory_space<hbm>> -> memref<32x128xf32, #tpu.memory_space<hbm>>
    tpu.wait_dma2 semaphore(%arg8 : memref<!tpu.dma_semaphore, #tpu.memory_space<semaphore_mem>>) src(%dma_wait3A_153 : memref<32x128xf32, #tpu.memory_space<hbm>>) dst(%dma_wait3A_150 : memref<32x128xf32, #tpu.memory_space<vmem>>)
    %dma_wait3A_154 = arith.constant 0 : i32
    %dma_wait3A_155 = arith.constant 0 : i32
    %dma_wait3A_156 = tpu.memref_slice %arg6[%dma_wait3A_154, %dma_wait3A_155] : memref<512x128xf32, #tpu.memory_space<vmem>> -> memref<32x128xf32, #tpu.memory_space<vmem>>
    %dma_wait3A_157 = arith.constant 0 : i32
    %dma_wait3A_158 = arith.constant 0 : i32
    %dma_wait3A_159 = tpu.memref_slice %arg3[%dma_wait3A_157, %dma_wait3A_158] : memref<32x1000000xf32, #tpu.memory_space<hbm>> -> memref<32x128xf32, #tpu.memory_space<hbm>>
    %dma_wait3A_160 = arith.constant 0 : i32
    %dma_wait3A_161 = arith.constant 0 : i32
    %dma_wait3A_162 = tpu.memref_slice %arg6[%dma_wait3A_160, %dma_wait3A_161] : memref<512x128xf32, #tpu.memory_space<vmem>> -> memref<32x128xf32, #tpu.memory_space<vmem>>
    %dma_wait3A_163 = arith.constant 0 : i32
    %dma_wait3A_164 = arith.constant 0 : i32
    %dma_wait3A_165 = tpu.memref_slice %arg3[%dma_wait3A_163, %dma_wait3A_164] : memref<32x1000000xf32, #tpu.memory_space<hbm>> -> memref<32x128xf32, #tpu.memory_space<hbm>>
    tpu.wait_dma2 semaphore(%arg8 : memref<!tpu.dma_semaphore, #tpu.memory_space<semaphore_mem>>) src(%dma_wait3A_165 : memref<32x128xf32, #tpu.memory_space<hbm>>) dst(%dma_wait3A_162 : memref<32x128xf32, #tpu.memory_space<vmem>>)
    %dma_wait3A_166 = arith.constant 0 : i32
    %dma_wait3A_167 = arith.constant 0 : i32
    %dma_wait3A_168 = tpu.memref_slice %arg6[%dma_wait3A_166, %dma_wait3A_167] : memref<512x128xf32, #tpu.memory_space<vmem>> -> memref<32x128xf32, #tpu.memory_space<vmem>>
    %dma_wait3A_169 = arith.constant 0 : i32
    %dma_wait3A_170 = arith.constant 0 : i32
    %dma_wait3A_171 = tpu.memref_slice %arg3[%dma_wait3A_169, %dma_wait3A_170] : memref<32x1000000xf32, #tpu.memory_space<hbm>> -> memref<32x128xf32, #tpu.memory_space<hbm>>
    %dma_wait3A_172 = arith.constant 0 : i32
    %dma_wait3A_173 = arith.constant 0 : i32
    %dma_wait3A_174 = tpu.memref_slice %arg6[%dma_wait3A_172, %dma_wait3A_173] : memref<512x128xf32, #tpu.memory_space<vmem>> -> memref<32x128xf32, #tpu.memory_space<vmem>>
    %dma_wait3A_175 = arith.constant 0 : i32
    %dma_wait3A_176 = arith.constant 0 : i32
    %dma_wait3A_177 = tpu.memref_slice %arg3[%dma_wait3A_175, %dma_wait3A_176] : memref<32x1000000xf32, #tpu.memory_space<hbm>> -> memref<32x128xf32, #tpu.memory_space<hbm>>
    tpu.wait_dma2 semaphore(%arg8 : memref<!tpu.dma_semaphore, #tpu.memory_space<semaphore_mem>>) src(%dma_wait3A_177 : memref<32x128xf32, #tpu.memory_space<hbm>>) dst(%dma_wait3A_174 : memref<32x128xf32, #tpu.memory_space<vmem>>)
    %dma_wait3A_178 = arith.constant 0 : i32
    %dma_wait3A_179 = arith.constant 0 : i32
    %dma_wait3A_180 = tpu.memref_slice %arg6[%dma_wait3A_178, %dma_wait3A_179] : memref<512x128xf32, #tpu.memory_space<vmem>> -> memref<32x128xf32, #tpu.memory_space<vmem>>
    %dma_wait3A_181 = arith.constant 0 : i32
    %dma_wait3A_182 = arith.constant 0 : i32
    %dma_wait3A_183 = tpu.memref_slice %arg3[%dma_wait3A_181, %dma_wait3A_182] : memref<32x1000000xf32, #tpu.memory_space<hbm>> -> memref<32x128xf32, #tpu.memory_space<hbm>>
    %dma_wait3A_184 = arith.constant 0 : i32
    %dma_wait3A_185 = arith.constant 0 : i32
    %dma_wait3A_186 = tpu.memref_slice %arg6[%dma_wait3A_184, %dma_wait3A_185] : memref<512x128xf32, #tpu.memory_space<vmem>> -> memref<32x128xf32, #tpu.memory_space<vmem>>
    %dma_wait3A_187 = arith.constant 0 : i32
    %dma_wait3A_188 = arith.constant 0 : i32
    %dma_wait3A_189 = tpu.memref_slice %arg3[%dma_wait3A_187, %dma_wait3A_188] : memref<32x1000000xf32, #tpu.memory_space<hbm>> -> memref<32x128xf32, #tpu.memory_space<hbm>>
    tpu.wait_dma2 semaphore(%arg8 : memref<!tpu.dma_semaphore, #tpu.memory_space<semaphore_mem>>) src(%dma_wait3A_189 : memref<32x128xf32, #tpu.memory_space<hbm>>) dst(%dma_wait3A_186 : memref<32x128xf32, #tpu.memory_space<vmem>>)
    %dma_wait3A_190 = arith.constant 0 : i32
    %dma_wait3A_191 = arith.constant 0 : i32
    %dma_wait3A_192 = tpu.memref_slice %arg6[%dma_wait3A_190, %dma_wait3A_191] : memref<512x128xf32, #tpu.memory_space<vmem>> -> memref<32x128xf32, #tpu.memory_space<vmem>>
    %dma_wait3A_193 = arith.constant 0 : i32
    %dma_wait3A_194 = arith.constant 0 : i32
    %dma_wait3A_195 = tpu.memref_slice %arg3[%dma_wait3A_193, %dma_wait3A_194] : memref<32x1000000xf32, #tpu.memory_space<hbm>> -> memref<32x128xf32, #tpu.memory_space<hbm>>
    %dma_wait3A_196 = arith.constant 0 : i32
    %dma_wait3A_197 = arith.constant 0 : i32
    %dma_wait3A_198 = tpu.memref_slice %arg6[%dma_wait3A_196, %dma_wait3A_197] : memref<512x128xf32, #tpu.memory_space<vmem>> -> memref<32x128xf32, #tpu.memory_space<vmem>>
    %dma_wait3A_199 = arith.constant 0 : i32
    %dma_wait3A_200 = arith.constant 0 : i32
    %dma_wait3A_201 = tpu.memref_slice %arg3[%dma_wait3A_199, %dma_wait3A_200] : memref<32x1000000xf32, #tpu.memory_space<hbm>> -> memref<32x128xf32, #tpu.memory_space<hbm>>
    tpu.wait_dma2 semaphore(%arg8 : memref<!tpu.dma_semaphore, #tpu.memory_space<semaphore_mem>>) src(%dma_wait3A_201 : memref<32x128xf32, #tpu.memory_space<hbm>>) dst(%dma_wait3A_198 : memref<32x128xf32, #tpu.memory_space<vmem>>)
    %dma_wait3A_202 = arith.constant 0 : i32
    %dma_wait3A_203 = arith.constant 0 : i32
    %dma_wait3A_204 = tpu.memref_slice %arg6[%dma_wait3A_202, %dma_wait3A_203] : memref<512x128xf32, #tpu.memory_space<vmem>> -> memref<32x128xf32, #tpu.memory_space<vmem>>
    %dma_wait3A_205 = arith.constant 0 : i32
    %dma_wait3A_206 = arith.constant 0 : i32
    %dma_wait3A_207 = tpu.memref_slice %arg3[%dma_wait3A_205, %dma_wait3A_206] : memref<32x1000000xf32, #tpu.memory_space<hbm>> -> memref<32x128xf32, #tpu.memory_space<hbm>>
    %dma_wait3A_208 = arith.constant 0 : i32
    %dma_wait3A_209 = arith.constant 0 : i32
    %dma_wait3A_210 = tpu.memref_slice %arg6[%dma_wait3A_208, %dma_wait3A_209] : memref<512x128xf32, #tpu.memory_space<vmem>> -> memref<32x128xf32, #tpu.memory_space<vmem>>
    %dma_wait3A_211 = arith.constant 0 : i32
    %dma_wait3A_212 = arith.constant 0 : i32
    %dma_wait3A_213 = tpu.memref_slice %arg3[%dma_wait3A_211, %dma_wait3A_212] : memref<32x1000000xf32, #tpu.memory_space<hbm>> -> memref<32x128xf32, #tpu.memory_space<hbm>>
    tpu.wait_dma2 semaphore(%arg8 : memref<!tpu.dma_semaphore, #tpu.memory_space<semaphore_mem>>) src(%dma_wait3A_213 : memref<32x128xf32, #tpu.memory_space<hbm>>) dst(%dma_wait3A_210 : memref<32x128xf32, #tpu.memory_space<vmem>>)
    %dma_wait3A_214 = arith.constant 0 : i32
    %dma_wait3A_215 = arith.constant 0 : i32
    %dma_wait3A_216 = tpu.memref_slice %arg6[%dma_wait3A_214, %dma_wait3A_215] : memref<512x128xf32, #tpu.memory_space<vmem>> -> memref<32x128xf32, #tpu.memory_space<vmem>>
    %dma_wait3A_217 = arith.constant 0 : i32
    %dma_wait3A_218 = arith.constant 0 : i32
    %dma_wait3A_219 = tpu.memref_slice %arg3[%dma_wait3A_217, %dma_wait3A_218] : memref<32x1000000xf32, #tpu.memory_space<hbm>> -> memref<32x128xf32, #tpu.memory_space<hbm>>
    %dma_wait3A_220 = arith.constant 0 : i32
    %dma_wait3A_221 = arith.constant 0 : i32
    %dma_wait3A_222 = tpu.memref_slice %arg6[%dma_wait3A_220, %dma_wait3A_221] : memref<512x128xf32, #tpu.memory_space<vmem>> -> memref<32x128xf32, #tpu.memory_space<vmem>>
    %dma_wait3A_223 = arith.constant 0 : i32
    %dma_wait3A_224 = arith.constant 0 : i32
    %dma_wait3A_225 = tpu.memref_slice %arg3[%dma_wait3A_223, %dma_wait3A_224] : memref<32x1000000xf32, #tpu.memory_space<hbm>> -> memref<32x128xf32, #tpu.memory_space<hbm>>
    tpu.wait_dma2 semaphore(%arg8 : memref<!tpu.dma_semaphore, #tpu.memory_space<semaphore_mem>>) src(%dma_wait3A_225 : memref<32x128xf32, #tpu.memory_space<hbm>>) dst(%dma_wait3A_222 : memref<32x128xf32, #tpu.memory_space<vmem>>)
    %dma_wait3A_226 = arith.constant 0 : i32
    %dma_wait3A_227 = arith.constant 0 : i32
    %dma_wait3A_228 = tpu.memref_slice %arg6[%dma_wait3A_226, %dma_wait3A_227] : memref<512x128xf32, #tpu.memory_space<vmem>> -> memref<32x128xf32, #tpu.memory_space<vmem>>
    %dma_wait3A_229 = arith.constant 0 : i32
    %dma_wait3A_230 = arith.constant 0 : i32
    %dma_wait3A_231 = tpu.memref_slice %arg3[%dma_wait3A_229, %dma_wait3A_230] : memref<32x1000000xf32, #tpu.memory_space<hbm>> -> memref<32x128xf32, #tpu.memory_space<hbm>>
    %dma_wait3A_232 = arith.constant 0 : i32
    %dma_wait3A_233 = arith.constant 0 : i32
    %dma_wait3A_234 = tpu.memref_slice %arg6[%dma_wait3A_232, %dma_wait3A_233] : memref<512x128xf32, #tpu.memory_space<vmem>> -> memref<32x128xf32, #tpu.memory_space<vmem>>
    %dma_wait3A_235 = arith.constant 0 : i32
    %dma_wait3A_236 = arith.constant 0 : i32
    %dma_wait3A_237 = tpu.memref_slice %arg3[%dma_wait3A_235, %dma_wait3A_236] : memref<32x1000000xf32, #tpu.memory_space<hbm>> -> memref<32x128xf32, #tpu.memory_space<hbm>>
    tpu.wait_dma2 semaphore(%arg8 : memref<!tpu.dma_semaphore, #tpu.memory_space<semaphore_mem>>) src(%dma_wait3A_237 : memref<32x128xf32, #tpu.memory_space<hbm>>) dst(%dma_wait3A_234 : memref<32x128xf32, #tpu.memory_space<vmem>>)
    %dma_wait3A_238 = arith.constant 0 : i32
    %dma_wait3A_239 = tpu.memref_slice %arg7[%dma_wait3A_238] : memref<16384xf32, #tpu.memory_space<vmem>> -> memref<256xf32, #tpu.memory_space<vmem>>
    %dma_wait3A_240 = arith.constant 0 : i32
    %dma_wait3A_241 = tpu.memref_slice %arg4[%dma_wait3A_240] : memref<524288xf32, #tpu.memory_space<hbm>> -> memref<256xf32, #tpu.memory_space<hbm>>
    %dma_wait3A_242 = arith.constant 0 : i32
    %dma_wait3A_243 = tpu.memref_slice %arg4[%dma_wait3A_242] : memref<524288xf32, #tpu.memory_space<hbm>> -> memref<256xf32, #tpu.memory_space<hbm>>
    %dma_wait3A_244 = arith.constant 0 : i32
    %dma_wait3A_245 = tpu.memref_slice %arg7[%dma_wait3A_244] : memref<16384xf32, #tpu.memory_space<vmem>> -> memref<256xf32, #tpu.memory_space<vmem>>
    tpu.wait_dma2 semaphore(%arg10 : memref<!tpu.dma_semaphore, #tpu.memory_space<semaphore_mem>>) src(%dma_wait3A_245 : memref<256xf32, #tpu.memory_space<vmem>>) dst(%dma_wait3A_243 : memref<256xf32, #tpu.memory_space<hbm>>)
    %dma_wait3A_246 = arith.constant 0 : i32
    %dma_wait3A_247 = tpu.memref_slice %arg7[%dma_wait3A_246] : memref<16384xf32, #tpu.memory_space<vmem>> -> memref<256xf32, #tpu.memory_space<vmem>>
    %dma_wait3A_248 = arith.constant 0 : i32
    %dma_wait3A_249 = tpu.memref_slice %arg4[%dma_wait3A_248] : memref<524288xf32, #tpu.memory_space<hbm>> -> memref<256xf32, #tpu.memory_space<hbm>>
    %dma_wait3A_250 = arith.constant 0 : i32
    %dma_wait3A_251 = tpu.memref_slice %arg4[%dma_wait3A_250] : memref<524288xf32, #tpu.memory_space<hbm>> -> memref<256xf32, #tpu.memory_space<hbm>>
    %dma_wait3A_252 = arith.constant 0 : i32
    %dma_wait3A_253 = tpu.memref_slice %arg7[%dma_wait3A_252] : memref<16384xf32, #tpu.memory_space<vmem>> -> memref<256xf32, #tpu.memory_space<vmem>>
    tpu.wait_dma2 semaphore(%arg10 : memref<!tpu.dma_semaphore, #tpu.memory_space<semaphore_mem>>) src(%dma_wait3A_253 : memref<256xf32, #tpu.memory_space<vmem>>) dst(%dma_wait3A_251 : memref<256xf32, #tpu.memory_space<hbm>>)
    %dma_wait3A_254 = arith.constant 0 : i32
    %dma_wait3A_255 = tpu.memref_slice %arg7[%dma_wait3A_254] : memref<16384xf32, #tpu.memory_space<vmem>> -> memref<256xf32, #tpu.memory_space<vmem>>
    %dma_wait3A_256 = arith.constant 0 : i32
    %dma_wait3A_257 = tpu.memref_slice %arg4[%dma_wait3A_256] : memref<524288xf32, #tpu.memory_space<hbm>> -> memref<256xf32, #tpu.memory_space<hbm>>
    %dma_wait3A_258 = arith.constant 0 : i32
    %dma_wait3A_259 = tpu.memref_slice %arg4[%dma_wait3A_258] : memref<524288xf32, #tpu.memory_space<hbm>> -> memref<256xf32, #tpu.memory_space<hbm>>
    %dma_wait3A_260 = arith.constant 0 : i32
    %dma_wait3A_261 = tpu.memref_slice %arg7[%dma_wait3A_260] : memref<16384xf32, #tpu.memory_space<vmem>> -> memref<256xf32, #tpu.memory_space<vmem>>
    tpu.wait_dma2 semaphore(%arg10 : memref<!tpu.dma_semaphore, #tpu.memory_space<semaphore_mem>>) src(%dma_wait3A_261 : memref<256xf32, #tpu.memory_space<vmem>>) dst(%dma_wait3A_259 : memref<256xf32, #tpu.memory_space<hbm>>)
    %dma_wait3A_262 = arith.constant 0 : i32
    %dma_wait3A_263 = tpu.memref_slice %arg7[%dma_wait3A_262] : memref<16384xf32, #tpu.memory_space<vmem>> -> memref<256xf32, #tpu.memory_space<vmem>>
    %dma_wait3A_264 = arith.constant 0 : i32
    %dma_wait3A_265 = tpu.memref_slice %arg4[%dma_wait3A_264] : memref<524288xf32, #tpu.memory_space<hbm>> -> memref<256xf32, #tpu.memory_space<hbm>>
    %dma_wait3A_266 = arith.constant 0 : i32
    %dma_wait3A_267 = tpu.memref_slice %arg4[%dma_wait3A_266] : memref<524288xf32, #tpu.memory_space<hbm>> -> memref<256xf32, #tpu.memory_space<hbm>>
    %dma_wait3A_268 = arith.constant 0 : i32
    %dma_wait3A_269 = tpu.memref_slice %arg7[%dma_wait3A_268] : memref<16384xf32, #tpu.memory_space<vmem>> -> memref<256xf32, #tpu.memory_space<vmem>>
    tpu.wait_dma2 semaphore(%arg10 : memref<!tpu.dma_semaphore, #tpu.memory_space<semaphore_mem>>) src(%dma_wait3A_269 : memref<256xf32, #tpu.memory_space<vmem>>) dst(%dma_wait3A_267 : memref<256xf32, #tpu.memory_space<hbm>>)
    %dma_wait3A_270 = arith.constant 0 : i32
    %dma_wait3A_271 = tpu.memref_slice %arg7[%dma_wait3A_270] : memref<16384xf32, #tpu.memory_space<vmem>> -> memref<256xf32, #tpu.memory_space<vmem>>
    %dma_wait3A_272 = arith.constant 0 : i32
    %dma_wait3A_273 = tpu.memref_slice %arg4[%dma_wait3A_272] : memref<524288xf32, #tpu.memory_space<hbm>> -> memref<256xf32, #tpu.memory_space<hbm>>
    %dma_wait3A_274 = arith.constant 0 : i32
    %dma_wait3A_275 = tpu.memref_slice %arg4[%dma_wait3A_274] : memref<524288xf32, #tpu.memory_space<hbm>> -> memref<256xf32, #tpu.memory_space<hbm>>
    %dma_wait3A_276 = arith.constant 0 : i32
    %dma_wait3A_277 = tpu.memref_slice %arg7[%dma_wait3A_276] : memref<16384xf32, #tpu.memory_space<vmem>> -> memref<256xf32, #tpu.memory_space<vmem>>
    tpu.wait_dma2 semaphore(%arg10 : memref<!tpu.dma_semaphore, #tpu.memory_space<semaphore_mem>>) src(%dma_wait3A_277 : memref<256xf32, #tpu.memory_space<vmem>>) dst(%dma_wait3A_275 : memref<256xf32, #tpu.memory_space<hbm>>)
    %dma_wait3A_278 = arith.constant 0 : i32
    %dma_wait3A_279 = tpu.memref_slice %arg7[%dma_wait3A_278] : memref<16384xf32, #tpu.memory_space<vmem>> -> memref<256xf32, #tpu.memory_space<vmem>>
    %dma_wait3A_280 = arith.constant 0 : i32
    %dma_wait3A_281 = tpu.memref_slice %arg4[%dma_wait3A_280] : memref<524288xf32, #tpu.memory_space<hbm>> -> memref<256xf32, #tpu.memory_space<hbm>>
    %dma_wait3A_282 = arith.constant 0 : i32
    %dma_wait3A_283 = tpu.memref_slice %arg4[%dma_wait3A_282] : memref<524288xf32, #tpu.memory_space<hbm>> -> memref<256xf32, #tpu.memory_space<hbm>>
    %dma_wait3A_284 = arith.constant 0 : i32
    %dma_wait3A_285 = tpu.memref_slice %arg7[%dma_wait3A_284] : memref<16384xf32, #tpu.memory_space<vmem>> -> memref<256xf32, #tpu.memory_space<vmem>>
    tpu.wait_dma2 semaphore(%arg10 : memref<!tpu.dma_semaphore, #tpu.memory_space<semaphore_mem>>) src(%dma_wait3A_285 : memref<256xf32, #tpu.memory_space<vmem>>) dst(%dma_wait3A_283 : memref<256xf32, #tpu.memory_space<hbm>>)
    %dma_wait3A_286 = arith.constant 0 : i32
    %dma_wait3A_287 = tpu.memref_slice %arg7[%dma_wait3A_286] : memref<16384xf32, #tpu.memory_space<vmem>> -> memref<256xf32, #tpu.memory_space<vmem>>
    %dma_wait3A_288 = arith.constant 0 : i32
    %dma_wait3A_289 = tpu.memref_slice %arg4[%dma_wait3A_288] : memref<524288xf32, #tpu.memory_space<hbm>> -> memref<256xf32, #tpu.memory_space<hbm>>
    %dma_wait3A_290 = arith.constant 0 : i32
    %dma_wait3A_291 = tpu.memref_slice %arg4[%dma_wait3A_290] : memref<524288xf32, #tpu.memory_space<hbm>> -> memref<256xf32, #tpu.memory_space<hbm>>
    %dma_wait3A_292 = arith.constant 0 : i32
    %dma_wait3A_293 = tpu.memref_slice %arg7[%dma_wait3A_292] : memref<16384xf32, #tpu.memory_space<vmem>> -> memref<256xf32, #tpu.memory_space<vmem>>
    tpu.wait_dma2 semaphore(%arg10 : memref<!tpu.dma_semaphore, #tpu.memory_space<semaphore_mem>>) src(%dma_wait3A_293 : memref<256xf32, #tpu.memory_space<vmem>>) dst(%dma_wait3A_291 : memref<256xf32, #tpu.memory_space<hbm>>)
    %dma_wait3A_294 = arith.constant 0 : i32
    %dma_wait3A_295 = tpu.memref_slice %arg7[%dma_wait3A_294] : memref<16384xf32, #tpu.memory_space<vmem>> -> memref<256xf32, #tpu.memory_space<vmem>>
    %dma_wait3A_296 = arith.constant 0 : i32
    %dma_wait3A_297 = tpu.memref_slice %arg4[%dma_wait3A_296] : memref<524288xf32, #tpu.memory_space<hbm>> -> memref<256xf32, #tpu.memory_space<hbm>>
    %dma_wait3A_298 = arith.constant 0 : i32
    %dma_wait3A_299 = tpu.memref_slice %arg4[%dma_wait3A_298] : memref<524288xf32, #tpu.memory_space<hbm>> -> memref<256xf32, #tpu.memory_space<hbm>>
    %dma_wait3A_300 = arith.constant 0 : i32
    %dma_wait3A_301 = tpu.memref_slice %arg7[%dma_wait3A_300] : memref<16384xf32, #tpu.memory_space<vmem>> -> memref<256xf32, #tpu.memory_space<vmem>>
    tpu.wait_dma2 semaphore(%arg10 : memref<!tpu.dma_semaphore, #tpu.memory_space<semaphore_mem>>) src(%dma_wait3A_301 : memref<256xf32, #tpu.memory_space<vmem>>) dst(%dma_wait3A_299 : memref<256xf32, #tpu.memory_space<hbm>>)
    %dma_wait3A_302 = arith.constant 0 : i32
    %dma_wait3A_303 = tpu.memref_slice %arg7[%dma_wait3A_302] : memref<16384xf32, #tpu.memory_space<vmem>> -> memref<256xf32, #tpu.memory_space<vmem>>
    %dma_wait3A_304 = arith.constant 0 : i32
    %dma_wait3A_305 = tpu.memref_slice %arg4[%dma_wait3A_304] : memref<524288xf32, #tpu.memory_space<hbm>> -> memref<256xf32, #tpu.memory_space<hbm>>
    %dma_wait3A_306 = arith.constant 0 : i32
    %dma_wait3A_307 = tpu.memref_slice %arg4[%dma_wait3A_306] : memref<524288xf32, #tpu.memory_space<hbm>> -> memref<256xf32, #tpu.memory_space<hbm>>
    %dma_wait3A_308 = arith.constant 0 : i32
    %dma_wait3A_309 = tpu.memref_slice %arg7[%dma_wait3A_308] : memref<16384xf32, #tpu.memory_space<vmem>> -> memref<256xf32, #tpu.memory_space<vmem>>
    tpu.wait_dma2 semaphore(%arg10 : memref<!tpu.dma_semaphore, #tpu.memory_space<semaphore_mem>>) src(%dma_wait3A_309 : memref<256xf32, #tpu.memory_space<vmem>>) dst(%dma_wait3A_307 : memref<256xf32, #tpu.memory_space<hbm>>)
    %dma_wait3A_310 = arith.constant 0 : i32
    %dma_wait3A_311 = tpu.memref_slice %arg7[%dma_wait3A_310] : memref<16384xf32, #tpu.memory_space<vmem>> -> memref<256xf32, #tpu.memory_space<vmem>>
    %dma_wait3A_312 = arith.constant 0 : i32
    %dma_wait3A_313 = tpu.memref_slice %arg4[%dma_wait3A_312] : memref<524288xf32, #tpu.memory_space<hbm>> -> memref<256xf32, #tpu.memory_space<hbm>>
    %dma_wait3A_314 = arith.constant 0 : i32
    %dma_wait3A_315 = tpu.memref_slice %arg4[%dma_wait3A_314] : memref<524288xf32, #tpu.memory_space<hbm>> -> memref<256xf32, #tpu.memory_space<hbm>>
    %dma_wait3A_316 = arith.constant 0 : i32
    %dma_wait3A_317 = tpu.memref_slice %arg7[%dma_wait3A_316] : memref<16384xf32, #tpu.memory_space<vmem>> -> memref<256xf32, #tpu.memory_space<vmem>>
    tpu.wait_dma2 semaphore(%arg10 : memref<!tpu.dma_semaphore, #tpu.memory_space<semaphore_mem>>) src(%dma_wait3A_317 : memref<256xf32, #tpu.memory_space<vmem>>) dst(%dma_wait3A_315 : memref<256xf32, #tpu.memory_space<hbm>>)
    %dma_wait3A_318 = arith.constant 0 : i32
    %dma_wait3A_319 = tpu.memref_slice %arg7[%dma_wait3A_318] : memref<16384xf32, #tpu.memory_space<vmem>> -> memref<256xf32, #tpu.memory_space<vmem>>
    %dma_wait3A_320 = arith.constant 0 : i32
    %dma_wait3A_321 = tpu.memref_slice %arg4[%dma_wait3A_320] : memref<524288xf32, #tpu.memory_space<hbm>> -> memref<256xf32, #tpu.memory_space<hbm>>
    %dma_wait3A_322 = arith.constant 0 : i32
    %dma_wait3A_323 = tpu.memref_slice %arg4[%dma_wait3A_322] : memref<524288xf32, #tpu.memory_space<hbm>> -> memref<256xf32, #tpu.memory_space<hbm>>
    %dma_wait3A_324 = arith.constant 0 : i32
    %dma_wait3A_325 = tpu.memref_slice %arg7[%dma_wait3A_324] : memref<16384xf32, #tpu.memory_space<vmem>> -> memref<256xf32, #tpu.memory_space<vmem>>
    tpu.wait_dma2 semaphore(%arg10 : memref<!tpu.dma_semaphore, #tpu.memory_space<semaphore_mem>>) src(%dma_wait3A_325 : memref<256xf32, #tpu.memory_space<vmem>>) dst(%dma_wait3A_323 : memref<256xf32, #tpu.memory_space<hbm>>)
    %dma_wait3A_326 = arith.constant 0 : i32
    %dma_wait3A_327 = tpu.memref_slice %arg7[%dma_wait3A_326] : memref<16384xf32, #tpu.memory_space<vmem>> -> memref<256xf32, #tpu.memory_space<vmem>>
    %dma_wait3A_328 = arith.constant 0 : i32
    %dma_wait3A_329 = tpu.memref_slice %arg4[%dma_wait3A_328] : memref<524288xf32, #tpu.memory_space<hbm>> -> memref<256xf32, #tpu.memory_space<hbm>>
    %dma_wait3A_330 = arith.constant 0 : i32
    %dma_wait3A_331 = tpu.memref_slice %arg4[%dma_wait3A_330] : memref<524288xf32, #tpu.memory_space<hbm>> -> memref<256xf32, #tpu.memory_space<hbm>>
    %dma_wait3A_332 = arith.constant 0 : i32
    %dma_wait3A_333 = tpu.memref_slice %arg7[%dma_wait3A_332] : memref<16384xf32, #tpu.memory_space<vmem>> -> memref<256xf32, #tpu.memory_space<vmem>>
    tpu.wait_dma2 semaphore(%arg10 : memref<!tpu.dma_semaphore, #tpu.memory_space<semaphore_mem>>) src(%dma_wait3A_333 : memref<256xf32, #tpu.memory_space<vmem>>) dst(%dma_wait3A_331 : memref<256xf32, #tpu.memory_space<hbm>>)
    %dma_wait3A_334 = arith.constant 0 : i32
    %dma_wait3A_335 = tpu.memref_slice %arg7[%dma_wait3A_334] : memref<16384xf32, #tpu.memory_space<vmem>> -> memref<256xf32, #tpu.memory_space<vmem>>
    %dma_wait3A_336 = arith.constant 0 : i32
    %dma_wait3A_337 = tpu.memref_slice %arg4[%dma_wait3A_336] : memref<524288xf32, #tpu.memory_space<hbm>> -> memref<256xf32, #tpu.memory_space<hbm>>
    %dma_wait3A_338 = arith.constant 0 : i32
    %dma_wait3A_339 = tpu.memref_slice %arg4[%dma_wait3A_338] : memref<524288xf32, #tpu.memory_space<hbm>> -> memref<256xf32, #tpu.memory_space<hbm>>
    %dma_wait3A_340 = arith.constant 0 : i32
    %dma_wait3A_341 = tpu.memref_slice %arg7[%dma_wait3A_340] : memref<16384xf32, #tpu.memory_space<vmem>> -> memref<256xf32, #tpu.memory_space<vmem>>
    tpu.wait_dma2 semaphore(%arg10 : memref<!tpu.dma_semaphore, #tpu.memory_space<semaphore_mem>>) src(%dma_wait3A_341 : memref<256xf32, #tpu.memory_space<vmem>>) dst(%dma_wait3A_339 : memref<256xf32, #tpu.memory_space<hbm>>)
    %dma_wait3A_342 = arith.constant 0 : i32
    %dma_wait3A_343 = tpu.memref_slice %arg7[%dma_wait3A_342] : memref<16384xf32, #tpu.memory_space<vmem>> -> memref<256xf32, #tpu.memory_space<vmem>>
    %dma_wait3A_344 = arith.constant 0 : i32
    %dma_wait3A_345 = tpu.memref_slice %arg4[%dma_wait3A_344] : memref<524288xf32, #tpu.memory_space<hbm>> -> memref<256xf32, #tpu.memory_space<hbm>>
    %dma_wait3A_346 = arith.constant 0 : i32
    %dma_wait3A_347 = tpu.memref_slice %arg4[%dma_wait3A_346] : memref<524288xf32, #tpu.memory_space<hbm>> -> memref<256xf32, #tpu.memory_space<hbm>>
    %dma_wait3A_348 = arith.constant 0 : i32
    %dma_wait3A_349 = tpu.memref_slice %arg7[%dma_wait3A_348] : memref<16384xf32, #tpu.memory_space<vmem>> -> memref<256xf32, #tpu.memory_space<vmem>>
    tpu.wait_dma2 semaphore(%arg10 : memref<!tpu.dma_semaphore, #tpu.memory_space<semaphore_mem>>) src(%dma_wait3A_349 : memref<256xf32, #tpu.memory_space<vmem>>) dst(%dma_wait3A_347 : memref<256xf32, #tpu.memory_space<hbm>>)
    %dma_wait3A_350 = arith.constant 0 : i32
    %dma_wait3A_351 = tpu.memref_slice %arg7[%dma_wait3A_350] : memref<16384xf32, #tpu.memory_space<vmem>> -> memref<256xf32, #tpu.memory_space<vmem>>
    %dma_wait3A_352 = arith.constant 0 : i32
    %dma_wait3A_353 = tpu.memref_slice %arg4[%dma_wait3A_352] : memref<524288xf32, #tpu.memory_space<hbm>> -> memref<256xf32, #tpu.memory_space<hbm>>
    %dma_wait3A_354 = arith.constant 0 : i32
    %dma_wait3A_355 = tpu.memref_slice %arg4[%dma_wait3A_354] : memref<524288xf32, #tpu.memory_space<hbm>> -> memref<256xf32, #tpu.memory_space<hbm>>
    %dma_wait3A_356 = arith.constant 0 : i32
    %dma_wait3A_357 = tpu.memref_slice %arg7[%dma_wait3A_356] : memref<16384xf32, #tpu.memory_space<vmem>> -> memref<256xf32, #tpu.memory_space<vmem>>
    tpu.wait_dma2 semaphore(%arg10 : memref<!tpu.dma_semaphore, #tpu.memory_space<semaphore_mem>>) src(%dma_wait3A_357 : memref<256xf32, #tpu.memory_space<vmem>>) dst(%dma_wait3A_355 : memref<256xf32, #tpu.memory_space<hbm>>)
    %dma_wait3A_358 = arith.constant 0 : i32
    %dma_wait3A_359 = tpu.memref_slice %arg7[%dma_wait3A_358] : memref<16384xf32, #tpu.memory_space<vmem>> -> memref<256xf32, #tpu.memory_space<vmem>>
    %dma_wait3A_360 = arith.constant 0 : i32
    %dma_wait3A_361 = tpu.memref_slice %arg4[%dma_wait3A_360] : memref<524288xf32, #tpu.memory_space<hbm>> -> memref<256xf32, #tpu.memory_space<hbm>>
    %dma_wait3A_362 = arith.constant 0 : i32
    %dma_wait3A_363 = tpu.memref_slice %arg4[%dma_wait3A_362] : memref<524288xf32, #tpu.memory_space<hbm>> -> memref<256xf32, #tpu.memory_space<hbm>>
    %dma_wait3A_364 = arith.constant 0 : i32
    %dma_wait3A_365 = tpu.memref_slice %arg7[%dma_wait3A_364] : memref<16384xf32, #tpu.memory_space<vmem>> -> memref<256xf32, #tpu.memory_space<vmem>>
    tpu.wait_dma2 semaphore(%arg10 : memref<!tpu.dma_semaphore, #tpu.memory_space<semaphore_mem>>) src(%dma_wait3A_365 : memref<256xf32, #tpu.memory_space<vmem>>) dst(%dma_wait3A_363 : memref<256xf32, #tpu.memory_space<hbm>>)
    %dma_wait3A_366 = arith.constant 0 : i32
    %dma_wait3A_367 = tpu.memref_slice %arg7[%dma_wait3A_366] : memref<16384xf32, #tpu.memory_space<vmem>> -> memref<256xf32, #tpu.memory_space<vmem>>
    %dma_wait3A_368 = arith.constant 0 : i32
    %dma_wait3A_369 = tpu.memref_slice %arg4[%dma_wait3A_368] : memref<524288xf32, #tpu.memory_space<hbm>> -> memref<256xf32, #tpu.memory_space<hbm>>
    %dma_wait3A_370 = arith.constant 0 : i32
    %dma_wait3A_371 = tpu.memref_slice %arg4[%dma_wait3A_370] : memref<524288xf32, #tpu.memory_space<hbm>> -> memref<256xf32, #tpu.memory_space<hbm>>
    %dma_wait3A_372 = arith.constant 0 : i32
    %dma_wait3A_373 = tpu.memref_slice %arg7[%dma_wait3A_372] : memref<16384xf32, #tpu.memory_space<vmem>> -> memref<256xf32, #tpu.memory_space<vmem>>
    tpu.wait_dma2 semaphore(%arg10 : memref<!tpu.dma_semaphore, #tpu.memory_space<semaphore_mem>>) src(%dma_wait3A_373 : memref<256xf32, #tpu.memory_space<vmem>>) dst(%dma_wait3A_371 : memref<256xf32, #tpu.memory_space<hbm>>)
    %dma_wait3A_374 = arith.constant 0 : i32
    %dma_wait3A_375 = tpu.memref_slice %arg7[%dma_wait3A_374] : memref<16384xf32, #tpu.memory_space<vmem>> -> memref<256xf32, #tpu.memory_space<vmem>>
    %dma_wait3A_376 = arith.constant 0 : i32
    %dma_wait3A_377 = tpu.memref_slice %arg4[%dma_wait3A_376] : memref<524288xf32, #tpu.memory_space<hbm>> -> memref<256xf32, #tpu.memory_space<hbm>>
    %dma_wait3A_378 = arith.constant 0 : i32
    %dma_wait3A_379 = tpu.memref_slice %arg4[%dma_wait3A_378] : memref<524288xf32, #tpu.memory_space<hbm>> -> memref<256xf32, #tpu.memory_space<hbm>>
    %dma_wait3A_380 = arith.constant 0 : i32
    %dma_wait3A_381 = tpu.memref_slice %arg7[%dma_wait3A_380] : memref<16384xf32, #tpu.memory_space<vmem>> -> memref<256xf32, #tpu.memory_space<vmem>>
    tpu.wait_dma2 semaphore(%arg10 : memref<!tpu.dma_semaphore, #tpu.memory_space<semaphore_mem>>) src(%dma_wait3A_381 : memref<256xf32, #tpu.memory_space<vmem>>) dst(%dma_wait3A_379 : memref<256xf32, #tpu.memory_space<hbm>>)
    %dma_wait3A_382 = arith.constant 0 : i32
    %dma_wait3A_383 = tpu.memref_slice %arg7[%dma_wait3A_382] : memref<16384xf32, #tpu.memory_space<vmem>> -> memref<256xf32, #tpu.memory_space<vmem>>
    %dma_wait3A_384 = arith.constant 0 : i32
    %dma_wait3A_385 = tpu.memref_slice %arg4[%dma_wait3A_384] : memref<524288xf32, #tpu.memory_space<hbm>> -> memref<256xf32, #tpu.memory_space<hbm>>
    %dma_wait3A_386 = arith.constant 0 : i32
    %dma_wait3A_387 = tpu.memref_slice %arg4[%dma_wait3A_386] : memref<524288xf32, #tpu.memory_space<hbm>> -> memref<256xf32, #tpu.memory_space<hbm>>
    %dma_wait3A_388 = arith.constant 0 : i32
    %dma_wait3A_389 = tpu.memref_slice %arg7[%dma_wait3A_388] : memref<16384xf32, #tpu.memory_space<vmem>> -> memref<256xf32, #tpu.memory_space<vmem>>
    tpu.wait_dma2 semaphore(%arg10 : memref<!tpu.dma_semaphore, #tpu.memory_space<semaphore_mem>>) src(%dma_wait3A_389 : memref<256xf32, #tpu.memory_space<vmem>>) dst(%dma_wait3A_387 : memref<256xf32, #tpu.memory_space<hbm>>)
    %dma_wait3A_390 = arith.constant 0 : i32
    %dma_wait3A_391 = tpu.memref_slice %arg7[%dma_wait3A_390] : memref<16384xf32, #tpu.memory_space<vmem>> -> memref<256xf32, #tpu.memory_space<vmem>>
    %dma_wait3A_392 = arith.constant 0 : i32
    %dma_wait3A_393 = tpu.memref_slice %arg4[%dma_wait3A_392] : memref<524288xf32, #tpu.memory_space<hbm>> -> memref<256xf32, #tpu.memory_space<hbm>>
    %dma_wait3A_394 = arith.constant 0 : i32
    %dma_wait3A_395 = tpu.memref_slice %arg4[%dma_wait3A_394] : memref<524288xf32, #tpu.memory_space<hbm>> -> memref<256xf32, #tpu.memory_space<hbm>>
    %dma_wait3A_396 = arith.constant 0 : i32
    %dma_wait3A_397 = tpu.memref_slice %arg7[%dma_wait3A_396] : memref<16384xf32, #tpu.memory_space<vmem>> -> memref<256xf32, #tpu.memory_space<vmem>>
    tpu.wait_dma2 semaphore(%arg10 : memref<!tpu.dma_semaphore, #tpu.memory_space<semaphore_mem>>) src(%dma_wait3A_397 : memref<256xf32, #tpu.memory_space<vmem>>) dst(%dma_wait3A_395 : memref<256xf32, #tpu.memory_space<hbm>>)
    %dma_wait3A_398 = arith.constant 0 : i32
    %dma_wait3A_399 = tpu.memref_slice %arg7[%dma_wait3A_398] : memref<16384xf32, #tpu.memory_space<vmem>> -> memref<256xf32, #tpu.memory_space<vmem>>
    %dma_wait3A_400 = arith.constant 0 : i32
    %dma_wait3A_401 = tpu.memref_slice %arg4[%dma_wait3A_400] : memref<524288xf32, #tpu.memory_space<hbm>> -> memref<256xf32, #tpu.memory_space<hbm>>
    %dma_wait3A_402 = arith.constant 0 : i32
    %dma_wait3A_403 = tpu.memref_slice %arg4[%dma_wait3A_402] : memref<524288xf32, #tpu.memory_space<hbm>> -> memref<256xf32, #tpu.memory_space<hbm>>
    %dma_wait3A_404 = arith.constant 0 : i32
    %dma_wait3A_405 = tpu.memref_slice %arg7[%dma_wait3A_404] : memref<16384xf32, #tpu.memory_space<vmem>> -> memref<256xf32, #tpu.memory_space<vmem>>
    tpu.wait_dma2 semaphore(%arg10 : memref<!tpu.dma_semaphore, #tpu.memory_space<semaphore_mem>>) src(%dma_wait3A_405 : memref<256xf32, #tpu.memory_space<vmem>>) dst(%dma_wait3A_403 : memref<256xf32, #tpu.memory_space<hbm>>)
    %dma_wait3A_406 = arith.constant 0 : i32
    %dma_wait3A_407 = tpu.memref_slice %arg7[%dma_wait3A_406] : memref<16384xf32, #tpu.memory_space<vmem>> -> memref<256xf32, #tpu.memory_space<vmem>>
    %dma_wait3A_408 = arith.constant 0 : i32
    %dma_wait3A_409 = tpu.memref_slice %arg4[%dma_wait3A_408] : memref<524288xf32, #tpu.memory_space<hbm>> -> memref<256xf32, #tpu.memory_space<hbm>>
    %dma_wait3A_410 = arith.constant 0 : i32
    %dma_wait3A_411 = tpu.memref_slice %arg4[%dma_wait3A_410] : memref<524288xf32, #tpu.memory_space<hbm>> -> memref<256xf32, #tpu.memory_space<hbm>>
    %dma_wait3A_412 = arith.constant 0 : i32
    %dma_wait3A_413 = tpu.memref_slice %arg7[%dma_wait3A_412] : memref<16384xf32, #tpu.memory_space<vmem>> -> memref<256xf32, #tpu.memory_space<vmem>>
    tpu.wait_dma2 semaphore(%arg10 : memref<!tpu.dma_semaphore, #tpu.memory_space<semaphore_mem>>) src(%dma_wait3A_413 : memref<256xf32, #tpu.memory_space<vmem>>) dst(%dma_wait3A_411 : memref<256xf32, #tpu.memory_space<hbm>>)
    %dma_wait3A_414 = arith.constant 0 : i32
    %dma_wait3A_415 = tpu.memref_slice %arg7[%dma_wait3A_414] : memref<16384xf32, #tpu.memory_space<vmem>> -> memref<256xf32, #tpu.memory_space<vmem>>
    %dma_wait3A_416 = arith.constant 0 : i32
    %dma_wait3A_417 = tpu.memref_slice %arg4[%dma_wait3A_416] : memref<524288xf32, #tpu.memory_space<hbm>> -> memref<256xf32, #tpu.memory_space<hbm>>
    %dma_wait3A_418 = arith.constant 0 : i32
    %dma_wait3A_419 = tpu.memref_slice %arg4[%dma_wait3A_418] : memref<524288xf32, #tpu.memory_space<hbm>> -> memref<256xf32, #tpu.memory_space<hbm>>
    %dma_wait3A_420 = arith.constant 0 : i32
    %dma_wait3A_421 = tpu.memref_slice %arg7[%dma_wait3A_420] : memref<16384xf32, #tpu.memory_space<vmem>> -> memref<256xf32, #tpu.memory_space<vmem>>
    tpu.wait_dma2 semaphore(%arg10 : memref<!tpu.dma_semaphore, #tpu.memory_space<semaphore_mem>>) src(%dma_wait3A_421 : memref<256xf32, #tpu.memory_space<vmem>>) dst(%dma_wait3A_419 : memref<256xf32, #tpu.memory_space<hbm>>)
    %dma_wait3A_422 = arith.constant 0 : i32
    %dma_wait3A_423 = tpu.memref_slice %arg7[%dma_wait3A_422] : memref<16384xf32, #tpu.memory_space<vmem>> -> memref<256xf32, #tpu.memory_space<vmem>>
    %dma_wait3A_424 = arith.constant 0 : i32
    %dma_wait3A_425 = tpu.memref_slice %arg4[%dma_wait3A_424] : memref<524288xf32, #tpu.memory_space<hbm>> -> memref<256xf32, #tpu.memory_space<hbm>>
    %dma_wait3A_426 = arith.constant 0 : i32
    %dma_wait3A_427 = tpu.memref_slice %arg4[%dma_wait3A_426] : memref<524288xf32, #tpu.memory_space<hbm>> -> memref<256xf32, #tpu.memory_space<hbm>>
    %dma_wait3A_428 = arith.constant 0 : i32
    %dma_wait3A_429 = tpu.memref_slice %arg7[%dma_wait3A_428] : memref<16384xf32, #tpu.memory_space<vmem>> -> memref<256xf32, #tpu.memory_space<vmem>>
    tpu.wait_dma2 semaphore(%arg10 : memref<!tpu.dma_semaphore, #tpu.memory_space<semaphore_mem>>) src(%dma_wait3A_429 : memref<256xf32, #tpu.memory_space<vmem>>) dst(%dma_wait3A_427 : memref<256xf32, #tpu.memory_space<hbm>>)
    %dma_wait3A_430 = arith.constant 0 : i32
    %dma_wait3A_431 = tpu.memref_slice %arg7[%dma_wait3A_430] : memref<16384xf32, #tpu.memory_space<vmem>> -> memref<256xf32, #tpu.memory_space<vmem>>
    %dma_wait3A_432 = arith.constant 0 : i32
    %dma_wait3A_433 = tpu.memref_slice %arg4[%dma_wait3A_432] : memref<524288xf32, #tpu.memory_space<hbm>> -> memref<256xf32, #tpu.memory_space<hbm>>
    %dma_wait3A_434 = arith.constant 0 : i32
    %dma_wait3A_435 = tpu.memref_slice %arg4[%dma_wait3A_434] : memref<524288xf32, #tpu.memory_space<hbm>> -> memref<256xf32, #tpu.memory_space<hbm>>
    %dma_wait3A_436 = arith.constant 0 : i32
    %dma_wait3A_437 = tpu.memref_slice %arg7[%dma_wait3A_436] : memref<16384xf32, #tpu.memory_space<vmem>> -> memref<256xf32, #tpu.memory_space<vmem>>
    tpu.wait_dma2 semaphore(%arg10 : memref<!tpu.dma_semaphore, #tpu.memory_space<semaphore_mem>>) src(%dma_wait3A_437 : memref<256xf32, #tpu.memory_space<vmem>>) dst(%dma_wait3A_435 : memref<256xf32, #tpu.memory_space<hbm>>)
    %dma_wait3A_438 = arith.constant 0 : i32
    %dma_wait3A_439 = tpu.memref_slice %arg7[%dma_wait3A_438] : memref<16384xf32, #tpu.memory_space<vmem>> -> memref<256xf32, #tpu.memory_space<vmem>>
    %dma_wait3A_440 = arith.constant 0 : i32
    %dma_wait3A_441 = tpu.memref_slice %arg4[%dma_wait3A_440] : memref<524288xf32, #tpu.memory_space<hbm>> -> memref<256xf32, #tpu.memory_space<hbm>>
    %dma_wait3A_442 = arith.constant 0 : i32
    %dma_wait3A_443 = tpu.memref_slice %arg4[%dma_wait3A_442] : memref<524288xf32, #tpu.memory_space<hbm>> -> memref<256xf32, #tpu.memory_space<hbm>>
    %dma_wait3A_444 = arith.constant 0 : i32
    %dma_wait3A_445 = tpu.memref_slice %arg7[%dma_wait3A_444] : memref<16384xf32, #tpu.memory_space<vmem>> -> memref<256xf32, #tpu.memory_space<vmem>>
    tpu.wait_dma2 semaphore(%arg10 : memref<!tpu.dma_semaphore, #tpu.memory_space<semaphore_mem>>) src(%dma_wait3A_445 : memref<256xf32, #tpu.memory_space<vmem>>) dst(%dma_wait3A_443 : memref<256xf32, #tpu.memory_space<hbm>>)
    %dma_wait3A_446 = arith.constant 0 : i32
    %dma_wait3A_447 = tpu.memref_slice %arg7[%dma_wait3A_446] : memref<16384xf32, #tpu.memory_space<vmem>> -> memref<256xf32, #tpu.memory_space<vmem>>
    %dma_wait3A_448 = arith.constant 0 : i32
    %dma_wait3A_449 = tpu.memref_slice %arg4[%dma_wait3A_448] : memref<524288xf32, #tpu.memory_space<hbm>> -> memref<256xf32, #tpu.memory_space<hbm>>
    %dma_wait3A_450 = arith.constant 0 : i32
    %dma_wait3A_451 = tpu.memref_slice %arg4[%dma_wait3A_450] : memref<524288xf32, #tpu.memory_space<hbm>> -> memref<256xf32, #tpu.memory_space<hbm>>
    %dma_wait3A_452 = arith.constant 0 : i32
    %dma_wait3A_453 = tpu.memref_slice %arg7[%dma_wait3A_452] : memref<16384xf32, #tpu.memory_space<vmem>> -> memref<256xf32, #tpu.memory_space<vmem>>
    tpu.wait_dma2 semaphore(%arg10 : memref<!tpu.dma_semaphore, #tpu.memory_space<semaphore_mem>>) src(%dma_wait3A_453 : memref<256xf32, #tpu.memory_space<vmem>>) dst(%dma_wait3A_451 : memref<256xf32, #tpu.memory_space<hbm>>)
    %dma_wait3A_454 = arith.constant 0 : i32
    %dma_wait3A_455 = tpu.memref_slice %arg7[%dma_wait3A_454] : memref<16384xf32, #tpu.memory_space<vmem>> -> memref<256xf32, #tpu.memory_space<vmem>>
    %dma_wait3A_456 = arith.constant 0 : i32
    %dma_wait3A_457 = tpu.memref_slice %arg4[%dma_wait3A_456] : memref<524288xf32, #tpu.memory_space<hbm>> -> memref<256xf32, #tpu.memory_space<hbm>>
    %dma_wait3A_458 = arith.constant 0 : i32
    %dma_wait3A_459 = tpu.memref_slice %arg4[%dma_wait3A_458] : memref<524288xf32, #tpu.memory_space<hbm>> -> memref<256xf32, #tpu.memory_space<hbm>>
    %dma_wait3A_460 = arith.constant 0 : i32
    %dma_wait3A_461 = tpu.memref_slice %arg7[%dma_wait3A_460] : memref<16384xf32, #tpu.memory_space<vmem>> -> memref<256xf32, #tpu.memory_space<vmem>>
    tpu.wait_dma2 semaphore(%arg10 : memref<!tpu.dma_semaphore, #tpu.memory_space<semaphore_mem>>) src(%dma_wait3A_461 : memref<256xf32, #tpu.memory_space<vmem>>) dst(%dma_wait3A_459 : memref<256xf32, #tpu.memory_space<hbm>>)
    %dma_wait3A_462 = arith.constant 0 : i32
    %dma_wait3A_463 = tpu.memref_slice %arg7[%dma_wait3A_462] : memref<16384xf32, #tpu.memory_space<vmem>> -> memref<256xf32, #tpu.memory_space<vmem>>
    %dma_wait3A_464 = arith.constant 0 : i32
    %dma_wait3A_465 = tpu.memref_slice %arg4[%dma_wait3A_464] : memref<524288xf32, #tpu.memory_space<hbm>> -> memref<256xf32, #tpu.memory_space<hbm>>
    %dma_wait3A_466 = arith.constant 0 : i32
    %dma_wait3A_467 = tpu.memref_slice %arg4[%dma_wait3A_466] : memref<524288xf32, #tpu.memory_space<hbm>> -> memref<256xf32, #tpu.memory_space<hbm>>
    %dma_wait3A_468 = arith.constant 0 : i32
    %dma_wait3A_469 = tpu.memref_slice %arg7[%dma_wait3A_468] : memref<16384xf32, #tpu.memory_space<vmem>> -> memref<256xf32, #tpu.memory_space<vmem>>
    tpu.wait_dma2 semaphore(%arg10 : memref<!tpu.dma_semaphore, #tpu.memory_space<semaphore_mem>>) src(%dma_wait3A_469 : memref<256xf32, #tpu.memory_space<vmem>>) dst(%dma_wait3A_467 : memref<256xf32, #tpu.memory_space<hbm>>)
    %dma_wait3A_470 = arith.constant 0 : i32
    %dma_wait3A_471 = tpu.memref_slice %arg7[%dma_wait3A_470] : memref<16384xf32, #tpu.memory_space<vmem>> -> memref<256xf32, #tpu.memory_space<vmem>>
    %dma_wait3A_472 = arith.constant 0 : i32
    %dma_wait3A_473 = tpu.memref_slice %arg4[%dma_wait3A_472] : memref<524288xf32, #tpu.memory_space<hbm>> -> memref<256xf32, #tpu.memory_space<hbm>>
    %dma_wait3A_474 = arith.constant 0 : i32
    %dma_wait3A_475 = tpu.memref_slice %arg4[%dma_wait3A_474] : memref<524288xf32, #tpu.memory_space<hbm>> -> memref<256xf32, #tpu.memory_space<hbm>>
    %dma_wait3A_476 = arith.constant 0 : i32
    %dma_wait3A_477 = tpu.memref_slice %arg7[%dma_wait3A_476] : memref<16384xf32, #tpu.memory_space<vmem>> -> memref<256xf32, #tpu.memory_space<vmem>>
    tpu.wait_dma2 semaphore(%arg10 : memref<!tpu.dma_semaphore, #tpu.memory_space<semaphore_mem>>) src(%dma_wait3A_477 : memref<256xf32, #tpu.memory_space<vmem>>) dst(%dma_wait3A_475 : memref<256xf32, #tpu.memory_space<hbm>>)
    %dma_wait3A_478 = arith.constant 0 : i32
    %dma_wait3A_479 = tpu.memref_slice %arg7[%dma_wait3A_478] : memref<16384xf32, #tpu.memory_space<vmem>> -> memref<256xf32, #tpu.memory_space<vmem>>
    %dma_wait3A_480 = arith.constant 0 : i32
    %dma_wait3A_481 = tpu.memref_slice %arg4[%dma_wait3A_480] : memref<524288xf32, #tpu.memory_space<hbm>> -> memref<256xf32, #tpu.memory_space<hbm>>
    %dma_wait3A_482 = arith.constant 0 : i32
    %dma_wait3A_483 = tpu.memref_slice %arg4[%dma_wait3A_482] : memref<524288xf32, #tpu.memory_space<hbm>> -> memref<256xf32, #tpu.memory_space<hbm>>
    %dma_wait3A_484 = arith.constant 0 : i32
    %dma_wait3A_485 = tpu.memref_slice %arg7[%dma_wait3A_484] : memref<16384xf32, #tpu.memory_space<vmem>> -> memref<256xf32, #tpu.memory_space<vmem>>
    tpu.wait_dma2 semaphore(%arg10 : memref<!tpu.dma_semaphore, #tpu.memory_space<semaphore_mem>>) src(%dma_wait3A_485 : memref<256xf32, #tpu.memory_space<vmem>>) dst(%dma_wait3A_483 : memref<256xf32, #tpu.memory_space<hbm>>)
    %dma_wait3A_486 = arith.constant 0 : i32
    %dma_wait3A_487 = tpu.memref_slice %arg7[%dma_wait3A_486] : memref<16384xf32, #tpu.memory_space<vmem>> -> memref<256xf32, #tpu.memory_space<vmem>>
    %dma_wait3A_488 = arith.constant 0 : i32
    %dma_wait3A_489 = tpu.memref_slice %arg4[%dma_wait3A_488] : memref<524288xf32, #tpu.memory_space<hbm>> -> memref<256xf32, #tpu.memory_space<hbm>>
    %dma_wait3A_490 = arith.constant 0 : i32
    %dma_wait3A_491 = tpu.memref_slice %arg4[%dma_wait3A_490] : memref<524288xf32, #tpu.memory_space<hbm>> -> memref<256xf32, #tpu.memory_space<hbm>>
    %dma_wait3A_492 = arith.constant 0 : i32
    %dma_wait3A_493 = tpu.memref_slice %arg7[%dma_wait3A_492] : memref<16384xf32, #tpu.memory_space<vmem>> -> memref<256xf32, #tpu.memory_space<vmem>>
    tpu.wait_dma2 semaphore(%arg10 : memref<!tpu.dma_semaphore, #tpu.memory_space<semaphore_mem>>) src(%dma_wait3A_493 : memref<256xf32, #tpu.memory_space<vmem>>) dst(%dma_wait3A_491 : memref<256xf32, #tpu.memory_space<hbm>>)
    %dma_wait3A_494 = arith.constant 0 : i32
    %dma_wait3A_495 = tpu.memref_slice %arg7[%dma_wait3A_494] : memref<16384xf32, #tpu.memory_space<vmem>> -> memref<256xf32, #tpu.memory_space<vmem>>
    %dma_wait3A_496 = arith.constant 0 : i32
    %dma_wait3A_497 = tpu.memref_slice %arg4[%dma_wait3A_496] : memref<524288xf32, #tpu.memory_space<hbm>> -> memref<256xf32, #tpu.memory_space<hbm>>
    %dma_wait3A_498 = arith.constant 0 : i32
    %dma_wait3A_499 = tpu.memref_slice %arg4[%dma_wait3A_498] : memref<524288xf32, #tpu.memory_space<hbm>> -> memref<256xf32, #tpu.memory_space<hbm>>
    %dma_wait3A_500 = arith.constant 0 : i32
    %dma_wait3A_501 = tpu.memref_slice %arg7[%dma_wait3A_500] : memref<16384xf32, #tpu.memory_space<vmem>> -> memref<256xf32, #tpu.memory_space<vmem>>
    tpu.wait_dma2 semaphore(%arg10 : memref<!tpu.dma_semaphore, #tpu.memory_space<semaphore_mem>>) src(%dma_wait3A_501 : memref<256xf32, #tpu.memory_space<vmem>>) dst(%dma_wait3A_499 : memref<256xf32, #tpu.memory_space<hbm>>)
    %dma_wait3A_502 = arith.constant 0 : i32
    %dma_wait3A_503 = tpu.memref_slice %arg7[%dma_wait3A_502] : memref<16384xf32, #tpu.memory_space<vmem>> -> memref<256xf32, #tpu.memory_space<vmem>>
    %dma_wait3A_504 = arith.constant 0 : i32
    %dma_wait3A_505 = tpu.memref_slice %arg4[%dma_wait3A_504] : memref<524288xf32, #tpu.memory_space<hbm>> -> memref<256xf32, #tpu.memory_space<hbm>>
    %dma_wait3A_506 = arith.constant 0 : i32
    %dma_wait3A_507 = tpu.memref_slice %arg4[%dma_wait3A_506] : memref<524288xf32, #tpu.memory_space<hbm>> -> memref<256xf32, #tpu.memory_space<hbm>>
    %dma_wait3A_508 = arith.constant 0 : i32
    %dma_wait3A_509 = tpu.memref_slice %arg7[%dma_wait3A_508] : memref<16384xf32, #tpu.memory_space<vmem>> -> memref<256xf32, #tpu.memory_space<vmem>>
    tpu.wait_dma2 semaphore(%arg10 : memref<!tpu.dma_semaphore, #tpu.memory_space<semaphore_mem>>) src(%dma_wait3A_509 : memref<256xf32, #tpu.memory_space<vmem>>) dst(%dma_wait3A_507 : memref<256xf32, #tpu.memory_space<hbm>>)
    %dma_wait3A_510 = arith.constant 0 : i32
    %dma_wait3A_511 = tpu.memref_slice %arg7[%dma_wait3A_510] : memref<16384xf32, #tpu.memory_space<vmem>> -> memref<256xf32, #tpu.memory_space<vmem>>
    %dma_wait3A_512 = arith.constant 0 : i32
    %dma_wait3A_513 = tpu.memref_slice %arg4[%dma_wait3A_512] : memref<524288xf32, #tpu.memory_space<hbm>> -> memref<256xf32, #tpu.memory_space<hbm>>
    %dma_wait3A_514 = arith.constant 0 : i32
    %dma_wait3A_515 = tpu.memref_slice %arg4[%dma_wait3A_514] : memref<524288xf32, #tpu.memory_space<hbm>> -> memref<256xf32, #tpu.memory_space<hbm>>
    %dma_wait3A_516 = arith.constant 0 : i32
    %dma_wait3A_517 = tpu.memref_slice %arg7[%dma_wait3A_516] : memref<16384xf32, #tpu.memory_space<vmem>> -> memref<256xf32, #tpu.memory_space<vmem>>
    tpu.wait_dma2 semaphore(%arg10 : memref<!tpu.dma_semaphore, #tpu.memory_space<semaphore_mem>>) src(%dma_wait3A_517 : memref<256xf32, #tpu.memory_space<vmem>>) dst(%dma_wait3A_515 : memref<256xf32, #tpu.memory_space<hbm>>)
    %dma_wait3A_518 = arith.constant 0 : i32
    %dma_wait3A_519 = tpu.memref_slice %arg7[%dma_wait3A_518] : memref<16384xf32, #tpu.memory_space<vmem>> -> memref<256xf32, #tpu.memory_space<vmem>>
    %dma_wait3A_520 = arith.constant 0 : i32
    %dma_wait3A_521 = tpu.memref_slice %arg4[%dma_wait3A_520] : memref<524288xf32, #tpu.memory_space<hbm>> -> memref<256xf32, #tpu.memory_space<hbm>>
    %dma_wait3A_522 = arith.constant 0 : i32
    %dma_wait3A_523 = tpu.memref_slice %arg4[%dma_wait3A_522] : memref<524288xf32, #tpu.memory_space<hbm>> -> memref<256xf32, #tpu.memory_space<hbm>>
    %dma_wait3A_524 = arith.constant 0 : i32
    %dma_wait3A_525 = tpu.memref_slice %arg7[%dma_wait3A_524] : memref<16384xf32, #tpu.memory_space<vmem>> -> memref<256xf32, #tpu.memory_space<vmem>>
    tpu.wait_dma2 semaphore(%arg10 : memref<!tpu.dma_semaphore, #tpu.memory_space<semaphore_mem>>) src(%dma_wait3A_525 : memref<256xf32, #tpu.memory_space<vmem>>) dst(%dma_wait3A_523 : memref<256xf32, #tpu.memory_space<hbm>>)
    %dma_wait3A_526 = arith.constant 0 : i32
    %dma_wait3A_527 = tpu.memref_slice %arg7[%dma_wait3A_526] : memref<16384xf32, #tpu.memory_space<vmem>> -> memref<256xf32, #tpu.memory_space<vmem>>
    %dma_wait3A_528 = arith.constant 0 : i32
    %dma_wait3A_529 = tpu.memref_slice %arg4[%dma_wait3A_528] : memref<524288xf32, #tpu.memory_space<hbm>> -> memref<256xf32, #tpu.memory_space<hbm>>
    %dma_wait3A_530 = arith.constant 0 : i32
    %dma_wait3A_531 = tpu.memref_slice %arg4[%dma_wait3A_530] : memref<524288xf32, #tpu.memory_space<hbm>> -> memref<256xf32, #tpu.memory_space<hbm>>
    %dma_wait3A_532 = arith.constant 0 : i32
    %dma_wait3A_533 = tpu.memref_slice %arg7[%dma_wait3A_532] : memref<16384xf32, #tpu.memory_space<vmem>> -> memref<256xf32, #tpu.memory_space<vmem>>
    tpu.wait_dma2 semaphore(%arg10 : memref<!tpu.dma_semaphore, #tpu.memory_space<semaphore_mem>>) src(%dma_wait3A_533 : memref<256xf32, #tpu.memory_space<vmem>>) dst(%dma_wait3A_531 : memref<256xf32, #tpu.memory_space<hbm>>)
    %dma_wait3A_534 = arith.constant 0 : i32
    %dma_wait3A_535 = tpu.memref_slice %arg7[%dma_wait3A_534] : memref<16384xf32, #tpu.memory_space<vmem>> -> memref<256xf32, #tpu.memory_space<vmem>>
    %dma_wait3A_536 = arith.constant 0 : i32
    %dma_wait3A_537 = tpu.memref_slice %arg4[%dma_wait3A_536] : memref<524288xf32, #tpu.memory_space<hbm>> -> memref<256xf32, #tpu.memory_space<hbm>>
    %dma_wait3A_538 = arith.constant 0 : i32
    %dma_wait3A_539 = tpu.memref_slice %arg4[%dma_wait3A_538] : memref<524288xf32, #tpu.memory_space<hbm>> -> memref<256xf32, #tpu.memory_space<hbm>>
    %dma_wait3A_540 = arith.constant 0 : i32
    %dma_wait3A_541 = tpu.memref_slice %arg7[%dma_wait3A_540] : memref<16384xf32, #tpu.memory_space<vmem>> -> memref<256xf32, #tpu.memory_space<vmem>>
    tpu.wait_dma2 semaphore(%arg10 : memref<!tpu.dma_semaphore, #tpu.memory_space<semaphore_mem>>) src(%dma_wait3A_541 : memref<256xf32, #tpu.memory_space<vmem>>) dst(%dma_wait3A_539 : memref<256xf32, #tpu.memory_space<hbm>>)
    %dma_wait3A_542 = arith.constant 0 : i32
    %dma_wait3A_543 = tpu.memref_slice %arg7[%dma_wait3A_542] : memref<16384xf32, #tpu.memory_space<vmem>> -> memref<256xf32, #tpu.memory_space<vmem>>
    %dma_wait3A_544 = arith.constant 0 : i32
    %dma_wait3A_545 = tpu.memref_slice %arg4[%dma_wait3A_544] : memref<524288xf32, #tpu.memory_space<hbm>> -> memref<256xf32, #tpu.memory_space<hbm>>
    %dma_wait3A_546 = arith.constant 0 : i32
    %dma_wait3A_547 = tpu.memref_slice %arg4[%dma_wait3A_546] : memref<524288xf32, #tpu.memory_space<hbm>> -> memref<256xf32, #tpu.memory_space<hbm>>
    %dma_wait3A_548 = arith.constant 0 : i32
    %dma_wait3A_549 = tpu.memref_slice %arg7[%dma_wait3A_548] : memref<16384xf32, #tpu.memory_space<vmem>> -> memref<256xf32, #tpu.memory_space<vmem>>
    tpu.wait_dma2 semaphore(%arg10 : memref<!tpu.dma_semaphore, #tpu.memory_space<semaphore_mem>>) src(%dma_wait3A_549 : memref<256xf32, #tpu.memory_space<vmem>>) dst(%dma_wait3A_547 : memref<256xf32, #tpu.memory_space<hbm>>)
    %dma_wait3A_550 = arith.constant 0 : i32
    %dma_wait3A_551 = tpu.memref_slice %arg7[%dma_wait3A_550] : memref<16384xf32, #tpu.memory_space<vmem>> -> memref<256xf32, #tpu.memory_space<vmem>>
    %dma_wait3A_552 = arith.constant 0 : i32
    %dma_wait3A_553 = tpu.memref_slice %arg4[%dma_wait3A_552] : memref<524288xf32, #tpu.memory_space<hbm>> -> memref<256xf32, #tpu.memory_space<hbm>>
    %dma_wait3A_554 = arith.constant 0 : i32
    %dma_wait3A_555 = tpu.memref_slice %arg4[%dma_wait3A_554] : memref<524288xf32, #tpu.memory_space<hbm>> -> memref<256xf32, #tpu.memory_space<hbm>>
    %dma_wait3A_556 = arith.constant 0 : i32
    %dma_wait3A_557 = tpu.memref_slice %arg7[%dma_wait3A_556] : memref<16384xf32, #tpu.memory_space<vmem>> -> memref<256xf32, #tpu.memory_space<vmem>>
    tpu.wait_dma2 semaphore(%arg10 : memref<!tpu.dma_semaphore, #tpu.memory_space<semaphore_mem>>) src(%dma_wait3A_557 : memref<256xf32, #tpu.memory_space<vmem>>) dst(%dma_wait3A_555 : memref<256xf32, #tpu.memory_space<hbm>>)
    %dma_wait3A_558 = arith.constant 0 : i32
    %dma_wait3A_559 = tpu.memref_slice %arg7[%dma_wait3A_558] : memref<16384xf32, #tpu.memory_space<vmem>> -> memref<256xf32, #tpu.memory_space<vmem>>
    %dma_wait3A_560 = arith.constant 0 : i32
    %dma_wait3A_561 = tpu.memref_slice %arg4[%dma_wait3A_560] : memref<524288xf32, #tpu.memory_space<hbm>> -> memref<256xf32, #tpu.memory_space<hbm>>
    %dma_wait3A_562 = arith.constant 0 : i32
    %dma_wait3A_563 = tpu.memref_slice %arg4[%dma_wait3A_562] : memref<524288xf32, #tpu.memory_space<hbm>> -> memref<256xf32, #tpu.memory_space<hbm>>
    %dma_wait3A_564 = arith.constant 0 : i32
    %dma_wait3A_565 = tpu.memref_slice %arg7[%dma_wait3A_564] : memref<16384xf32, #tpu.memory_space<vmem>> -> memref<256xf32, #tpu.memory_space<vmem>>
    tpu.wait_dma2 semaphore(%arg10 : memref<!tpu.dma_semaphore, #tpu.memory_space<semaphore_mem>>) src(%dma_wait3A_565 : memref<256xf32, #tpu.memory_space<vmem>>) dst(%dma_wait3A_563 : memref<256xf32, #tpu.memory_space<hbm>>)
    %dma_wait3A_566 = arith.constant 0 : i32
    %dma_wait3A_567 = tpu.memref_slice %arg7[%dma_wait3A_566] : memref<16384xf32, #tpu.memory_space<vmem>> -> memref<256xf32, #tpu.memory_space<vmem>>
    %dma_wait3A_568 = arith.constant 0 : i32
    %dma_wait3A_569 = tpu.memref_slice %arg4[%dma_wait3A_568] : memref<524288xf32, #tpu.memory_space<hbm>> -> memref<256xf32, #tpu.memory_space<hbm>>
    %dma_wait3A_570 = arith.constant 0 : i32
    %dma_wait3A_571 = tpu.memref_slice %arg4[%dma_wait3A_570] : memref<524288xf32, #tpu.memory_space<hbm>> -> memref<256xf32, #tpu.memory_space<hbm>>
    %dma_wait3A_572 = arith.constant 0 : i32
    %dma_wait3A_573 = tpu.memref_slice %arg7[%dma_wait3A_572] : memref<16384xf32, #tpu.memory_space<vmem>> -> memref<256xf32, #tpu.memory_space<vmem>>
    tpu.wait_dma2 semaphore(%arg10 : memref<!tpu.dma_semaphore, #tpu.memory_space<semaphore_mem>>) src(%dma_wait3A_573 : memref<256xf32, #tpu.memory_space<vmem>>) dst(%dma_wait3A_571 : memref<256xf32, #tpu.memory_space<hbm>>)
    %dma_wait3A_574 = arith.constant 0 : i32
    %dma_wait3A_575 = tpu.memref_slice %arg7[%dma_wait3A_574] : memref<16384xf32, #tpu.memory_space<vmem>> -> memref<256xf32, #tpu.memory_space<vmem>>
    %dma_wait3A_576 = arith.constant 0 : i32
    %dma_wait3A_577 = tpu.memref_slice %arg4[%dma_wait3A_576] : memref<524288xf32, #tpu.memory_space<hbm>> -> memref<256xf32, #tpu.memory_space<hbm>>
    %dma_wait3A_578 = arith.constant 0 : i32
    %dma_wait3A_579 = tpu.memref_slice %arg4[%dma_wait3A_578] : memref<524288xf32, #tpu.memory_space<hbm>> -> memref<256xf32, #tpu.memory_space<hbm>>
    %dma_wait3A_580 = arith.constant 0 : i32
    %dma_wait3A_581 = tpu.memref_slice %arg7[%dma_wait3A_580] : memref<16384xf32, #tpu.memory_space<vmem>> -> memref<256xf32, #tpu.memory_space<vmem>>
    tpu.wait_dma2 semaphore(%arg10 : memref<!tpu.dma_semaphore, #tpu.memory_space<semaphore_mem>>) src(%dma_wait3A_581 : memref<256xf32, #tpu.memory_space<vmem>>) dst(%dma_wait3A_579 : memref<256xf32, #tpu.memory_space<hbm>>)
    %dma_wait3A_582 = arith.constant 0 : i32
    %dma_wait3A_583 = tpu.memref_slice %arg7[%dma_wait3A_582] : memref<16384xf32, #tpu.memory_space<vmem>> -> memref<256xf32, #tpu.memory_space<vmem>>
    %dma_wait3A_584 = arith.constant 0 : i32
    %dma_wait3A_585 = tpu.memref_slice %arg4[%dma_wait3A_584] : memref<524288xf32, #tpu.memory_space<hbm>> -> memref<256xf32, #tpu.memory_space<hbm>>
    %dma_wait3A_586 = arith.constant 0 : i32
    %dma_wait3A_587 = tpu.memref_slice %arg4[%dma_wait3A_586] : memref<524288xf32, #tpu.memory_space<hbm>> -> memref<256xf32, #tpu.memory_space<hbm>>
    %dma_wait3A_588 = arith.constant 0 : i32
    %dma_wait3A_589 = tpu.memref_slice %arg7[%dma_wait3A_588] : memref<16384xf32, #tpu.memory_space<vmem>> -> memref<256xf32, #tpu.memory_space<vmem>>
    tpu.wait_dma2 semaphore(%arg10 : memref<!tpu.dma_semaphore, #tpu.memory_space<semaphore_mem>>) src(%dma_wait3A_589 : memref<256xf32, #tpu.memory_space<vmem>>) dst(%dma_wait3A_587 : memref<256xf32, #tpu.memory_space<hbm>>)
    %dma_wait3A_590 = arith.constant 0 : i32
    %dma_wait3A_591 = tpu.memref_slice %arg7[%dma_wait3A_590] : memref<16384xf32, #tpu.memory_space<vmem>> -> memref<256xf32, #tpu.memory_space<vmem>>
    %dma_wait3A_592 = arith.constant 0 : i32
    %dma_wait3A_593 = tpu.memref_slice %arg4[%dma_wait3A_592] : memref<524288xf32, #tpu.memory_space<hbm>> -> memref<256xf32, #tpu.memory_space<hbm>>
    %dma_wait3A_594 = arith.constant 0 : i32
    %dma_wait3A_595 = tpu.memref_slice %arg4[%dma_wait3A_594] : memref<524288xf32, #tpu.memory_space<hbm>> -> memref<256xf32, #tpu.memory_space<hbm>>
    %dma_wait3A_596 = arith.constant 0 : i32
    %dma_wait3A_597 = tpu.memref_slice %arg7[%dma_wait3A_596] : memref<16384xf32, #tpu.memory_space<vmem>> -> memref<256xf32, #tpu.memory_space<vmem>>
    tpu.wait_dma2 semaphore(%arg10 : memref<!tpu.dma_semaphore, #tpu.memory_space<semaphore_mem>>) src(%dma_wait3A_597 : memref<256xf32, #tpu.memory_space<vmem>>) dst(%dma_wait3A_595 : memref<256xf32, #tpu.memory_space<hbm>>)
    %dma_wait3A_598 = arith.constant 0 : i32
    %dma_wait3A_599 = tpu.memref_slice %arg7[%dma_wait3A_598] : memref<16384xf32, #tpu.memory_space<vmem>> -> memref<256xf32, #tpu.memory_space<vmem>>
    %dma_wait3A_600 = arith.constant 0 : i32
    %dma_wait3A_601 = tpu.memref_slice %arg4[%dma_wait3A_600] : memref<524288xf32, #tpu.memory_space<hbm>> -> memref<256xf32, #tpu.memory_space<hbm>>
    %dma_wait3A_602 = arith.constant 0 : i32
    %dma_wait3A_603 = tpu.memref_slice %arg4[%dma_wait3A_602] : memref<524288xf32, #tpu.memory_space<hbm>> -> memref<256xf32, #tpu.memory_space<hbm>>
    %dma_wait3A_604 = arith.constant 0 : i32
    %dma_wait3A_605 = tpu.memref_slice %arg7[%dma_wait3A_604] : memref<16384xf32, #tpu.memory_space<vmem>> -> memref<256xf32, #tpu.memory_space<vmem>>
    tpu.wait_dma2 semaphore(%arg10 : memref<!tpu.dma_semaphore, #tpu.memory_space<semaphore_mem>>) src(%dma_wait3A_605 : memref<256xf32, #tpu.memory_space<vmem>>) dst(%dma_wait3A_603 : memref<256xf32, #tpu.memory_space<hbm>>)
    %dma_wait3A_606 = arith.constant 0 : i32
    %dma_wait3A_607 = tpu.memref_slice %arg7[%dma_wait3A_606] : memref<16384xf32, #tpu.memory_space<vmem>> -> memref<256xf32, #tpu.memory_space<vmem>>
    %dma_wait3A_608 = arith.constant 0 : i32
    %dma_wait3A_609 = tpu.memref_slice %arg4[%dma_wait3A_608] : memref<524288xf32, #tpu.memory_space<hbm>> -> memref<256xf32, #tpu.memory_space<hbm>>
    %dma_wait3A_610 = arith.constant 0 : i32
    %dma_wait3A_611 = tpu.memref_slice %arg4[%dma_wait3A_610] : memref<524288xf32, #tpu.memory_space<hbm>> -> memref<256xf32, #tpu.memory_space<hbm>>
    %dma_wait3A_612 = arith.constant 0 : i32
    %dma_wait3A_613 = tpu.memref_slice %arg7[%dma_wait3A_612] : memref<16384xf32, #tpu.memory_space<vmem>> -> memref<256xf32, #tpu.memory_space<vmem>>
    tpu.wait_dma2 semaphore(%arg10 : memref<!tpu.dma_semaphore, #tpu.memory_space<semaphore_mem>>) src(%dma_wait3A_613 : memref<256xf32, #tpu.memory_space<vmem>>) dst(%dma_wait3A_611 : memref<256xf32, #tpu.memory_space<hbm>>)
    %dma_wait3A_614 = arith.constant 0 : i32
    %dma_wait3A_615 = tpu.memref_slice %arg7[%dma_wait3A_614] : memref<16384xf32, #tpu.memory_space<vmem>> -> memref<256xf32, #tpu.memory_space<vmem>>
    %dma_wait3A_616 = arith.constant 0 : i32
    %dma_wait3A_617 = tpu.memref_slice %arg4[%dma_wait3A_616] : memref<524288xf32, #tpu.memory_space<hbm>> -> memref<256xf32, #tpu.memory_space<hbm>>
    %dma_wait3A_618 = arith.constant 0 : i32
    %dma_wait3A_619 = tpu.memref_slice %arg4[%dma_wait3A_618] : memref<524288xf32, #tpu.memory_space<hbm>> -> memref<256xf32, #tpu.memory_space<hbm>>
    %dma_wait3A_620 = arith.constant 0 : i32
    %dma_wait3A_621 = tpu.memref_slice %arg7[%dma_wait3A_620] : memref<16384xf32, #tpu.memory_space<vmem>> -> memref<256xf32, #tpu.memory_space<vmem>>
    tpu.wait_dma2 semaphore(%arg10 : memref<!tpu.dma_semaphore, #tpu.memory_space<semaphore_mem>>) src(%dma_wait3A_621 : memref<256xf32, #tpu.memory_space<vmem>>) dst(%dma_wait3A_619 : memref<256xf32, #tpu.memory_space<hbm>>)
    %dma_wait3A_622 = arith.constant 0 : i32
    %dma_wait3A_623 = tpu.memref_slice %arg7[%dma_wait3A_622] : memref<16384xf32, #tpu.memory_space<vmem>> -> memref<256xf32, #tpu.memory_space<vmem>>
    %dma_wait3A_624 = arith.constant 0 : i32
    %dma_wait3A_625 = tpu.memref_slice %arg4[%dma_wait3A_624] : memref<524288xf32, #tpu.memory_space<hbm>> -> memref<256xf32, #tpu.memory_space<hbm>>
    %dma_wait3A_626 = arith.constant 0 : i32
    %dma_wait3A_627 = tpu.memref_slice %arg4[%dma_wait3A_626] : memref<524288xf32, #tpu.memory_space<hbm>> -> memref<256xf32, #tpu.memory_space<hbm>>
    %dma_wait3A_628 = arith.constant 0 : i32
    %dma_wait3A_629 = tpu.memref_slice %arg7[%dma_wait3A_628] : memref<16384xf32, #tpu.memory_space<vmem>> -> memref<256xf32, #tpu.memory_space<vmem>>
    tpu.wait_dma2 semaphore(%arg10 : memref<!tpu.dma_semaphore, #tpu.memory_space<semaphore_mem>>) src(%dma_wait3A_629 : memref<256xf32, #tpu.memory_space<vmem>>) dst(%dma_wait3A_627 : memref<256xf32, #tpu.memory_space<hbm>>)
    %dma_wait3A_630 = arith.constant 0 : i32
    %dma_wait3A_631 = tpu.memref_slice %arg7[%dma_wait3A_630] : memref<16384xf32, #tpu.memory_space<vmem>> -> memref<256xf32, #tpu.memory_space<vmem>>
    %dma_wait3A_632 = arith.constant 0 : i32
    %dma_wait3A_633 = tpu.memref_slice %arg4[%dma_wait3A_632] : memref<524288xf32, #tpu.memory_space<hbm>> -> memref<256xf32, #tpu.memory_space<hbm>>
    %dma_wait3A_634 = arith.constant 0 : i32
    %dma_wait3A_635 = tpu.memref_slice %arg4[%dma_wait3A_634] : memref<524288xf32, #tpu.memory_space<hbm>> -> memref<256xf32, #tpu.memory_space<hbm>>
    %dma_wait3A_636 = arith.constant 0 : i32
    %dma_wait3A_637 = tpu.memref_slice %arg7[%dma_wait3A_636] : memref<16384xf32, #tpu.memory_space<vmem>> -> memref<256xf32, #tpu.memory_space<vmem>>
    tpu.wait_dma2 semaphore(%arg10 : memref<!tpu.dma_semaphore, #tpu.memory_space<semaphore_mem>>) src(%dma_wait3A_637 : memref<256xf32, #tpu.memory_space<vmem>>) dst(%dma_wait3A_635 : memref<256xf32, #tpu.memory_space<hbm>>)
    %dma_wait3A_638 = arith.constant 0 : i32
    %dma_wait3A_639 = tpu.memref_slice %arg7[%dma_wait3A_638] : memref<16384xf32, #tpu.memory_space<vmem>> -> memref<256xf32, #tpu.memory_space<vmem>>
    %dma_wait3A_640 = arith.constant 0 : i32
    %dma_wait3A_641 = tpu.memref_slice %arg4[%dma_wait3A_640] : memref<524288xf32, #tpu.memory_space<hbm>> -> memref<256xf32, #tpu.memory_space<hbm>>
    %dma_wait3A_642 = arith.constant 0 : i32
    %dma_wait3A_643 = tpu.memref_slice %arg4[%dma_wait3A_642] : memref<524288xf32, #tpu.memory_space<hbm>> -> memref<256xf32, #tpu.memory_space<hbm>>
    %dma_wait3A_644 = arith.constant 0 : i32
    %dma_wait3A_645 = tpu.memref_slice %arg7[%dma_wait3A_644] : memref<16384xf32, #tpu.memory_space<vmem>> -> memref<256xf32, #tpu.memory_space<vmem>>
    tpu.wait_dma2 semaphore(%arg10 : memref<!tpu.dma_semaphore, #tpu.memory_space<semaphore_mem>>) src(%dma_wait3A_645 : memref<256xf32, #tpu.memory_space<vmem>>) dst(%dma_wait3A_643 : memref<256xf32, #tpu.memory_space<hbm>>)
    %dma_wait3A_646 = arith.constant 0 : i32
    %dma_wait3A_647 = tpu.memref_slice %arg7[%dma_wait3A_646] : memref<16384xf32, #tpu.memory_space<vmem>> -> memref<256xf32, #tpu.memory_space<vmem>>
    %dma_wait3A_648 = arith.constant 0 : i32
    %dma_wait3A_649 = tpu.memref_slice %arg4[%dma_wait3A_648] : memref<524288xf32, #tpu.memory_space<hbm>> -> memref<256xf32, #tpu.memory_space<hbm>>
    %dma_wait3A_650 = arith.constant 0 : i32
    %dma_wait3A_651 = tpu.memref_slice %arg4[%dma_wait3A_650] : memref<524288xf32, #tpu.memory_space<hbm>> -> memref<256xf32, #tpu.memory_space<hbm>>
    %dma_wait3A_652 = arith.constant 0 : i32
    %dma_wait3A_653 = tpu.memref_slice %arg7[%dma_wait3A_652] : memref<16384xf32, #tpu.memory_space<vmem>> -> memref<256xf32, #tpu.memory_space<vmem>>
    tpu.wait_dma2 semaphore(%arg10 : memref<!tpu.dma_semaphore, #tpu.memory_space<semaphore_mem>>) src(%dma_wait3A_653 : memref<256xf32, #tpu.memory_space<vmem>>) dst(%dma_wait3A_651 : memref<256xf32, #tpu.memory_space<hbm>>)
    %dma_wait3A_654 = arith.constant 0 : i32
    %dma_wait3A_655 = tpu.memref_slice %arg7[%dma_wait3A_654] : memref<16384xf32, #tpu.memory_space<vmem>> -> memref<256xf32, #tpu.memory_space<vmem>>
    %dma_wait3A_656 = arith.constant 0 : i32
    %dma_wait3A_657 = tpu.memref_slice %arg4[%dma_wait3A_656] : memref<524288xf32, #tpu.memory_space<hbm>> -> memref<256xf32, #tpu.memory_space<hbm>>
    %dma_wait3A_658 = arith.constant 0 : i32
    %dma_wait3A_659 = tpu.memref_slice %arg4[%dma_wait3A_658] : memref<524288xf32, #tpu.memory_space<hbm>> -> memref<256xf32, #tpu.memory_space<hbm>>
    %dma_wait3A_660 = arith.constant 0 : i32
    %dma_wait3A_661 = tpu.memref_slice %arg7[%dma_wait3A_660] : memref<16384xf32, #tpu.memory_space<vmem>> -> memref<256xf32, #tpu.memory_space<vmem>>
    tpu.wait_dma2 semaphore(%arg10 : memref<!tpu.dma_semaphore, #tpu.memory_space<semaphore_mem>>) src(%dma_wait3A_661 : memref<256xf32, #tpu.memory_space<vmem>>) dst(%dma_wait3A_659 : memref<256xf32, #tpu.memory_space<hbm>>)
    %dma_wait3A_662 = arith.constant 0 : i32
    %dma_wait3A_663 = tpu.memref_slice %arg7[%dma_wait3A_662] : memref<16384xf32, #tpu.memory_space<vmem>> -> memref<256xf32, #tpu.memory_space<vmem>>
    %dma_wait3A_664 = arith.constant 0 : i32
    %dma_wait3A_665 = tpu.memref_slice %arg4[%dma_wait3A_664] : memref<524288xf32, #tpu.memory_space<hbm>> -> memref<256xf32, #tpu.memory_space<hbm>>
    %dma_wait3A_666 = arith.constant 0 : i32
    %dma_wait3A_667 = tpu.memref_slice %arg4[%dma_wait3A_666] : memref<524288xf32, #tpu.memory_space<hbm>> -> memref<256xf32, #tpu.memory_space<hbm>>
    %dma_wait3A_668 = arith.constant 0 : i32
    %dma_wait3A_669 = tpu.memref_slice %arg7[%dma_wait3A_668] : memref<16384xf32, #tpu.memory_space<vmem>> -> memref<256xf32, #tpu.memory_space<vmem>>
    tpu.wait_dma2 semaphore(%arg10 : memref<!tpu.dma_semaphore, #tpu.memory_space<semaphore_mem>>) src(%dma_wait3A_669 : memref<256xf32, #tpu.memory_space<vmem>>) dst(%dma_wait3A_667 : memref<256xf32, #tpu.memory_space<hbm>>)
    %dma_wait3A_670 = arith.constant 0 : i32
    %dma_wait3A_671 = tpu.memref_slice %arg7[%dma_wait3A_670] : memref<16384xf32, #tpu.memory_space<vmem>> -> memref<256xf32, #tpu.memory_space<vmem>>
    %dma_wait3A_672 = arith.constant 0 : i32
    %dma_wait3A_673 = tpu.memref_slice %arg4[%dma_wait3A_672] : memref<524288xf32, #tpu.memory_space<hbm>> -> memref<256xf32, #tpu.memory_space<hbm>>
    %dma_wait3A_674 = arith.constant 0 : i32
    %dma_wait3A_675 = tpu.memref_slice %arg4[%dma_wait3A_674] : memref<524288xf32, #tpu.memory_space<hbm>> -> memref<256xf32, #tpu.memory_space<hbm>>
    %dma_wait3A_676 = arith.constant 0 : i32
    %dma_wait3A_677 = tpu.memref_slice %arg7[%dma_wait3A_676] : memref<16384xf32, #tpu.memory_space<vmem>> -> memref<256xf32, #tpu.memory_space<vmem>>
    tpu.wait_dma2 semaphore(%arg10 : memref<!tpu.dma_semaphore, #tpu.memory_space<semaphore_mem>>) src(%dma_wait3A_677 : memref<256xf32, #tpu.memory_space<vmem>>) dst(%dma_wait3A_675 : memref<256xf32, #tpu.memory_space<hbm>>)
    %dma_wait3A_678 = arith.constant 0 : i32
    %dma_wait3A_679 = tpu.memref_slice %arg7[%dma_wait3A_678] : memref<16384xf32, #tpu.memory_space<vmem>> -> memref<256xf32, #tpu.memory_space<vmem>>
    %dma_wait3A_680 = arith.constant 0 : i32
    %dma_wait3A_681 = tpu.memref_slice %arg4[%dma_wait3A_680] : memref<524288xf32, #tpu.memory_space<hbm>> -> memref<256xf32, #tpu.memory_space<hbm>>
    %dma_wait3A_682 = arith.constant 0 : i32
    %dma_wait3A_683 = tpu.memref_slice %arg4[%dma_wait3A_682] : memref<524288xf32, #tpu.memory_space<hbm>> -> memref<256xf32, #tpu.memory_space<hbm>>
    %dma_wait3A_684 = arith.constant 0 : i32
    %dma_wait3A_685 = tpu.memref_slice %arg7[%dma_wait3A_684] : memref<16384xf32, #tpu.memory_space<vmem>> -> memref<256xf32, #tpu.memory_space<vmem>>
    tpu.wait_dma2 semaphore(%arg10 : memref<!tpu.dma_semaphore, #tpu.memory_space<semaphore_mem>>) src(%dma_wait3A_685 : memref<256xf32, #tpu.memory_space<vmem>>) dst(%dma_wait3A_683 : memref<256xf32, #tpu.memory_space<hbm>>)
    %dma_wait3A_686 = arith.constant 0 : i32
    %dma_wait3A_687 = tpu.memref_slice %arg7[%dma_wait3A_686] : memref<16384xf32, #tpu.memory_space<vmem>> -> memref<256xf32, #tpu.memory_space<vmem>>
    %dma_wait3A_688 = arith.constant 0 : i32
    %dma_wait3A_689 = tpu.memref_slice %arg4[%dma_wait3A_688] : memref<524288xf32, #tpu.memory_space<hbm>> -> memref<256xf32, #tpu.memory_space<hbm>>
    %dma_wait3A_690 = arith.constant 0 : i32
    %dma_wait3A_691 = tpu.memref_slice %arg4[%dma_wait3A_690] : memref<524288xf32, #tpu.memory_space<hbm>> -> memref<256xf32, #tpu.memory_space<hbm>>
    %dma_wait3A_692 = arith.constant 0 : i32
    %dma_wait3A_693 = tpu.memref_slice %arg7[%dma_wait3A_692] : memref<16384xf32, #tpu.memory_space<vmem>> -> memref<256xf32, #tpu.memory_space<vmem>>
    tpu.wait_dma2 semaphore(%arg10 : memref<!tpu.dma_semaphore, #tpu.memory_space<semaphore_mem>>) src(%dma_wait3A_693 : memref<256xf32, #tpu.memory_space<vmem>>) dst(%dma_wait3A_691 : memref<256xf32, #tpu.memory_space<hbm>>)
    %dma_wait3A_694 = arith.constant 0 : i32
    %dma_wait3A_695 = tpu.memref_slice %arg7[%dma_wait3A_694] : memref<16384xf32, #tpu.memory_space<vmem>> -> memref<256xf32, #tpu.memory_space<vmem>>
    %dma_wait3A_696 = arith.constant 0 : i32
    %dma_wait3A_697 = tpu.memref_slice %arg4[%dma_wait3A_696] : memref<524288xf32, #tpu.memory_space<hbm>> -> memref<256xf32, #tpu.memory_space<hbm>>
    %dma_wait3A_698 = arith.constant 0 : i32
    %dma_wait3A_699 = tpu.memref_slice %arg4[%dma_wait3A_698] : memref<524288xf32, #tpu.memory_space<hbm>> -> memref<256xf32, #tpu.memory_space<hbm>>
    %dma_wait3A_700 = arith.constant 0 : i32
    %dma_wait3A_701 = tpu.memref_slice %arg7[%dma_wait3A_700] : memref<16384xf32, #tpu.memory_space<vmem>> -> memref<256xf32, #tpu.memory_space<vmem>>
    tpu.wait_dma2 semaphore(%arg10 : memref<!tpu.dma_semaphore, #tpu.memory_space<semaphore_mem>>) src(%dma_wait3A_701 : memref<256xf32, #tpu.memory_space<vmem>>) dst(%dma_wait3A_699 : memref<256xf32, #tpu.memory_space<hbm>>)
    %dma_wait3A_702 = arith.constant 0 : i32
    %dma_wait3A_703 = tpu.memref_slice %arg7[%dma_wait3A_702] : memref<16384xf32, #tpu.memory_space<vmem>> -> memref<256xf32, #tpu.memory_space<vmem>>
    %dma_wait3A_704 = arith.constant 0 : i32
    %dma_wait3A_705 = tpu.memref_slice %arg4[%dma_wait3A_704] : memref<524288xf32, #tpu.memory_space<hbm>> -> memref<256xf32, #tpu.memory_space<hbm>>
    %dma_wait3A_706 = arith.constant 0 : i32
    %dma_wait3A_707 = tpu.memref_slice %arg4[%dma_wait3A_706] : memref<524288xf32, #tpu.memory_space<hbm>> -> memref<256xf32, #tpu.memory_space<hbm>>
    %dma_wait3A_708 = arith.constant 0 : i32
    %dma_wait3A_709 = tpu.memref_slice %arg7[%dma_wait3A_708] : memref<16384xf32, #tpu.memory_space<vmem>> -> memref<256xf32, #tpu.memory_space<vmem>>
    tpu.wait_dma2 semaphore(%arg10 : memref<!tpu.dma_semaphore, #tpu.memory_space<semaphore_mem>>) src(%dma_wait3A_709 : memref<256xf32, #tpu.memory_space<vmem>>) dst(%dma_wait3A_707 : memref<256xf32, #tpu.memory_space<hbm>>)
    %dma_wait3A_710 = arith.constant 0 : i32
    %dma_wait3A_711 = tpu.memref_slice %arg7[%dma_wait3A_710] : memref<16384xf32, #tpu.memory_space<vmem>> -> memref<256xf32, #tpu.memory_space<vmem>>
    %dma_wait3A_712 = arith.constant 0 : i32
    %dma_wait3A_713 = tpu.memref_slice %arg4[%dma_wait3A_712] : memref<524288xf32, #tpu.memory_space<hbm>> -> memref<256xf32, #tpu.memory_space<hbm>>
    %dma_wait3A_714 = arith.constant 0 : i32
    %dma_wait3A_715 = tpu.memref_slice %arg4[%dma_wait3A_714] : memref<524288xf32, #tpu.memory_space<hbm>> -> memref<256xf32, #tpu.memory_space<hbm>>
    %dma_wait3A_716 = arith.constant 0 : i32
    %dma_wait3A_717 = tpu.memref_slice %arg7[%dma_wait3A_716] : memref<16384xf32, #tpu.memory_space<vmem>> -> memref<256xf32, #tpu.memory_space<vmem>>
    tpu.wait_dma2 semaphore(%arg10 : memref<!tpu.dma_semaphore, #tpu.memory_space<semaphore_mem>>) src(%dma_wait3A_717 : memref<256xf32, #tpu.memory_space<vmem>>) dst(%dma_wait3A_715 : memref<256xf32, #tpu.memory_space<hbm>>)
    %dma_wait3A_718 = arith.constant 0 : i32
    %dma_wait3A_719 = tpu.memref_slice %arg7[%dma_wait3A_718] : memref<16384xf32, #tpu.memory_space<vmem>> -> memref<256xf32, #tpu.memory_space<vmem>>
    %dma_wait3A_720 = arith.constant 0 : i32
    %dma_wait3A_721 = tpu.memref_slice %arg4[%dma_wait3A_720] : memref<524288xf32, #tpu.memory_space<hbm>> -> memref<256xf32, #tpu.memory_space<hbm>>
    %dma_wait3A_722 = arith.constant 0 : i32
    %dma_wait3A_723 = tpu.memref_slice %arg4[%dma_wait3A_722] : memref<524288xf32, #tpu.memory_space<hbm>> -> memref<256xf32, #tpu.memory_space<hbm>>
    %dma_wait3A_724 = arith.constant 0 : i32
    %dma_wait3A_725 = tpu.memref_slice %arg7[%dma_wait3A_724] : memref<16384xf32, #tpu.memory_space<vmem>> -> memref<256xf32, #tpu.memory_space<vmem>>
    tpu.wait_dma2 semaphore(%arg10 : memref<!tpu.dma_semaphore, #tpu.memory_space<semaphore_mem>>) src(%dma_wait3A_725 : memref<256xf32, #tpu.memory_space<vmem>>) dst(%dma_wait3A_723 : memref<256xf32, #tpu.memory_space<hbm>>)
    %dma_wait3A_726 = arith.constant 0 : i32
    %dma_wait3A_727 = tpu.memref_slice %arg7[%dma_wait3A_726] : memref<16384xf32, #tpu.memory_space<vmem>> -> memref<256xf32, #tpu.memory_space<vmem>>
    %dma_wait3A_728 = arith.constant 0 : i32
    %dma_wait3A_729 = tpu.memref_slice %arg4[%dma_wait3A_728] : memref<524288xf32, #tpu.memory_space<hbm>> -> memref<256xf32, #tpu.memory_space<hbm>>
    %dma_wait3A_730 = arith.constant 0 : i32
    %dma_wait3A_731 = tpu.memref_slice %arg4[%dma_wait3A_730] : memref<524288xf32, #tpu.memory_space<hbm>> -> memref<256xf32, #tpu.memory_space<hbm>>
    %dma_wait3A_732 = arith.constant 0 : i32
    %dma_wait3A_733 = tpu.memref_slice %arg7[%dma_wait3A_732] : memref<16384xf32, #tpu.memory_space<vmem>> -> memref<256xf32, #tpu.memory_space<vmem>>
    tpu.wait_dma2 semaphore(%arg10 : memref<!tpu.dma_semaphore, #tpu.memory_space<semaphore_mem>>) src(%dma_wait3A_733 : memref<256xf32, #tpu.memory_space<vmem>>) dst(%dma_wait3A_731 : memref<256xf32, #tpu.memory_space<hbm>>)
    %dma_wait3A_734 = arith.constant 0 : i32
    %dma_wait3A_735 = tpu.memref_slice %arg7[%dma_wait3A_734] : memref<16384xf32, #tpu.memory_space<vmem>> -> memref<256xf32, #tpu.memory_space<vmem>>
    %dma_wait3A_736 = arith.constant 0 : i32
    %dma_wait3A_737 = tpu.memref_slice %arg4[%dma_wait3A_736] : memref<524288xf32, #tpu.memory_space<hbm>> -> memref<256xf32, #tpu.memory_space<hbm>>
    %dma_wait3A_738 = arith.constant 0 : i32
    %dma_wait3A_739 = tpu.memref_slice %arg4[%dma_wait3A_738] : memref<524288xf32, #tpu.memory_space<hbm>> -> memref<256xf32, #tpu.memory_space<hbm>>
    %dma_wait3A_740 = arith.constant 0 : i32
    %dma_wait3A_741 = tpu.memref_slice %arg7[%dma_wait3A_740] : memref<16384xf32, #tpu.memory_space<vmem>> -> memref<256xf32, #tpu.memory_space<vmem>>
    tpu.wait_dma2 semaphore(%arg10 : memref<!tpu.dma_semaphore, #tpu.memory_space<semaphore_mem>>) src(%dma_wait3A_741 : memref<256xf32, #tpu.memory_space<vmem>>) dst(%dma_wait3A_739 : memref<256xf32, #tpu.memory_space<hbm>>)
    %dma_wait3A_742 = arith.constant 0 : i32
    %dma_wait3A_743 = tpu.memref_slice %arg7[%dma_wait3A_742] : memref<16384xf32, #tpu.memory_space<vmem>> -> memref<256xf32, #tpu.memory_space<vmem>>
    %dma_wait3A_744 = arith.constant 0 : i32
    %dma_wait3A_745 = tpu.memref_slice %arg4[%dma_wait3A_744] : memref<524288xf32, #tpu.memory_space<hbm>> -> memref<256xf32, #tpu.memory_space<hbm>>
    %dma_wait3A_746 = arith.constant 0 : i32
    %dma_wait3A_747 = tpu.memref_slice %arg4[%dma_wait3A_746] : memref<524288xf32, #tpu.memory_space<hbm>> -> memref<256xf32, #tpu.memory_space<hbm>>
    %dma_wait3A_748 = arith.constant 0 : i32
    %dma_wait3A_749 = tpu.memref_slice %arg7[%dma_wait3A_748] : memref<16384xf32, #tpu.memory_space<vmem>> -> memref<256xf32, #tpu.memory_space<vmem>>
    tpu.wait_dma2 semaphore(%arg10 : memref<!tpu.dma_semaphore, #tpu.memory_space<semaphore_mem>>) src(%dma_wait3A_749 : memref<256xf32, #tpu.memory_space<vmem>>) dst(%dma_wait3A_747 : memref<256xf32, #tpu.memory_space<hbm>>)
    return
  }
}

</mosaic_0001>

<sc_bundles>
// kernel: kernel.3.cloned.1.call-start
scs
__scs_entry_jumppad:
0x0: {  	(pc) =	sbr.rel $0x88, $3  }
0x1: {  	(tag) =	ssettag $0x0;
	lr =	simm.s32 $0x1  }
0x2: {  	[smem:$0x3F9F] =	sst lr;
	_ =	strace $0xD0000000  }
0x3: {  	_ = 	snop  }
0x4: {  	_ = 	snop  }
0x5: {  	_ = 	snop  }
0x6: {  	_ = 	snop  }
0x7: {  	_ = 	snop  }
__scs_overlays_trampoline_lowered:
0x8: {  	[smem:$0x3FAE] =	sst s0  }
0x9: {  	[smem:$0x3FAF] =	sst s1  }
0xa: {  	[smem:$0x3FB0] =	sst s2  }
0xb: {  	[smem:$0x3FB1] =	sst s3  }
0xc: {  	[smem:$0x3FB2] =	sst s4  }
0xd: {  	[smem:$0x3FB3] =	sst s5  }
0xe: {  	[smem:$0x3FB4] =	sst s6  }
0xf: {  	[smem:$0x3FB5] =	sst s7  }
0x10: {  	[smem:$0x3FB6] =	sst s8  }
0x11: {  	[smem:$0x3FB7] =	sst s9;
	s0 =	simm.s32 @!p0 $0x0  }
0x12: {  	s1 =	sld [smem:$0x3F9D];
	s0 =	simm.s32 @p0 $0x1  }
0x13: {  	[smem:$0x3FB8] =	sst s0;
	s0 =	simm.s32 @!p1 $0x0  }
0x14: {  	s2 =	sld [smem:$0x3F9C];
	s0 =	simm.s32 @p1 $0x1  }
0x15: {  	[smem:$0x3FB9] =	sst s0;
	s0 =	simm.s32 @!p2 $0x0  }
0x16: {  	s3 =	sld [smem:$0x3FDB];
	s0 =	simm.s32 @p2 $0x1  }
0x17: {  	s4 =	simm.s32 $0x1BF5;
	[smem:$0x3FBB] =	sst s0  }
0x18: {  	s0 =	sld [smem:$0x3F9E];
	_ =	swait.ge [sflag:s4], $0x0  }
0x19: {  	s7 =	sld [smem:$0x3F9F]  }
0x1a: {  	s8 =	sadd.s32 $0xFFFFE003, lr  }
0x1b: {  	s9 =	sadd.s32 $0xFFFFFEF7, lr;
	s5 =	simm.s32 $0xFFFFFFFF;
	p2 =	slt.u32 s8, $0xFFFFF086  }
0x1c: {  	p1 =	slt.u32 s9, $0xF7A;
	s5 =	simm.s32 @!p2 $0x0  }
0x1d: {  	s5 =	simm.s32 @p1 $0x1;
	p0 =	seq.s32 s7, s2  }
0x1e: {  	s7 =	smul.u32 @!p0 $0xF7A, s2;
	p2 =	seq.s32 @!p0 s5, $0x0  }
0x1f: {  	s9 =	smul.u32 $0xF7A, s1;
	s8 =	simm.s32 @!p0 $0x1BF5;
	p2 =	por !p2, p0  }
0x20: {  	[sflag:s8] =	ssyncset.s32 @!p0 $0xFFFFF086;
	s6 =	sadd.s32 @!p0 s3, s7;
	s7 =	simm.s32 @!p0 $0x108  }
0x21: {  	s3 =	sadd.s32 s3, s9;
	s6 =	sadd.s32 @!p0 $0x88, s6;
	s7 =	simm.s32 @p2 $0x1082  }
0x22: {  	[simem:s7], [sflag:s8] =	dma.local @!p0 [hbm:s6], $0xF7A  }
0x23: {  	s9 =	sor.u32 $0xD0000000, s2;
	s6 =	simm.s32 $0x108;
	_ =	swait.ge @!p0 [sflag:s8], $0x0  }
0x24: {  	s3 =	sadd.s32 $0x88, s3;
	s6 =	simm.s32 @!p1 $0x1082;
	[sflag:s4] =	ssyncset.s32 $0xFFFFF086  }
0x25: {  	[simem:s6], [sflag:s4] =	dma.local [hbm:s3], $0xF7A  }
0x26: {  	[smem:$0x3F9F] =	sst s1;
	(tag) =	ssettag s2;
	_ =	strace s9  }
0x27: {  	s1 =	sld [smem:$0x3FAF]  }
0x28: {  	s2 =	sld [smem:$0x3FB0]  }
0x29: {  	s4 =	sld [smem:$0x3FB2]  }
0x2a: {  	p0 =	seq.s32 s5, $0x0;
	s5 =	sld [smem:$0x3FB3]  }
0x2b: {  	s6 =	sld [smem:$0x3FB4]  }
0x2c: {  	s7 =	sld [smem:$0x3FB5]  }
0x2d: {  	s3 =	simm.s32 $0x108;
	s8 =	sld [smem:$0x3FB6]  }
0x2e: {  	s3 =	simm.s32 @!p0 $0x1082;
	s9 =	sld [smem:$0x3FB7]  }
0x2f: {  	lr =	sadd.s32 s0, s3;
	s0 =	sld [smem:$0x3FAE]  }
0x30: {  	s3 =	sld [smem:$0x3FB1]  }
0x31: {  	[smem:$0x3FBA] =	sst s10  }
0x32: {  	s10 =	sld [smem:$0x3FB8];
	_ =	sdelay $0x3  }
0x33: {  	p0 =	seq.s32 s10, $0x1;
	s10 =	sld [smem:$0x3FBA];
	_ =	sdelay $0x3  }
0x34: {  	[smem:$0x3FBA] =	sst s10  }
0x35: {  	s10 =	sld [smem:$0x3FB9];
	_ =	sdelay $0x3  }
0x36: {  	p1 =	seq.s32 s10, $0x1;
	s10 =	sld [smem:$0x3FBA];
	_ =	sdelay $0x3  }
0x37: {  	[smem:$0x3FBA] =	sst s10  }
0x38: {  	s10 =	sld [smem:$0x3FBB]  }
0x39: {  	_ = 	snop;
	(pc) =	sbr.ind lr, $3  }
0x3a: {  	_ = 	snop  }
0x3b: {  	_ = 	snop  }
0x3c: {  	p2 =	seq.s32 s10, $0x1;
	s10 =	sld [smem:$0x3FBA]  }
0x3d: {  	_ =	shalt  }
0x3e: {  	_ =	shalt  }
0x3f: {  	_ =	shalt  }
0x40: {  	_ =	shalt  }
0x41: {  	_ =	shalt  }
0x42: {  	_ =	shalt  }
0x43: {  	_ =	shalt  }
0x44: {  	_ =	shalt  }
0x45: {  	_ =	shalt  }
0x46: {  	_ =	shalt  }
0x47: {  	_ =	shalt  }
0x48: {  	_ =	shalt  }
0x49: {  	_ =	shalt  }
0x4a: {  	_ =	shalt  }
0x4b: {  	_ =	shalt  }
0x4c: {  	_ =	shalt  }
0x4d: {  	_ =	shalt  }
0x4e: {  	_ =	shalt  }
0x4f: {  	_ =	shalt  }
0x50: {  	_ =	shalt  }
0x51: {  	_ =	shalt  }
0x52: {  	_ =	shalt  }
0x53: {  	_ =	shalt  }
0x54: {  	_ =	shalt  }
0x55: {  	_ =	shalt  }
0x56: {  	_ =	shalt  }
0x57: {  	_ =	shalt  }
0x58: {  	_ =	shalt  }
0x59: {  	_ =	shalt  }
0x5a: {  	_ =	shalt  }
0x5b: {  	_ =	shalt  }
0x5c: {  	_ =	shalt  }
0x5d: {  	_ =	shalt  }
0x5e: {  	_ =	shalt  }
0x5f: {  	_ =	shalt  }
0x60: {  	_ =	shalt  }
0x61: {  	_ =	shalt  }
0x62: {  	_ =	shalt  }
0x63: {  	_ =	shalt  }
0x64: {  	_ =	shalt  }
0x65: {  	_ =	shalt  }
0x66: {  	_ =	shalt  }
0x67: {  	_ =	shalt  }
0x68: {  	_ =	shalt  }
0x69: {  	_ =	shalt  }
0x6a: {  	_ =	shalt  }
0x6b: {  	_ =	shalt  }
0x6c: {  	_ =	shalt  }
0x6d: {  	_ =	shalt  }
0x6e: {  	_ =	shalt  }
0x6f: {  	_ =	shalt  }
0x70: {  	_ =	shalt  }
0x71: {  	_ =	shalt  }
0x72: {  	_ =	shalt  }
0x73: {  	_ =	shalt  }
0x74: {  	_ =	shalt  }
0x75: {  	_ =	shalt  }
0x76: {  	_ =	shalt  }
0x77: {  	_ =	shalt  }
0x78: {  	_ =	shalt  }
0x79: {  	_ =	shalt  }
0x7a: {  	_ =	shalt  }
0x7b: {  	_ =	shalt  }
0x7c: {  	_ =	shalt  }
0x7d: {  	_ =	shalt  }
0x7e: {  	_ =	shalt  }
0x7f: {  	_ =	shalt  }
0x80: {  	_ =	shalt  }
0x81: {  	_ =	shalt  }
0x82: {  	_ =	shalt  }
0x83: {  	_ =	shalt  }
0x84: {  	_ =	shalt  }
0x85: {  	_ =	shalt  }
0x86: {  	_ =	shalt  }
0x87: {  	_ =	shalt  }
.Lfunc_end0:
.L_simem_size_0:
called_computation_lowered:
.L_overlay_start_0:
0x88: {  	s2 =	sld [smem:$0x3FD9]  }
0x89: {  	s3 =	sld [smem:$0x3FFE];
	_ =	sdelay $0x1  }
0x8a: {  	s1 =	srdreg.scid  }
0x8b: {  	s0 =	sand.u32 $0x1, s1  }
0x8c: {  	s17 =	sshll.u32 s0, $0xA;
	s2 =	sadd.s32 s3, s2  }
0x8d: {  	s2 =	sadd.s32 s2, s17  }
0x8e: {  	[smem:$0x3FC6] =	sst s2  }
0x8f: {  	_ = 	snop  }
0x90: {  	s2 =	sld [smem:$0x3FC8]  }
0x91: {  	s18 =	sld [smem:$0x3FD0];
	(tm) =	ssettm $0x1  }
0x92: {  	s4 =	sld [smem:$0x3FFB];
	_ =	sdelay $0x3  }
0x93: {  	_ =	strace s4  }
0x94: {  	s4 =	sld [smem:$0x3FFC];
	_ =	sdelay $0x3  }
0x95: {  	_ =	strace s4  }
0x96: {  	s4 =	sld [smem:$0x3FFD];
	_ =	sdelay $0x3  }
0x97: {  	_ =	strace s4  }
0x98: {  	_ =	strace $0x8FFFFFFF  }
0x99: {  	s19 =	sld [smem:$0x3FDB];
	_ =	sdelay $0x1  }
0x9a: {  	s5 =	simm.s32 $_scs_section_size  }
0x9b: {  	s6 =	simm.s32 $_size__tile_overlayer_lowered;
	s7 =	simm.s32 $_tile_overlayer_lowered  }
0x9c: {  	s22 =	simm.s32 $0x1BFF;
	s21 =	sshll.u32 s7, $0x1;
	s4 =	sadd.s32 s5, s19  }
0x9d: {  	s8 =	simm.s32 $0x0;
	s20 =	sshll.u32 s6, $0x1;
	s6 =	sadd.s32 s21, s4  }
0x9e: {  	[timem:s8], [sflag:s22] =	dma.local [hbm:s6], s20  }
0x9f: {  	_ =	swait.ge [sflag:s22], s20  }
0xa0: {  	s5 =	ssub.s32 $0x0, s20;
	[sflag:s22] =	ssyncset.done $0x0  }
0xa1: {  	[sflag:s22] =	ssyncadd.s32 s5;
	_ =	sdelay $0x1  }
0xa2: {  	s23 =	simm.s32 $0x1B8B  }
0xa3: {  	_ =	swait.ge [sflag:s23], $0x1  }
0xa4: {  	[sflag:s23] =	ssyncset.done $0x0  }
0xa5: {  	s25 =	simm.s32 $0x1B8E;
	s24 =	sld [smem:$0x3FFE];
	[sflag:s23] =	ssyncadd.s32 $0xFFFFFFFF  }
0xa6: {  	s26 =	simm.s32 $execute0_lowered;
	[smem:$0x3FD2] =	sst s25  }
0xa7: {  	s6 =	sshll.u32 s26, $0x1;
	_ =	strace $0x80000046;
	[dreg:$0x1] =	wrdreg $0xFFFFFFFF  }
0xa8: {  	s28 =	simm.s32 $_size_execute0_lowered;
	s4 =	sadd.s32 s4, s6;
	[dreg:$0x0] =	wrdreg $0x0  }
0xa9: {  	s6 =	sshll.u32 s28, $0x1;
	[dreg:$0x2] =	wrdreg s4  }
0xaa: {  	[dreg:$0x3] =	wrdreg s6  }
0xab: {  	[dreg:$0x4] =	wrdreg $0xC0  }
0xac: {  	_ =	task [dreg:s8], $0x5FFFF  }
0xad: {  	[dreg:$0x1] =	wrdreg $0xFFFFFFFF  }
0xae: {  	[dreg:$0x0] =	wrdreg $0x60  }
0xaf: {  	[dreg:$0x2] =	wrdreg s24  }
0xb0: {  	[dreg:$0x3] =	wrdreg s2  }
0xb1: {  	[dreg:$0x4] =	wrdreg s18  }
0xb2: {  	[dreg:$0x5] =	wrdreg $0x9  }
0xb3: {  	_ =	task.clear_ibuf [dreg:s8], $0x6FFFF;
	_ =	strace $0x90000046  }
0xb4: {  	s29 =	simm.s32 $0x9;
	_ =	strace $0x80000048  }
0xb5: {  	_ =	swait.ge [sflag:s29], $0x1  }
0xb6: {  	[sflag:s29] =	ssyncadd.s32 $0xFFFFFFFF  }
0xb7: {  	_ =	strace $0x90000048  }
0xb8: {  	_ =	sfence  }
0xb9: {  	s30 =	sld [smem:$0x0];
	_ =	sdelay $0x2  }
0xba: {  	s31 =	sshll.u32 s1, $0xD;
	s1 =	sshrl.u32 s1, $0x2  }
0xbb: {  	s3 =	sand.u32 $0x4000, s31;
	s1 =	sadd.s32 s1, s30  }
0xbc: {  	s0 =	sor.u32 s3, s0;
	s1 =	sshll.u32 s1, $0x11  }
0xbd: {  	s0 =	sor.u32 s1, s0  }
0xbe: {  	s0 =	sadd.s32 $0x8F2B, s0  }
0xbf: {  	[sflag:s0] =	ssyncadd.remote.s32 $0x1  }
0xc0: {  	_ =	sfence.sel $0xFFFF  }
0xc1: {  	[dreg:$0x0] =	wrdreg $0xFFFFFFFF;
	(pc) =	sbr.abs _section_cstart, $3  }
0xc2: {  	[dreg:$0x1] =	wrdreg $0xFFFFFFFF  }
0xc3: {  	_ =	task.clear_ibuf [dreg:s8], $0x2FFFF;
	_ =	strace $0x9FFFFFFF  }
0xc4: {  	(tm) =	ssettm $0x7FFFFFFF  }
0xc5: {  	_ =	shalt  }
tec
execute0_lowered:
.L_overlay_start_1:
0x0: {  	(tag) =	ssettag $0x1  }
0x1: {  	s0 =	rddreg [dreg:$0x0]  }
0x2: {  	s14 =	rddreg [dreg:$0x1]  }
0x3: {  	s1 =	rddreg [dreg:$0x2]  }
0x4: {  	s2 =	simm.s32 $0x0;
	s7 =	stileid.u32;
	s3 =	srdreg.scid  }
0x5: {  	s16 =	simm.s32 $0x400;
	s13 =	simm.s32 $0x7A1400;
	s23 =	simm.s32 $0x8200  }
0x6: {  	s12 =	simm.s32 $0x200;
	s24 =	simm.s32 $0x9200;
	s25 =	simm.s32 $0xA200  }
0x7: {  	s26 =	simm.s32 $0xB200;
	s28 =	simm.s32 $0xC200;
	[smem:$0x7FF] =	sst s2  }
0x8: {  	s9 =	simm.s32 $0x4200;
	_ =	strace $0x80000047;
	[dreg:$0x4] =	wrdreg s23  }
0x9: {  	s29 =	simm.s32 $0xD200;
	s11 =	simm.s32 $0x5200;
	[dreg:$0x5] =	wrdreg s24  }
0xa: {  	v0 =	vlaneseq.u32;
	s30 =	simm.s32 $0xE200;
	s17 =	simm.s32 $0x6200;
	[dreg:$0x6] =	wrdreg s25  }
0xb: {  	s31 =	simm.s32 $0xF200;
	s18 =	sshll.u32 s7, $0x7;
	v0 =	vmul.u32 $0x80, v0;
	[dreg:$0x7] =	wrdreg s26  }
0xc: {  	s3 =	sand.u32 $0x1, s3;
	s5 =	sshll.u32 s7, $0x5;
	[dreg:$0x8] =	wrdreg s28  }
0xd: {  	s20 =	sshll.u32 s7, $0xF;
	s2 =	sand.u32 $0x600, s18;
	[dreg:$0x9] =	wrdreg s29;
	v1 =	vor.u32 $0x800, v0  }
0xe: {  	s4 =	ssub.s32 $0x2, s3;
	s6 =	sshll.u32 s3, $0x4;
	[dreg:$0xa] =	wrdreg s30;
	v2 =	vor.u32 $0x1000, v0;
	v3 =	vor.u32 $0x1800, v0;
	v4 =	vor.u32 $0x2000, v0  }
0xf: {  	s3 =	sshll.u32 s3, $0xE;
	s23 =	simm.s32 $0x7200;
	[dreg:$0xb] =	wrdreg s31;
	v5 =	vor.u32 $0x2800, v0;
	v6 =	vor.u32 $0x3000, v0;
	v7 =	vor.u32 $0x3800, v0  }
0x10: {  	s18 =	simm.s32 $0x1;
	s0 =	sadd.s32 s2, s0;
	s5 =	sor.u32 s6, s5;
	v8 =	vor.u32 $0x4000, v0;
	v9 =	vor.u32 $0x4800, v0;
	v10 =	vor.u32 $0x5000, v0  }
0x11: {  	s19 =	sshrl.u32 s4, $0x1;
	s3 =	sor.u32 s3, s20;
	v11 =	vor.u32 $0x5800, v0;
	v12 =	vor.u32 $0x6000, v0;
	v13 =	vor.u32 $0x6800, v0;
	s5 =	sand.u32 $0x70, s5  }
0x12: {  	v14 =	vor.u32 $0x7000, v0;
	v15 =	vor.u32 $0x7800, v0;
	v16 =	vor.u32 $0x8000, v0;
	s2 =	ssub.s32 s4, s19;
	s21 =	sshrl.u32 s3, $0x3;
	s3 =	sor.u32 $0x100, s3  }
0x13: {  	v17 =	vor.u32 $0x8800, v0;
	v18 =	vor.u32 $0x9000, v0;
	v19 =	vor.u32 $0x9800, v0;
	s19 =	simm.s32 $0x1200;
	s0 =	sadd.s32 s5, s0;
	s2 =	smax.u32 s2, $0x1  }
0x14: {  	v20 =	vor.u32 $0xA000, v0;
	v21 =	vor.u32 $0xA800, v0;
	v22 =	vor.u32 $0xB000, v0;
	s22 =	sshrl.u32 s3, $0x3;
	s0 =	sadd.s32 $0x400, s0;
	[dreg:$0x15] =	wrdreg s2  }
0x15: {  	v23 =	vor.u32 $0xB800, v0;
	v24 =	vor.u32 $0xC000, v0;
	v25 =	vor.u32 $0xC800, v0;
	s3 =	simm.s32 $0x3200;
	[dreg:$0x14] =	wrdreg s0;
	s0 =	sadd.s32 s21, s1  }
0x16: {  	v26 =	vor.u32 $0xD000, v0;
	v27 =	vor.u32 $0xD800, v0;
	v28 =	vor.u32 $0xE000, v0;
	s2 =	simm.s32 $0x0;
	[dreg:$0x16] =	wrdreg s0;
	s0 =	sadd.s32 s22, s1  }
0x17: {  	v29 =	vor.u32 $0xE800, v0;
	v30 =	vor.u32 $0xF000, v0;
	v31 =	vor.u32 $0xF800, v0;
	s21 =	simm.s32 $0x2;
	s22 =	simm.s32 $0x2200;
	[dreg:$0x17] =	wrdreg s0  }
.LBB2_1:
0x18: {  	[dreg:$0x18] =	wrdreg s2;
	s26 =	simm.s32 $0x0  }
0x19: {  	s0 =	rddreg [dreg:$0x14];
	s1 =	simm.s32 $0x80;
	s5 =	simm.s32 $0x4  }
0x1a: {  	[tilespmem:s26], [sflag:$0x4] =	stream.strided.gather [hbm4b:s0+s1], $0x200, s16, s1, $0x38;
	[tilespmem:$0x14200] =	vst v63  }
0x1b: {  	_ =	swait.ge [sflag:s5], $0x200  }
0x1c: {  	[sflag:s5] =	ssyncset.done $0x0  }
0x1d: {  	[sflag:s5] =	ssyncadd.s32 $0xFFFFFE00  }
0x1e: {  	v32 =	vld [tilespmem:$0x0];
	_ =	sdelay $0x4  }
0x1f: {  	(v2sf) =	vpush v32, $0x0;
	_ =	sdelay $0x1  }
0x20: {  	(v2sf) =	vpush v32, $0x1;
	_ =	sdelay $0x2  }
0x21: {  	(v2sf) =	vpush v32, $0x2;
	_ =	sdelay $0x2  }
0x22: {  	(v2sf) =	vpush v32, $0x3;
	_ =	sdelay $0x2  }
0x23: {  	(v2sf) =	vpush v32, $0x4;
	_ =	sdelay $0x2  }
0x24: {  	(v2sf) =	vpush v32, $0x5  }
0x25: {  	s6 =	spop (v2sf)  }
0x26: {  	s0 =	sand.u32 $0xFFFFF80, s6  }
0x27: {  	(v2sf) =	vpush v32, $0x6;
	s7 =	spop (v2sf);
	s0 =	sadd.s32 s14, s0  }
0x28: {  	[tilespmem:s12], [sflag:$0x1] =	stream.strided.gather [hbm4b:s0+s16], $0x1000, s13, s16, $0x38;
	[tilespmem:$0x14200] =	vst v63  }
0x29: {  	s0 =	sand.u32 $0xFFFFF80, s7  }
0x2a: {  	(v2sf) =	vpush v32, $0x7;
	s8 =	spop (v2sf);
	s0 =	sadd.s32 s14, s0  }
0x2b: {  	[tilespmem:s19], [sflag:$0x1] =	stream.strided.gather [hbm4b:s0+s16], $0x1000, s13, s16, $0x38;
	[tilespmem:$0x14200] =	vst v63  }
0x2c: {  	s0 =	sand.u32 $0xFFFFF80, s8  }
0x2d: {  	s10 =	spop (v2sf);
	s0 =	sadd.s32 s14, s0  }
0x2e: {  	[tilespmem:s22], [sflag:$0x1] =	stream.strided.gather [hbm4b:s0+s16], $0x1000, s13, s16, $0x38;
	[tilespmem:$0x14200] =	vst v63  }
0x2f: {  	s0 =	sand.u32 $0xFFFFF80, s10  }
0x30: {  	s15 =	spop (v2sf);
	s0 =	sadd.s32 s14, s0  }
0x31: {  	[tilespmem:s3], [sflag:$0x1] =	stream.strided.gather [hbm4b:s0+s16], $0x1000, s13, s16, $0x38;
	[tilespmem:$0x14200] =	vst v63  }
0x32: {  	s0 =	sand.u32 $0xFFFFF80, s15  }
0x33: {  	s19 =	spop (v2sf);
	s0 =	sadd.s32 s14, s0  }
0x34: {  	[tilespmem:s9], [sflag:$0x1] =	stream.strided.gather [hbm4b:s0+s16], $0x1000, s13, s16, $0x38;
	[tilespmem:$0x14200] =	vst v63  }
0x35: {  	s0 =	sand.u32 $0xFFFFF80, s19  }
0x36: {  	s20 =	spop (v2sf);
	s0 =	sadd.s32 s14, s0  }
0x37: {  	[tilespmem:s11], [sflag:$0x1] =	stream.strided.gather [hbm4b:s0+s16], $0x1000, s13, s16, $0x38;
	[tilespmem:$0x14200] =	vst v63  }
0x38: {  	s0 =	sand.u32 $0xFFFFF80, s20  }
0x39: {  	s22 =	spop (v2sf);
	s0 =	sadd.s32 s14, s0  }
0x3a: {  	[tilespmem:s17], [sflag:$0x1] =	stream.strided.gather [hbm4b:s0+s16], $0x1000, s13, s16, $0x38;
	[tilespmem:$0x14200] =	vst v63  }
0x3b: {  	s0 =	sand.u32 $0xFFFFF80, s22  }
0x3c: {  	s4 =	simm.s32 $0x0;
	s0 =	sadd.s32 s14, s0  }
0x3d: {  	[tilespmem:s23], [sflag:$0x1] =	stream.strided.gather [hbm4b:s0+s16], $0x1000, s13, s16, $0x38;
	[tilespmem:$0x14200] =	vst v63  }
0x3e: {  	v36 =	vld [tilespmem:s4+$0x0];
	_ =	sdelay $0x4  }
0x3f: {  	(v2sf) =	vpush v36, $0x8  }
0x40: {  	(v2sf) =	vpush v36, $0x9  }
0x41: {  	(v2sf) =	vpush v36, $0xA;
	_ =	sdelay $0x1  }
0x42: {  	(v2sf) =	vpush v36, $0xB;
	_ =	sdelay $0x1  }
0x43: {  	(v2sf) =	vpush v36, $0xC;
	_ =	sdelay $0x1  }
0x44: {  	(v2sf) =	vpush v36, $0xD  }
0x45: {  	s5 =	rddreg [dreg:$0x4]  }
0x46: {  	s6 =	rddreg [dreg:$0x8];
	s7 =	simm.s32 $0x10;
	(v2sf) =	vpush v36, $0xE  }
0x47: {  	[dreg:$0xc] =	wrdreg s7  }
0x48: {  	s3 =	rddreg [dreg:$0xa];
	(v2sf) =	vpush v36, $0xF  }
0x49: {  	s8 =	simm.s32 $0x10;
	s9 =	rddreg [dreg:$0x9]  }
0x4a: {  	s24 =	smin.u32 s8, $0x1F0;
	s0 =	rddreg [dreg:$0x7];
	(v2sf) =	vpush v36, $0x0  }
0x4b: {  	s15 =	smov.u32 s14;
	s23 =	rddreg [dreg:$0x6];
	s10 =	spop (v2sf)  }
0x4c: {  	s4 =	rddreg [dreg:$0x5];
	(v2sf) =	vpush v36, $0x1;
	s25 =	sand.u32 $0xFFFFF80, s10;
	s8 =	spop (v2sf)  }
0x4d: {  	s11 =	sadd.s32 s14, s25;
	s26 =	sand.u32 $0xFFFFF80, s8;
	s7 =	spop (v2sf)  }
0x4e: {  	v33 =	vld [tilespmem:s24+$0x0];
	[tilespmem:s5], [sflag:$0x2] =	stream.strided.gather [hbm4b:s11+s16], $0x1000, s13, s16, $0x38  }
0x4f: {  	(v2sf) =	vpush v36, $0x2;
	s17 =	sadd.s32 s15, s26;
	s19 =	sand.u32 $0xFFFFF80, s7;
	s5 =	spop (v2sf)  }
0x50: {  	(v2sf) =	vpush v36, $0x3;
	[tilespmem:s4], [sflag:$0x2] =	stream.strided.gather [hbm4b:s17+s16], $0x1000, s13, s16, $0x38;
	[tilespmem:$0x14200] =	vst v63  }
0x51: {  	(v2sf) =	vpush v36, $0x4;
	s20 =	sadd.s32 s15, s19;
	s22 =	sand.u32 $0xFFFFF80, s5;
	s4 =	spop (v2sf)  }
0x52: {  	(v2sf) =	vpush v36, $0x5;
	[tilespmem:s23], [sflag:$0x2] =	stream.strided.gather [hbm4b:s20+s16], $0x1000, s13, s16, $0x38;
	[tilespmem:$0x14200] =	vst v63  }
0x53: {  	(v2sf) =	vpush v33, $0x1;
	s24 =	sand.u32 $0xFFFFF80, s4;
	s1 =	spop (v2sf);
	s23 =	sadd.s32 s15, s22  }
0x54: {  	(v2sf) =	vpush v33, $0x0;
	[tilespmem:s0], [sflag:$0x2] =	stream.strided.gather [hbm4b:s23+s16], $0x1000, s13, s16, $0x38;
	[tilespmem:$0x14200] =	vst v63  }
0x55: {  	s25 =	sadd.s32 s15, s24;
	s26 =	sand.u32 $0xFFFFF80, s1;
	(v2sf) =	vpush v33, $0x2;
	s0 =	spop (v2sf)  }
0x56: {  	(v2sf) =	vpush v33, $0x3;
	[tilespmem:s6], [sflag:$0x2] =	stream.strided.gather [hbm4b:s25+s16], $0x1000, s13, s16, $0x38;
	[tilespmem:$0x14200] =	vst v63  }
0x57: {  	s14 =	sadd.s32 s15, s26;
	(v2sf) =	vpush v36, $0x6;
	s17 =	sand.u32 $0xFFFFF80, s0;
	s6 =	spop (v2sf)  }
0x58: {  	(v2sf) =	vpush v33, $0x4;
	[tilespmem:s9], [sflag:$0x2] =	stream.strided.gather [hbm4b:s14+s16], $0x1000, s13, s16, $0x38;
	[tilespmem:$0x14200] =	vst v63  }
0x59: {  	s19 =	sadd.s32 s15, s17;
	s22 =	sand.u32 $0xFFFFF80, s6;
	s20 =	spop (v2sf);
	(v2sf) =	vpush v36, $0x7  }
0x5a: {  	(v2sf) =	vpush v33, $0x5;
	[tilespmem:s3], [sflag:$0x2] =	stream.strided.gather [hbm4b:s19+s16], $0x1000, s13, s16, $0x38;
	[tilespmem:$0x14200] =	vst v63  }
0x5b: {  	s2 =	rddreg [dreg:$0xb];
	s23 =	sadd.s32 s15, s22;
	s22 =	spop (v2sf);
	(v2sf) =	vpush v33, $0x6  }
0x5c: {  	(v2sf) =	vpush v33, $0x7;
	[tilespmem:s2], [sflag:$0x2] =	stream.strided.gather [hbm4b:s23+s16], $0x1000, s13, s16, $0x38;
	[tilespmem:$0x14200] =	vst v63  }
0x5d: {  	_ =	swait.ge [sflag:s18], $0x1000  }
0x5e: {  	s23 =	spop (v2sf)  }
0x5f: {  	[sflag:s18] =	ssyncset.done $0x0;
	s24 =	spop (v2sf)  }
0x60: {  	[sflag:s18] =	ssyncadd.s32 $0xFFFFF000;
	s25 =	spop (v2sf)  }
0x61: {  	_ =	swait.ge [sflag:s18], $0x1000  }
0x62: {  	s30 =	spop (v2sf)  }
0x63: {  	[sflag:s18] =	ssyncset.done $0x0;
	s2 =	spop (v2sf)  }
0x64: {  	[sflag:s18] =	ssyncadd.s32 $0xFFFFF000;
	s16 =	spop (v2sf)  }
0x65: {  	_ =	swait.ge [sflag:s18], $0x1000  }
0x66: {  	s9 =	spop (v2sf)  }
0x67: {  	[sflag:s18] =	ssyncset.done $0x0;
	s3 =	spop (v2sf)  }
0x68: {  	[sflag:s18] =	ssyncadd.s32 $0xFFFFF000;
	s26 =	spop (v2sf)  }
0x69: {  	_ =	swait.ge [sflag:s18], $0x1000  }
0x6a: {  	s11 =	spop (v2sf);
	[sflag:s18] =	ssyncset.done $0x0  }
0x6b: {  	[sflag:s18] =	ssyncadd.s32 $0xFFFFF000;
	s19 =	spop (v2sf)  }
0x6c: {  	_ =	swait.ge [sflag:s18], $0x1000  }
0x6d: {  	s28 =	spop (v2sf)  }
0x6e: {  	[sflag:s18] =	ssyncset.done $0x0;
	s14 =	spop (v2sf)  }
0x6f: {  	[sflag:s18] =	ssyncadd.s32 $0xFFFFF000;
	s13 =	spop (v2sf)  }
0x70: {  	_ =	swait.ge [sflag:s18], $0x1000  }
0x71: {  	[sflag:s18] =	ssyncset.done $0x0  }
0x72: {  	[sflag:s18] =	ssyncadd.s32 $0xFFFFF000  }
0x73: {  	s20 =	sand.u32 $0x7F, s20;
	_ =	swait.ge [sflag:s18], $0x1000  }
0x74: {  	v37 =	vor.u32 s20, v0;
	[sflag:s18] =	ssyncset.done $0x0  }
0x75: {  	v38 =	vor.u32 s20, v1;
	[sflag:s18] =	ssyncadd.s32 $0xFFFFF000  }
0x76: {  	_ =	swait.ge [sflag:s18], $0x1000  }
0x77: {  	[sflag:s18] =	ssyncset.done $0x0  }
0x78: {  	[sflag:s18] =	ssyncadd.s32 $0xFFFFF000  }
0x79: {  	v32 =	vld.idx.msk [tilespmem:v37+s12+$0x0], $0xffff  }
0x7a: {  	s20 =	sand.u32 $0x7F, s22;
	v33 =	vld.idx.msk [tilespmem:v38+s12+$0x0], $0xffff  }
0x7b: {  	v34 =	vor.u32 s20, v2  }
0x7c: {  	v35 =	vor.u32 s20, v3  }
0x7d: {  	s31 =	simm.s32 $0x0  }
0x7e: {  	[tilespmem:s31+$0x10200] =	vst v32  }
0x7f: {  	[tilespmem:s31+$0x10210] =	vst v33  }
0x80: {  	v32 =	vld.idx.msk [tilespmem:v34+s12+$0x0], $0xffff  }
0x81: {  	s20 =	sand.u32 $0x7F, s23;
	v33 =	vld.idx.msk [tilespmem:v35+s12+$0x0], $0xffff  }
0x82: {  	v39 =	vor.u32 s20, v4  }
0x83: {  	v40 =	vor.u32 s20, v5;
	_ =	sdelay $0x1  }
0x84: {  	[tilespmem:s31+$0x10220] =	vst v32  }
0x85: {  	[tilespmem:s31+$0x10230] =	vst v33  }
0x86: {  	v32 =	vld.idx.msk [tilespmem:v39+s12+$0x0], $0xffff  }
0x87: {  	s24 =	sand.u32 $0x7F, s24;
	v33 =	vld.idx.msk [tilespmem:v40+s12+$0x0], $0xffff  }
0x88: {  	v41 =	vor.u32 s24, v6  }
0x89: {  	v42 =	vor.u32 s24, v7;
	_ =	sdelay $0x1  }
0x8a: {  	[tilespmem:s31+$0x10240] =	vst v32  }
0x8b: {  	[tilespmem:s31+$0x10250] =	vst v33  }
0x8c: {  	v32 =	vld.idx.msk [tilespmem:v41+s12+$0x0], $0xffff  }
0x8d: {  	s24 =	sand.u32 $0x7F, s25;
	v33 =	vld.idx.msk [tilespmem:v42+s12+$0x0], $0xffff  }
0x8e: {  	v43 =	vor.u32 s24, v8  }
0x8f: {  	v44 =	vor.u32 s24, v9;
	_ =	sdelay $0x1  }
0x90: {  	[tilespmem:s31+$0x10260] =	vst v32  }
0x91: {  	[tilespmem:s31+$0x10270] =	vst v33  }
0x92: {  	v32 =	vld.idx.msk [tilespmem:v43+s12+$0x0], $0xffff  }
0x93: {  	s25 =	sand.u32 $0x7F, s30;
	v33 =	vld.idx.msk [tilespmem:v44+s12+$0x0], $0xffff  }
0x94: {  	v45 =	vor.u32 s25, v10  }
0x95: {  	v46 =	vor.u32 s25, v11;
	_ =	sdelay $0x1  }
0x96: {  	[tilespmem:s31+$0x10280] =	vst v32  }
0x97: {  	[tilespmem:s31+$0x10290] =	vst v33  }
0x98: {  	v32 =	vld.idx.msk [tilespmem:v45+s12+$0x0], $0xffff  }
0x99: {  	s26 =	sand.u32 $0x7F, s26;
	v33 =	vld.idx.msk [tilespmem:v46+s12+$0x0], $0xffff  }
0x9a: {  	v47 =	vor.u32 s26, v12  }
0x9b: {  	v48 =	vor.u32 s26, v13;
	_ =	sdelay $0x1  }
0x9c: {  	[tilespmem:s31+$0x102A0] =	vst v32  }
0x9d: {  	[tilespmem:s31+$0x102B0] =	vst v33  }
0x9e: {  	v32 =	vld.idx.msk [tilespmem:v47+s12+$0x0], $0xffff  }
0x9f: {  	s19 =	sand.u32 $0x7F, s19;
	v33 =	vld.idx.msk [tilespmem:v48+s12+$0x0], $0xffff  }
0xa0: {  	v49 =	vor.u32 s19, v14  }
0xa1: {  	v50 =	vor.u32 s19, v15;
	_ =	sdelay $0x1  }
0xa2: {  	[tilespmem:s31+$0x102C0] =	vst v32  }
0xa3: {  	[tilespmem:s31+$0x102D0] =	vst v33  }
0xa4: {  	v32 =	vld.idx.msk [tilespmem:v49+s12+$0x0], $0xffff  }
0xa5: {  	v33 =	vld.idx.msk [tilespmem:v50+s12+$0x0], $0xffff;
	_ =	sdelay $0x3  }
0xa6: {  	s29 =	simm.s32 $0x400;
	s24 =	simm.s32 $0x10200;
	s25 =	simm.s32 $0x0;
	[tilespmem:s31+$0x102E0] =	vst v32  }
0xa7: {  	s2 =	sand.u32 $0xFFFFF80, s2;
	s16 =	sand.u32 $0xFFFFF80, s16;
	s30 =	rddreg [dreg:$0x16];
	[tilespmem:s31+$0x102F0] =	vst v33  }
0xa8: {  	[hbm4b:s30+s25] =	stream.linear.scatter [tilespmem:s24], [sflag:$0x3], $0x100, $0x38;
	[tilespmem:$0x14200] =	vst v63  }
0xa9: {  	s17 =	simm.s32 $0x7A1400;
	s2 =	sadd.s32 s15, s2;
	s16 =	sadd.s32 s15, s16  }
0xaa: {  	[tilespmem:s12], [sflag:$0x1] =	stream.strided.gather [hbm4b:s16+s29], $0x1000, s17, s29, $0x38;
	[tilespmem:$0x14200] =	vst v63  }
0xab: {  	s9 =	sand.u32 $0xFFFFF80, s9;
	s26 =	simm.s32 $0x1200;
	s16 =	simm.s32 $0x400  }
0xac: {  	[tilespmem:s26], [sflag:$0x1] =	stream.strided.gather [hbm4b:s2+s16], $0x1000, s17, s16, $0x38;
	[tilespmem:$0x14200] =	vst v63  }
0xad: {  	s22 =	simm.s32 $0x2200;
	s20 =	sand.u32 $0xFFFFF80, s3;
	s2 =	sadd.s32 s15, s9  }
0xae: {  	[tilespmem:s22], [sflag:$0x1] =	stream.strided.gather [hbm4b:s2+s16], $0x1000, s17, s16, $0x38;
	[tilespmem:$0x14200] =	vst v63  }
0xaf: {  	s24 =	sand.u32 $0xFFFFF80, s11;
	s22 =	simm.s32 $0x3200;
	s2 =	sadd.s32 s15, s20  }
0xb0: {  	[tilespmem:s22], [sflag:$0x1] =	stream.strided.gather [hbm4b:s2+s16], $0x1000, s17, s16, $0x38;
	[tilespmem:$0x14200] =	vst v63  }
0xb1: {  	s19 =	simm.s32 $0x4200;
	s26 =	sand.u32 $0xFFFFF80, s28;
	s2 =	sadd.s32 s15, s24  }
0xb2: {  	[tilespmem:s19], [sflag:$0x1] =	stream.strided.gather [hbm4b:s2+s16], $0x1000, s17, s16, $0x38;
	[tilespmem:$0x14200] =	vst v63  }
0xb3: {  	s25 =	simm.s32 $0x5200;
	s9 =	sand.u32 $0xFFFFF80, s14;
	s2 =	sadd.s32 s15, s26  }
0xb4: {  	[tilespmem:s25], [sflag:$0x1] =	stream.strided.gather [hbm4b:s2+s16], $0x1000, s17, s16, $0x38;
	[tilespmem:$0x14200] =	vst v63  }
0xb5: {  	s11 =	simm.s32 $0x6200;
	s2 =	sadd.s32 s15, s9  }
0xb6: {  	[tilespmem:s11], [sflag:$0x1] =	stream.strided.gather [hbm4b:s2+s16], $0x1000, s17, s16, $0x38;
	[tilespmem:$0x14200] =	vst v63  }
0xb7: {  	s17 =	sand.u32 $0xFFFFF80, s13  }
0xb8: {  	s23 =	simm.s32 $0x7200;
	s13 =	simm.s32 $0x7A1400;
	s2 =	sadd.s32 s15, s17  }
0xb9: {  	[tilespmem:s23], [sflag:$0x1] =	stream.strided.gather [hbm4b:s2+s16], $0x1000, s13, s16, $0x38;
	[tilespmem:$0x14200] =	vst v63  }
0xba: {  	_ =	swait.ge [sflag:s21], $0x1000  }
0xbb: {  	[sflag:s21] =	ssyncset.done $0x0  }
0xbc: {  	[sflag:s21] =	ssyncadd.s32 $0xFFFFF000  }
0xbd: {  	_ =	swait.ge [sflag:s21], $0x1000  }
0xbe: {  	[sflag:s21] =	ssyncset.done $0x0  }
0xbf: {  	[sflag:s21] =	ssyncadd.s32 $0xFFFFF000  }
0xc0: {  	_ =	swait.ge [sflag:s21], $0x1000  }
0xc1: {  	[sflag:s21] =	ssyncset.done $0x0  }
0xc2: {  	[sflag:s21] =	ssyncadd.s32 $0xFFFFF000  }
0xc3: {  	_ =	swait.ge [sflag:s21], $0x1000  }
0xc4: {  	[sflag:s21] =	ssyncset.done $0x0  }
0xc5: {  	[sflag:s21] =	ssyncadd.s32 $0xFFFFF000  }
0xc6: {  	_ =	swait.ge [sflag:s21], $0x1000  }
0xc7: {  	[sflag:s21] =	ssyncset.done $0x0  }
0xc8: {  	[sflag:s21] =	ssyncadd.s32 $0xFFFFF000  }
0xc9: {  	_ =	swait.ge [sflag:s21], $0x1000  }
0xca: {  	[sflag:s21] =	ssyncset.done $0x0  }
0xcb: {  	[sflag:s21] =	ssyncadd.s32 $0xFFFFF000  }
0xcc: {  	s19 =	sand.u32 $0x7F, s10;
	_ =	swait.ge [sflag:s21], $0x1000  }
0xcd: {  	v51 =	vor.u32 s19, v16;
	[sflag:s21] =	ssyncset.done $0x0  }
0xce: {  	v52 =	vor.u32 s19, v17;
	[sflag:s21] =	ssyncadd.s32 $0xFFFFF000  }
0xcf: {  	_ =	swait.ge [sflag:s21], $0x1000  }
0xd0: {  	[sflag:s21] =	ssyncset.done $0x0  }
0xd1: {  	[sflag:s21] =	ssyncadd.s32 $0xFFFFF000  }
0xd2: {  	v32 =	vld.idx.msk [tilespmem:v51+s12+$0x0], $0xffff  }
0xd3: {  	s20 =	sand.u32 $0x7F, s8;
	v33 =	vld.idx.msk [tilespmem:v52+s12+$0x0], $0xffff  }
0xd4: {  	v53 =	vor.u32 s20, v18  }
0xd5: {  	v54 =	vor.u32 s20, v19;
	_ =	sdelay $0x1  }
0xd6: {  	[tilespmem:s31+$0x10300] =	vst v32  }
0xd7: {  	[tilespmem:s31+$0x10310] =	vst v33  }
0xd8: {  	v32 =	vld.idx.msk [tilespmem:v53+s12+$0x0], $0xffff  }
0xd9: {  	s22 =	sand.u32 $0x7F, s7;
	v33 =	vld.idx.msk [tilespmem:v54+s12+$0x0], $0xffff  }
0xda: {  	v55 =	vor.u32 s22, v20  }
0xdb: {  	v56 =	vor.u32 s22, v21;
	_ =	sdelay $0x1  }
0xdc: {  	[tilespmem:s31+$0x10320] =	vst v32  }
0xdd: {  	[tilespmem:s31+$0x10330] =	vst v33  }
0xde: {  	v32 =	vld.idx.msk [tilespmem:v55+s12+$0x0], $0xffff  }
0xdf: {  	s23 =	sand.u32 $0x7F, s5;
	v33 =	vld.idx.msk [tilespmem:v56+s12+$0x0], $0xffff  }
0xe0: {  	v57 =	vor.u32 s23, v22  }
0xe1: {  	v58 =	vor.u32 s23, v23;
	_ =	sdelay $0x1  }
0xe2: {  	[tilespmem:s31+$0x10340] =	vst v32  }
0xe3: {  	[tilespmem:s31+$0x10350] =	vst v33  }
0xe4: {  	v32 =	vld.idx.msk [tilespmem:v57+s12+$0x0], $0xffff  }
0xe5: {  	s24 =	sand.u32 $0x7F, s4;
	v33 =	vld.idx.msk [tilespmem:v58+s12+$0x0], $0xffff  }
0xe6: {  	v59 =	vor.u32 s24, v24  }
0xe7: {  	v60 =	vor.u32 s24, v25;
	_ =	sdelay $0x1  }
0xe8: {  	[tilespmem:s31+$0x10360] =	vst v32  }
0xe9: {  	[tilespmem:s31+$0x10370] =	vst v33  }
0xea: {  	v32 =	vld.idx.msk [tilespmem:v59+s12+$0x0], $0xffff  }
0xeb: {  	s1 =	sand.u32 $0x7F, s1;
	v33 =	vld.idx.msk [tilespmem:v60+s12+$0x0], $0xffff  }
0xec: {  	v61 =	vor.u32 s1, v26;
	_ =	sdelay $0x2  }
0xed: {  	[tilespmem:s31+$0x10380] =	vst v32  }
0xee: {  	[tilespmem:s31+$0x10390] =	vst v33  }
0xef: {  	v62 =	vor.u32 s1, v27;
	v63 =	vld.idx.msk [tilespmem:v61+s12+$0x0], $0xffff;
	_ =	sdelay $0x2  }
0xf0: {  	s29 =	simm.s32 $0x0  }
0xf1: {  	s14 =	smov.u32 s15;
	s25 =	sand.u32 $0x7F, s0;
	s1 =	rddreg [dreg:$0x17]  }
0xf2: {  	s26 =	simm.s32 $0x800;
	s0 =	sand.u32 $0x7F, s6;
	s28 =	sadd.s32 $0x40, s1;
	v33 =	vor.u32 s25, v29;
	v32 =	vor.u32 s25, v28;
	v34 =	vld.idx.msk [tilespmem:v62+s12+$0x0], $0xffff;
	[tilespmem:s31+$0x103A0] =	vst v63  }
.LBB2_2:
0xf3: {  	_ =	sdelay $0x3  }
0xf4: {  	[tilespmem:s31+$0x103B0] =	vst v34  }
0xf5: {  	v33 =	vld.idx.msk [tilespmem:v33+s12+$0x0], $0xffff  }
0xf6: {  	v32 =	vld.idx.msk [tilespmem:v32+s12+$0x0], $0xffff  }
0xf7: {  	v63 =	vor.u32 s0, v30  }
0xf8: {  	v35 =	vor.u32 s0, v31;
	_ =	sdelay $0x1  }
0xf9: {  	[tilespmem:s31+$0x103D0] =	vst v33  }
0xfa: {  	[tilespmem:s31+$0x103C0] =	vst v32  }
0xfb: {  	v32 =	vld.idx.msk [tilespmem:v63+s12+$0x0], $0xffff  }
0xfc: {  	v33 =	vld.idx.msk [tilespmem:v35+s12+$0x0], $0xffff;
	_ =	sdelay $0x3  }
0xfd: {  	[tilespmem:s31+$0x103E0] =	vst v32  }
0xfe: {  	s29 =	sadd.s32 $0x10, s29;
	s11 =	sadd.s32 $0x10300, s31;
	s17 =	simm.s32 $0x0;
	[tilespmem:s31+$0x103F0] =	vst v33  }
0xff: {  	[hbm4b:s1+s17] =	stream.linear.scatter [tilespmem:s11], [sflag:$0x3], $0x100, $0x38;
	[tilespmem:$0x14200] =	vst v63  }
0x100: {  	v32 =	vld [tilespmem:s29+$0x0];
	_ =	sdelay $0x4  }
0x101: {  	(v2sf) =	vpush v32, $0x8  }
0x102: {  	(v2sf) =	vpush v32, $0x9  }
0x103: {  	(v2sf) =	vpush v32, $0xA;
	_ =	sdelay $0x1  }
0x104: {  	(v2sf) =	vpush v32, $0xB  }
0x105: {  	s2 =	rddreg [dreg:$0xc]  }
0x106: {  	s6 =	rddreg [dreg:$0xa];
	(v2sf) =	vpush v32, $0xC  }
0x107: {  	s7 =	rddreg [dreg:$0x9]  }
0x108: {  	s9 =	rddreg [dreg:$0x8];
	(v2sf) =	vpush v32, $0xD  }
0x109: {  	s10 =	rddreg [dreg:$0x7]  }
0x10a: {  	s8 =	rddreg [dreg:$0x6];
	(v2sf) =	vpush v32, $0xE  }
0x10b: {  	s4 =	rddreg [dreg:$0x5]  }
0x10c: {  	s3 =	smov.u32 s26;
	s20 =	rddreg [dreg:$0x4];
	(v2sf) =	vpush v32, $0xF  }
0x10d: {  	s19 =	smov.u32 s28;
	[dreg:$0xe] =	wrdreg s3  }
0x10e: {  	s2 =	sadd.s32 $0x10, s2;
	[dreg:$0xd] =	wrdreg s19;
	(v2sf) =	vpush v32, $0x0  }
0x10f: {  	[dreg:$0xc] =	wrdreg s2;
	s5 =	spop (v2sf)  }
0x110: {  	s22 =	smin.u32 s2, $0x1F0;
	s11 =	sand.u32 $0xFFFFF80, s5;
	s2 =	spop (v2sf);
	(v2sf) =	vpush v32, $0x1  }
0x111: {  	s11 =	sadd.s32 s14, s11;
	s23 =	sand.u32 $0xFFFFF80, s2;
	s0 =	spop (v2sf)  }
0x112: {  	v33 =	vld [tilespmem:s22+$0x0];
	[tilespmem:s20], [sflag:$0x2] =	stream.strided.gather [hbm4b:s11+s16], $0x1000, s13, s16, $0x38  }
0x113: {  	(v2sf) =	vpush v32, $0x2;
	s24 =	sadd.s32 s15, s23;
	s25 =	sand.u32 $0xFFFFF80, s0;
	s1 =	spop (v2sf)  }
0x114: {  	(v2sf) =	vpush v32, $0x3;
	[tilespmem:s4], [sflag:$0x2] =	stream.strided.gather [hbm4b:s24+s16], $0x1000, s13, s16, $0x38;
	[tilespmem:$0x14200] =	vst v63  }
0x115: {  	(v2sf) =	vpush v32, $0x4;
	s14 =	sadd.s32 s15, s25;
	s17 =	sand.u32 $0xFFFFF80, s1;
	s4 =	spop (v2sf)  }
0x116: {  	(v2sf) =	vpush v32, $0x5;
	[tilespmem:s8], [sflag:$0x2] =	stream.strided.gather [hbm4b:s14+s16], $0x1000, s13, s16, $0x38;
	[tilespmem:$0x14200] =	vst v63  }
0x117: {  	s19 =	sadd.s32 s15, s17;
	(v2sf) =	vpush v33, $0x1;
	s20 =	sand.u32 $0xFFFFF80, s4;
	s8 =	spop (v2sf)  }
0x118: {  	(v2sf) =	vpush v33, $0x0;
	[tilespmem:s10], [sflag:$0x2] =	stream.strided.gather [hbm4b:s19+s16], $0x1000, s13, s16, $0x38;
	[tilespmem:$0x14200] =	vst v63  }
0x119: {  	s22 =	sadd.s32 s15, s20;
	(v2sf) =	vpush v33, $0x2;
	s23 =	sand.u32 $0xFFFFF80, s8;
	s31 =	spop (v2sf)  }
0x11a: {  	(v2sf) =	vpush v33, $0x3;
	[tilespmem:s9], [sflag:$0x2] =	stream.strided.gather [hbm4b:s22+s16], $0x1000, s13, s16, $0x38;
	[tilespmem:$0x14200] =	vst v63  }
0x11b: {  	s24 =	sadd.s32 s15, s23;
	s25 =	sand.u32 $0xFFFFF80, s31;
	s23 =	spop (v2sf);
	(v2sf) =	vpush v32, $0x6  }
0x11c: {  	(v2sf) =	vpush v33, $0x4;
	[tilespmem:s7], [sflag:$0x2] =	stream.strided.gather [hbm4b:s24+s16], $0x1000, s13, s16, $0x38;
	[tilespmem:$0x14200] =	vst v63  }
0x11d: {  	s11 =	sadd.s32 s15, s25;
	s14 =	sand.u32 $0xFFFFF80, s23;
	s17 =	spop (v2sf);
	(v2sf) =	vpush v32, $0x7  }
0x11e: {  	(v2sf) =	vpush v33, $0x5;
	[tilespmem:s6], [sflag:$0x2] =	stream.strided.gather [hbm4b:s11+s16], $0x1000, s13, s16, $0x38;
	[tilespmem:$0x14200] =	vst v63  }
0x11f: {  	s3 =	rddreg [dreg:$0xb];
	s19 =	sadd.s32 s15, s14;
	s20 =	spop (v2sf);
	(v2sf) =	vpush v33, $0x6  }
0x120: {  	[tilespmem:s3], [sflag:$0x2] =	stream.strided.gather [hbm4b:s19+s16], $0x1000, s13, s16, $0x38;
	(v2sf) =	vpush v33, $0x7;
	[tilespmem:$0x14200] =	vst v63  }
0x121: {  	_ =	swait.ge [sflag:s18], $0x1000  }
0x122: {  	s24 =	spop (v2sf)  }
0x123: {  	[sflag:s18] =	ssyncset.done $0x0;
	s25 =	spop (v2sf)  }
0x124: {  	[sflag:s18] =	ssyncadd.s32 $0xFFFFF000;
	s6 =	spop (v2sf)  }
0x125: {  	_ =	swait.ge [sflag:s18], $0x1000  }
0x126: {  	s7 =	spop (v2sf)  }
0x127: {  	[sflag:s18] =	ssyncset.done $0x0;
	s9 =	spop (v2sf)  }
0x128: {  	[sflag:s18] =	ssyncadd.s32 $0xFFFFF000;
	s10 =	spop (v2sf)  }
0x129: {  	_ =	swait.ge [sflag:s18], $0x1000  }
0x12a: {  	s22 =	sand.u32 $0x7F, s17;
	s3 =	sand.u32 $0x7F, s7;
	s13 =	spop (v2sf)  }
0x12b: {  	s7 =	sand.u32 $0xFFFFF80, s10;
	[sflag:s18] =	ssyncset.done $0x0;
	s14 =	spop (v2sf)  }
0x12c: {  	[dreg:$0xf] =	wrdreg s7;
	[sflag:s18] =	ssyncadd.s32 $0xFFFFF000;
	s17 =	spop (v2sf)  }
0x12d: {  	s11 =	sand.u32 $0x7F, s6;
	_ =	swait.ge [sflag:s18], $0x1000  }
0x12e: {  	s6 =	sand.u32 $0xFFFFF80, s13;
	s19 =	spop (v2sf);
	[sflag:s18] =	ssyncset.done $0x0  }
0x12f: {  	[dreg:$0x10] =	wrdreg s6;
	[sflag:s18] =	ssyncadd.s32 $0xFFFFF000;
	s10 =	spop (v2sf)  }
0x130: {  	s16 =	sand.u32 $0xFFFFF80, s9;
	_ =	swait.ge [sflag:s18], $0x1000  }
0x131: {  	s9 =	sand.u32 $0x7F, s17;
	s6 =	sand.u32 $0x7F, s2;
	s13 =	spop (v2sf)  }
0x132: {  	s2 =	sand.u32 $0x7F, s10;
	s7 =	sand.u32 $0xFFFFF80, s13;
	s17 =	spop (v2sf)  }
0x133: {  	[sflag:s18] =	ssyncset.done $0x0;
	[dreg:$0x11] =	wrdreg s7;
	s7 =	sand.u32 $0xFFFFF80, s17  }
0x134: {  	[sflag:s18] =	ssyncadd.s32 $0xFFFFF000;
	s10 =	spop (v2sf);
	[dreg:$0x12] =	wrdreg s7  }
0x135: {  	_ =	swait.ge [sflag:s18], $0x1000  }
0x136: {  	s7 =	sand.u32 $0xFFFFF80, s10;
	[sflag:s18] =	ssyncset.done $0x0  }
0x137: {  	[dreg:$0x13] =	wrdreg s7;
	[sflag:s18] =	ssyncadd.s32 $0xFFFFF000  }
0x138: {  	_ =	swait.ge [sflag:s18], $0x1000  }
0x139: {  	v36 =	vor.u32 s22, v0;
	[sflag:s18] =	ssyncset.done $0x0  }
0x13a: {  	v37 =	vor.u32 s22, v1;
	[sflag:s18] =	ssyncadd.s32 $0xFFFFF000  }
0x13b: {  	_ =	swait.ge [sflag:s18], $0x1000  }
0x13c: {  	[sflag:s18] =	ssyncset.done $0x0  }
0x13d: {  	[sflag:s18] =	ssyncadd.s32 $0xFFFFF000  }
0x13e: {  	v32 =	vld.idx.msk [tilespmem:v36+s12+$0x0], $0xffff  }
0x13f: {  	s20 =	sand.u32 $0x7F, s20;
	v33 =	vld.idx.msk [tilespmem:v37+s12+$0x0], $0xffff  }
0x140: {  	v38 =	vor.u32 s20, v2  }
0x141: {  	v39 =	vor.u32 s20, v3;
	s20 =	rddreg [dreg:$0xe]  }
0x142: {  	s10 =	sand.u32 $0x7F, s1;
	s1 =	sand.u32 $0x7F, s31;
	s31 =	sshra.s32 s20, $0x2  }
0x143: {  	[tilespmem:s31+$0x10200] =	vst v32  }
0x144: {  	[tilespmem:s31+$0x10210] =	vst v33  }
0x145: {  	v32 =	vld.idx.msk [tilespmem:v38+s12+$0x0], $0xffff  }
0x146: {  	s24 =	sand.u32 $0x7F, s24;
	v33 =	vld.idx.msk [tilespmem:v39+s12+$0x0], $0xffff  }
0x147: {  	v40 =	vor.u32 s24, v4  }
0x148: {  	v41 =	vor.u32 s24, v5;
	_ =	sdelay $0x1  }
0x149: {  	[tilespmem:s31+$0x10220] =	vst v32  }
0x14a: {  	[tilespmem:s31+$0x10230] =	vst v33  }
0x14b: {  	v32 =	vld.idx.msk [tilespmem:v40+s12+$0x0], $0xffff  }
0x14c: {  	s25 =	sand.u32 $0x7F, s25;
	v33 =	vld.idx.msk [tilespmem:v41+s12+$0x0], $0xffff  }
0x14d: {  	v42 =	vor.u32 s25, v6  }
0x14e: {  	v43 =	vor.u32 s25, v7;
	_ =	sdelay $0x1  }
0x14f: {  	[tilespmem:s31+$0x10240] =	vst v32  }
0x150: {  	[tilespmem:s31+$0x10250] =	vst v33  }
0x151: {  	v32 =	vld.idx.msk [tilespmem:v42+s12+$0x0], $0xffff  }
0x152: {  	v33 =	vld.idx.msk [tilespmem:v43+s12+$0x0], $0xffff  }
0x153: {  	v44 =	vor.u32 s11, v8  }
0x154: {  	v45 =	vor.u32 s11, v9;
	_ =	sdelay $0x1  }
0x155: {  	[tilespmem:s31+$0x10260] =	vst v32  }
0x156: {  	[tilespmem:s31+$0x10270] =	vst v33  }
0x157: {  	v32 =	vld.idx.msk [tilespmem:v44+s12+$0x0], $0xffff  }
0x158: {  	v33 =	vld.idx.msk [tilespmem:v45+s12+$0x0], $0xffff  }
0x159: {  	v46 =	vor.u32 s3, v10  }
0x15a: {  	v47 =	vor.u32 s3, v11;
	_ =	sdelay $0x1  }
0x15b: {  	[tilespmem:s31+$0x10280] =	vst v32  }
0x15c: {  	[tilespmem:s31+$0x10290] =	vst v33  }
0x15d: {  	v32 =	vld.idx.msk [tilespmem:v46+s12+$0x0], $0xffff  }
0x15e: {  	v33 =	vld.idx.msk [tilespmem:v47+s12+$0x0], $0xffff  }
0x15f: {  	v48 =	vor.u32 s9, v12  }
0x160: {  	v49 =	vor.u32 s9, v13;
	_ =	sdelay $0x1  }
0x161: {  	[tilespmem:s31+$0x102A0] =	vst v32  }
0x162: {  	[tilespmem:s31+$0x102B0] =	vst v33  }
0x163: {  	v32 =	vld.idx.msk [tilespmem:v48+s12+$0x0], $0xffff  }
0x164: {  	v33 =	vld.idx.msk [tilespmem:v49+s12+$0x0], $0xffff  }
0x165: {  	v50 =	vor.u32 s2, v14  }
0x166: {  	v51 =	vor.u32 s2, v15;
	_ =	sdelay $0x1  }
0x167: {  	[tilespmem:s31+$0x102C0] =	vst v32  }
0x168: {  	[tilespmem:s31+$0x102D0] =	vst v33  }
0x169: {  	v32 =	vld.idx.msk [tilespmem:v50+s12+$0x0], $0xffff  }
0x16a: {  	v33 =	vld.idx.msk [tilespmem:v51+s12+$0x0], $0xffff;
	_ =	sdelay $0x2  }
0x16b: {  	s30 =	sadd.s32 $0x40, s30;
	s14 =	sand.u32 $0xFFFFF80, s14  }
0x16c: {  	s25 =	sadd.s32 s15, s16;
	s9 =	sadd.s32 s15, s14;
	s14 =	simm.s32 $0x0;
	[tilespmem:s31+$0x102E0] =	vst v32  }
0x16d: {  	s19 =	sand.u32 $0xFFFFF80, s19;
	s16 =	rddreg [dreg:$0xf];
	s24 =	sadd.s32 $0x10200, s31;
	[tilespmem:s31+$0x102F0] =	vst v33  }
0x16e: {  	[hbm4b:s30+s14] =	stream.linear.scatter [tilespmem:s24], [sflag:$0x3], $0x100, $0x38;
	[tilespmem:$0x14200] =	vst v63  }
0x16f: {  	s13 =	simm.s32 $0x400;
	s17 =	simm.s32 $0x7A1400;
	s2 =	sadd.s32 s15, s16  }
0x170: {  	[tilespmem:s12], [sflag:$0x1] =	stream.strided.gather [hbm4b:s2+s13], $0x1000, s17, s13, $0x38;
	[tilespmem:$0x14200] =	vst v63  }
0x171: {  	s24 =	sadd.s32 s15, s19;
	s19 =	simm.s32 $0x1200  }
0x172: {  	[tilespmem:s19], [sflag:$0x1] =	stream.strided.gather [hbm4b:s25+s13], $0x1000, s17, s13, $0x38;
	[tilespmem:$0x14200] =	vst v63  }
0x173: {  	s25 =	rddreg [dreg:$0x10]  }
0x174: {  	s22 =	simm.s32 $0x2200;
	s2 =	sadd.s32 s15, s25  }
0x175: {  	[tilespmem:s22], [sflag:$0x1] =	stream.strided.gather [hbm4b:s2+s13], $0x1000, s17, s13, $0x38;
	[tilespmem:$0x14200] =	vst v63  }
0x176: {  	s11 =	simm.s32 $0x5200;
	s3 =	simm.s32 $0x3200;
	s7 =	sand.u32 $0x7F, s0  }
0x177: {  	[tilespmem:s3], [sflag:$0x1] =	stream.strided.gather [hbm4b:s9+s13], $0x1000, s17, s13, $0x38;
	[tilespmem:$0x14200] =	vst v63  }
0x178: {  	s0 =	sand.u32 $0x7F, s23;
	s14 =	rddreg [dreg:$0x11];
	s9 =	simm.s32 $0x4200  }
0x179: {  	[tilespmem:s9], [sflag:$0x1] =	stream.strided.gather [hbm4b:s24+s13], $0x1000, s17, s13, $0x38;
	[tilespmem:$0x14200] =	vst v63  }
0x17a: {  	s23 =	simm.s32 $0x7200;
	s16 =	rddreg [dreg:$0x12];
	s2 =	sadd.s32 s15, s14  }
0x17b: {  	[tilespmem:s11], [sflag:$0x1] =	stream.strided.gather [hbm4b:s2+s13], $0x1000, s17, s13, $0x38;
	[tilespmem:$0x14200] =	vst v63  }
0x17c: {  	s25 =	rddreg [dreg:$0x13];
	s24 =	simm.s32 $0x6200;
	s2 =	sadd.s32 s15, s16  }
0x17d: {  	[tilespmem:s24], [sflag:$0x1] =	stream.strided.gather [hbm4b:s2+s13], $0x1000, s17, s13, $0x38;
	[tilespmem:$0x14200] =	vst v63  }
0x17e: {  	s16 =	simm.s32 $0x400;
	s13 =	simm.s32 $0x7A1400;
	s2 =	sadd.s32 s15, s25  }
0x17f: {  	[tilespmem:s23], [sflag:$0x1] =	stream.strided.gather [hbm4b:s2+s16], $0x1000, s13, s16, $0x38;
	[tilespmem:$0x14200] =	vst v63  }
0x180: {  	_ =	swait.ge [sflag:s21], $0x1000  }
0x181: {  	[sflag:s21] =	ssyncset.done $0x0  }
0x182: {  	[sflag:s21] =	ssyncadd.s32 $0xFFFFF000  }
0x183: {  	_ =	swait.ge [sflag:s21], $0x1000  }
0x184: {  	[sflag:s21] =	ssyncset.done $0x0  }
0x185: {  	[sflag:s21] =	ssyncadd.s32 $0xFFFFF000  }
0x186: {  	_ =	swait.ge [sflag:s21], $0x1000  }
0x187: {  	[sflag:s21] =	ssyncset.done $0x0  }
0x188: {  	[sflag:s21] =	ssyncadd.s32 $0xFFFFF000  }
0x189: {  	_ =	swait.ge [sflag:s21], $0x1000  }
0x18a: {  	[sflag:s21] =	ssyncset.done $0x0  }
0x18b: {  	[sflag:s21] =	ssyncadd.s32 $0xFFFFF000  }
0x18c: {  	_ =	swait.ge [sflag:s21], $0x1000  }
0x18d: {  	[sflag:s21] =	ssyncset.done $0x0  }
0x18e: {  	[sflag:s21] =	ssyncadd.s32 $0xFFFFF000  }
0x18f: {  	_ =	swait.ge [sflag:s21], $0x1000  }
0x190: {  	[sflag:s21] =	ssyncset.done $0x0  }
0x191: {  	[sflag:s21] =	ssyncadd.s32 $0xFFFFF000  }
0x192: {  	s5 =	sand.u32 $0x7F, s5;
	_ =	swait.ge [sflag:s21], $0x1000  }
0x193: {  	v52 =	vor.u32 s5, v16;
	[sflag:s21] =	ssyncset.done $0x0  }
0x194: {  	v53 =	vor.u32 s5, v17;
	[sflag:s21] =	ssyncadd.s32 $0xFFFFF000  }
0x195: {  	_ =	swait.ge [sflag:s21], $0x1000  }
0x196: {  	[sflag:s21] =	ssyncset.done $0x0  }
0x197: {  	[sflag:s21] =	ssyncadd.s32 $0xFFFFF000  }
0x198: {  	v32 =	vld.idx.msk [tilespmem:v52+s12+$0x0], $0xffff  }
0x199: {  	v33 =	vld.idx.msk [tilespmem:v53+s12+$0x0], $0xffff  }
0x19a: {  	v54 =	vor.u32 s6, v18  }
0x19b: {  	v55 =	vor.u32 s6, v19;
	_ =	sdelay $0x1  }
0x19c: {  	[tilespmem:s31+$0x10300] =	vst v32  }
0x19d: {  	[tilespmem:s31+$0x10310] =	vst v33  }
0x19e: {  	v32 =	vld.idx.msk [tilespmem:v54+s12+$0x0], $0xffff  }
0x19f: {  	v33 =	vld.idx.msk [tilespmem:v55+s12+$0x0], $0xffff  }
0x1a0: {  	v56 =	vor.u32 s7, v20  }
0x1a1: {  	v57 =	vor.u32 s7, v21;
	_ =	sdelay $0x1  }
0x1a2: {  	[tilespmem:s31+$0x10320] =	vst v32  }
0x1a3: {  	[tilespmem:s31+$0x10330] =	vst v33  }
0x1a4: {  	v32 =	vld.idx.msk [tilespmem:v56+s12+$0x0], $0xffff  }
0x1a5: {  	v33 =	vld.idx.msk [tilespmem:v57+s12+$0x0], $0xffff  }
0x1a6: {  	v58 =	vor.u32 s10, v22  }
0x1a7: {  	v59 =	vor.u32 s10, v23;
	_ =	sdelay $0x1  }
0x1a8: {  	[tilespmem:s31+$0x10340] =	vst v32  }
0x1a9: {  	[tilespmem:s31+$0x10350] =	vst v33  }
0x1aa: {  	v32 =	vld.idx.msk [tilespmem:v58+s12+$0x0], $0xffff  }
0x1ab: {  	s4 =	sand.u32 $0x7F, s4;
	v33 =	vld.idx.msk [tilespmem:v59+s12+$0x0], $0xffff  }
0x1ac: {  	v60 =	vor.u32 s4, v24  }
0x1ad: {  	v61 =	vor.u32 s4, v25;
	_ =	sdelay $0x1  }
0x1ae: {  	[tilespmem:s31+$0x10360] =	vst v32  }
0x1af: {  	[tilespmem:s31+$0x10370] =	vst v33  }
0x1b0: {  	v32 =	vld.idx.msk [tilespmem:v60+s12+$0x0], $0xffff  }
0x1b1: {  	s8 =	sand.u32 $0x7F, s8;
	v33 =	vld.idx.msk [tilespmem:v61+s12+$0x0], $0xffff  }
0x1b2: {  	v62 =	vor.u32 s8, v26;
	_ =	sdelay $0x2  }
0x1b3: {  	[tilespmem:s31+$0x10380] =	vst v32  }
0x1b4: {  	[tilespmem:s31+$0x10390] =	vst v33  }
0x1b5: {  	p0 =	sne.s32 s26, $0xF800;
	v63 =	vor.u32 s8, v27;
	v36 =	vld.idx.msk [tilespmem:v62+s12+$0x0], $0xffff  }
.Ltmp0:
0x1b6: {  	_ = 	snop;
	(pc) =	sbr.rel @p0 .LBB2_2-.Ltmp0, $3  }
0x1b7: {  	_ =	sdelay $0x1  }
0x1b8: {  	s26 =	sadd.s32 $0x800, s26;
	s28 =	sadd.s32 $0x40, s28;
	s20 =	simm.s32 $0x0  }
0x1b9: {  	s14 =	smov.u32 s15;
	s17 =	simm.s32 $0x6200;
	v33 =	vor.u32 s1, v29;
	v32 =	vor.u32 s1, v28;
	s1 =	rddreg [dreg:$0xd];
	v34 =	vld.idx.msk [tilespmem:v63+s12+$0x0], $0xffff;
	[tilespmem:s31+$0x103A0] =	vst v36  }
0x1ba: {  	_ =	sdelay $0x3  }
0x1bb: {  	[tilespmem:s31+$0x103B0] =	vst v34  }
0x1bc: {  	v33 =	vld.idx.msk [tilespmem:v33+s12+$0x0], $0xffff  }
0x1bd: {  	v32 =	vld.idx.msk [tilespmem:v32+s12+$0x0], $0xffff  }
0x1be: {  	v63 =	vor.u32 s0, v30  }
0x1bf: {  	v35 =	vor.u32 s0, v31;
	_ =	sdelay $0x1  }
0x1c0: {  	[tilespmem:s31+$0x103D0] =	vst v33  }
0x1c1: {  	[tilespmem:s31+$0x103C0] =	vst v32  }
0x1c2: {  	v32 =	vld.idx.msk [tilespmem:v63+s12+$0x0], $0xffff  }
0x1c3: {  	v33 =	vld.idx.msk [tilespmem:v35+s12+$0x0], $0xffff;
	_ =	sdelay $0x3  }
0x1c4: {  	[tilespmem:s31+$0x103E0] =	vst v32  }
0x1c5: {  	s29 =	sadd.s32 $0x10300, s31;
	[tilespmem:s31+$0x103F0] =	vst v33  }
0x1c6: {  	[hbm4b:s1+s20] =	stream.linear.scatter [tilespmem:s29], [sflag:$0x3], $0x100, $0x38;
	[tilespmem:$0x14200] =	vst v63  }
0x1c7: {  	_ =	swait.ge [sflag:s18], $0x1000  }
0x1c8: {  	[sflag:s18] =	ssyncset.done $0x0  }
0x1c9: {  	[sflag:s18] =	ssyncadd.s32 $0xFFFFF000  }
0x1ca: {  	_ =	swait.ge [sflag:s18], $0x1000  }
0x1cb: {  	[sflag:s18] =	ssyncset.done $0x0  }
0x1cc: {  	[sflag:s18] =	ssyncadd.s32 $0xFFFFF000  }
0x1cd: {  	_ =	swait.ge [sflag:s18], $0x1000  }
0x1ce: {  	[sflag:s18] =	ssyncset.done $0x0  }
0x1cf: {  	[sflag:s18] =	ssyncadd.s32 $0xFFFFF000  }
0x1d0: {  	_ =	swait.ge [sflag:s18], $0x1000  }
0x1d1: {  	[sflag:s18] =	ssyncset.done $0x0  }
0x1d2: {  	[sflag:s18] =	ssyncadd.s32 $0xFFFFF000  }
0x1d3: {  	_ =	swait.ge [sflag:s18], $0x1000  }
0x1d4: {  	[sflag:s18] =	ssyncset.done $0x0  }
0x1d5: {  	[sflag:s18] =	ssyncadd.s32 $0xFFFFF000  }
0x1d6: {  	_ =	swait.ge [sflag:s18], $0x1000  }
0x1d7: {  	[sflag:s18] =	ssyncset.done $0x0  }
0x1d8: {  	[sflag:s18] =	ssyncadd.s32 $0xFFFFF000  }
0x1d9: {  	_ =	swait.ge [sflag:s18], $0x1000  }
0x1da: {  	[sflag:s18] =	ssyncset.done $0x0  }
0x1db: {  	[sflag:s18] =	ssyncadd.s32 $0xFFFFF000  }
0x1dc: {  	_ =	swait.ge [sflag:s18], $0x1000  }
0x1dd: {  	[sflag:s18] =	ssyncset.done $0x0  }
0x1de: {  	s30 =	simm.s32 $0x3;
	[sflag:s18] =	ssyncadd.s32 $0xFFFFF000  }
0x1df: {  	_ =	swait.ge [sflag:s30], $0x100  }
0x1e0: {  	[sflag:s30] =	ssyncset.done $0x0  }
0x1e1: {  	[sflag:s30] =	ssyncadd.s32 $0xFFFFFF00  }
0x1e2: {  	_ =	swait.ge [sflag:s30], $0x100  }
0x1e3: {  	[sflag:s30] =	ssyncset.done $0x0  }
0x1e4: {  	[sflag:s30] =	ssyncadd.s32 $0xFFFFFF00  }
0x1e5: {  	_ =	swait.ge [sflag:s30], $0x100  }
0x1e6: {  	[sflag:s30] =	ssyncset.done $0x0  }
0x1e7: {  	[sflag:s30] =	ssyncadd.s32 $0xFFFFFF00  }
0x1e8: {  	_ =	swait.ge [sflag:s30], $0x100  }
0x1e9: {  	[sflag:s30] =	ssyncset.done $0x0  }
0x1ea: {  	[sflag:s30] =	ssyncadd.s32 $0xFFFFFF00  }
0x1eb: {  	_ =	swait.ge [sflag:s30], $0x100  }
0x1ec: {  	[sflag:s30] =	ssyncset.done $0x0  }
0x1ed: {  	[sflag:s30] =	ssyncadd.s32 $0xFFFFFF00  }
0x1ee: {  	_ =	swait.ge [sflag:s30], $0x100  }
0x1ef: {  	[sflag:s30] =	ssyncset.done $0x0  }
0x1f0: {  	[sflag:s30] =	ssyncadd.s32 $0xFFFFFF00  }
0x1f1: {  	_ =	swait.ge [sflag:s30], $0x100  }
0x1f2: {  	[sflag:s30] =	ssyncset.done $0x0  }
0x1f3: {  	[sflag:s30] =	ssyncadd.s32 $0xFFFFFF00  }
0x1f4: {  	_ =	swait.ge [sflag:s30], $0x100  }
0x1f5: {  	[sflag:s30] =	ssyncset.done $0x0  }
0x1f6: {  	[sflag:s30] =	ssyncadd.s32 $0xFFFFFF00  }
0x1f7: {  	_ =	swait.ge [sflag:s30], $0x100  }
0x1f8: {  	[sflag:s30] =	ssyncset.done $0x0  }
0x1f9: {  	[sflag:s30] =	ssyncadd.s32 $0xFFFFFF00  }
0x1fa: {  	_ =	swait.ge [sflag:s30], $0x100  }
0x1fb: {  	[sflag:s30] =	ssyncset.done $0x0  }
0x1fc: {  	[sflag:s30] =	ssyncadd.s32 $0xFFFFFF00  }
0x1fd: {  	_ =	swait.ge [sflag:s30], $0x100  }
0x1fe: {  	[sflag:s30] =	ssyncset.done $0x0  }
0x1ff: {  	[sflag:s30] =	ssyncadd.s32 $0xFFFFFF00  }
0x200: {  	_ =	swait.ge [sflag:s30], $0x100  }
0x201: {  	[sflag:s30] =	ssyncset.done $0x0  }
0x202: {  	[sflag:s30] =	ssyncadd.s32 $0xFFFFFF00  }
0x203: {  	_ =	swait.ge [sflag:s30], $0x100  }
0x204: {  	[sflag:s30] =	ssyncset.done $0x0  }
0x205: {  	[sflag:s30] =	ssyncadd.s32 $0xFFFFFF00  }
0x206: {  	_ =	swait.ge [sflag:s30], $0x100  }
0x207: {  	[sflag:s30] =	ssyncset.done $0x0  }
0x208: {  	[sflag:s30] =	ssyncadd.s32 $0xFFFFFF00  }
0x209: {  	_ =	swait.ge [sflag:s30], $0x100  }
0x20a: {  	[sflag:s30] =	ssyncset.done $0x0  }
0x20b: {  	[sflag:s30] =	ssyncadd.s32 $0xFFFFFF00  }
0x20c: {  	_ =	swait.ge [sflag:s30], $0x100  }
0x20d: {  	[sflag:s30] =	ssyncset.done $0x0  }
0x20e: {  	[sflag:s30] =	ssyncadd.s32 $0xFFFFFF00  }
0x20f: {  	_ =	swait.ge [sflag:s30], $0x100  }
0x210: {  	[sflag:s30] =	ssyncset.done $0x0  }
0x211: {  	[sflag:s30] =	ssyncadd.s32 $0xFFFFFF00  }
0x212: {  	_ =	swait.ge [sflag:s30], $0x100  }
0x213: {  	[sflag:s30] =	ssyncset.done $0x0  }
0x214: {  	[sflag:s30] =	ssyncadd.s32 $0xFFFFFF00  }
0x215: {  	_ =	swait.ge [sflag:s30], $0x100  }
0x216: {  	[sflag:s30] =	ssyncset.done $0x0  }
0x217: {  	[sflag:s30] =	ssyncadd.s32 $0xFFFFFF00  }
0x218: {  	_ =	swait.ge [sflag:s30], $0x100  }
0x219: {  	[sflag:s30] =	ssyncset.done $0x0  }
0x21a: {  	[sflag:s30] =	ssyncadd.s32 $0xFFFFFF00  }
0x21b: {  	_ =	swait.ge [sflag:s30], $0x100  }
0x21c: {  	[sflag:s30] =	ssyncset.done $0x0  }
0x21d: {  	[sflag:s30] =	ssyncadd.s32 $0xFFFFFF00  }
0x21e: {  	_ =	swait.ge [sflag:s30], $0x100  }
0x21f: {  	[sflag:s30] =	ssyncset.done $0x0  }
0x220: {  	[sflag:s30] =	ssyncadd.s32 $0xFFFFFF00  }
0x221: {  	_ =	swait.ge [sflag:s30], $0x100  }
0x222: {  	[sflag:s30] =	ssyncset.done $0x0  }
0x223: {  	[sflag:s30] =	ssyncadd.s32 $0xFFFFFF00  }
0x224: {  	_ =	swait.ge [sflag:s30], $0x100  }
0x225: {  	[sflag:s30] =	ssyncset.done $0x0  }
0x226: {  	[sflag:s30] =	ssyncadd.s32 $0xFFFFFF00  }
0x227: {  	_ =	swait.ge [sflag:s30], $0x100  }
0x228: {  	[sflag:s30] =	ssyncset.done $0x0  }
0x229: {  	[sflag:s30] =	ssyncadd.s32 $0xFFFFFF00  }
0x22a: {  	_ =	swait.ge [sflag:s30], $0x100  }
0x22b: {  	[sflag:s30] =	ssyncset.done $0x0  }
0x22c: {  	[sflag:s30] =	ssyncadd.s32 $0xFFFFFF00  }
0x22d: {  	_ =	swait.ge [sflag:s30], $0x100  }
0x22e: {  	[sflag:s30] =	ssyncset.done $0x0  }
0x22f: {  	[sflag:s30] =	ssyncadd.s32 $0xFFFFFF00  }
0x230: {  	_ =	swait.ge [sflag:s30], $0x100  }
0x231: {  	[sflag:s30] =	ssyncset.done $0x0  }
0x232: {  	[sflag:s30] =	ssyncadd.s32 $0xFFFFFF00  }
0x233: {  	_ =	swait.ge [sflag:s30], $0x100  }
0x234: {  	[sflag:s30] =	ssyncset.done $0x0  }
0x235: {  	[sflag:s30] =	ssyncadd.s32 $0xFFFFFF00  }
0x236: {  	_ =	swait.ge [sflag:s30], $0x100  }
0x237: {  	[sflag:s30] =	ssyncset.done $0x0  }
0x238: {  	[sflag:s30] =	ssyncadd.s32 $0xFFFFFF00  }
0x239: {  	_ =	swait.ge [sflag:s30], $0x100  }
0x23a: {  	[sflag:s30] =	ssyncset.done $0x0  }
0x23b: {  	[sflag:s30] =	ssyncadd.s32 $0xFFFFFF00  }
0x23c: {  	_ =	swait.ge [sflag:s30], $0x100  }
0x23d: {  	[sflag:s30] =	ssyncset.done $0x0  }
0x23e: {  	[sflag:s30] =	ssyncadd.s32 $0xFFFFFF00  }
0x23f: {  	_ =	swait.ge [sflag:s30], $0x100  }
0x240: {  	[sflag:s30] =	ssyncset.done $0x0  }
0x241: {  	[sflag:s30] =	ssyncadd.s32 $0xFFFFFF00  }
0x242: {  	_ =	swait.ge [sflag:s30], $0x100  }
0x243: {  	[sflag:s30] =	ssyncset.done $0x0  }
0x244: {  	[sflag:s30] =	ssyncadd.s32 $0xFFFFFF00  }
0x245: {  	_ =	swait.ge [sflag:s30], $0x100  }
0x246: {  	[sflag:s30] =	ssyncset.done $0x0  }
0x247: {  	[sflag:s30] =	ssyncadd.s32 $0xFFFFFF00  }
0x248: {  	_ =	swait.ge [sflag:s30], $0x100  }
0x249: {  	[sflag:s30] =	ssyncset.done $0x0  }
0x24a: {  	[sflag:s30] =	ssyncadd.s32 $0xFFFFFF00  }
0x24b: {  	_ =	swait.ge [sflag:s30], $0x100  }
0x24c: {  	[sflag:s30] =	ssyncset.done $0x0  }
0x24d: {  	[sflag:s30] =	ssyncadd.s32 $0xFFFFFF00  }
0x24e: {  	_ =	swait.ge [sflag:s30], $0x100  }
0x24f: {  	[sflag:s30] =	ssyncset.done $0x0  }
0x250: {  	[sflag:s30] =	ssyncadd.s32 $0xFFFFFF00  }
0x251: {  	_ =	swait.ge [sflag:s30], $0x100  }
0x252: {  	[sflag:s30] =	ssyncset.done $0x0  }
0x253: {  	[sflag:s30] =	ssyncadd.s32 $0xFFFFFF00  }
0x254: {  	_ =	swait.ge [sflag:s30], $0x100  }
0x255: {  	[sflag:s30] =	ssyncset.done $0x0  }
0x256: {  	[sflag:s30] =	ssyncadd.s32 $0xFFFFFF00  }
0x257: {  	_ =	swait.ge [sflag:s30], $0x100  }
0x258: {  	[sflag:s30] =	ssyncset.done $0x0  }
0x259: {  	[sflag:s30] =	ssyncadd.s32 $0xFFFFFF00  }
0x25a: {  	_ =	swait.ge [sflag:s30], $0x100  }
0x25b: {  	[sflag:s30] =	ssyncset.done $0x0  }
0x25c: {  	[sflag:s30] =	ssyncadd.s32 $0xFFFFFF00  }
0x25d: {  	_ =	swait.ge [sflag:s30], $0x100  }
0x25e: {  	[sflag:s30] =	ssyncset.done $0x0  }
0x25f: {  	[sflag:s30] =	ssyncadd.s32 $0xFFFFFF00  }
0x260: {  	_ =	swait.ge [sflag:s30], $0x100  }
0x261: {  	[sflag:s30] =	ssyncset.done $0x0  }
0x262: {  	[sflag:s30] =	ssyncadd.s32 $0xFFFFFF00  }
0x263: {  	_ =	swait.ge [sflag:s30], $0x100  }
0x264: {  	[sflag:s30] =	ssyncset.done $0x0  }
0x265: {  	[sflag:s30] =	ssyncadd.s32 $0xFFFFFF00  }
0x266: {  	_ =	swait.ge [sflag:s30], $0x100  }
0x267: {  	[sflag:s30] =	ssyncset.done $0x0  }
0x268: {  	[sflag:s30] =	ssyncadd.s32 $0xFFFFFF00  }
0x269: {  	_ =	swait.ge [sflag:s30], $0x100  }
0x26a: {  	[sflag:s30] =	ssyncset.done $0x0  }
0x26b: {  	[sflag:s30] =	ssyncadd.s32 $0xFFFFFF00  }
0x26c: {  	_ =	swait.ge [sflag:s30], $0x100  }
0x26d: {  	[sflag:s30] =	ssyncset.done $0x0  }
0x26e: {  	[sflag:s30] =	ssyncadd.s32 $0xFFFFFF00  }
0x26f: {  	_ =	swait.ge [sflag:s30], $0x100  }
0x270: {  	[sflag:s30] =	ssyncset.done $0x0  }
0x271: {  	[sflag:s30] =	ssyncadd.s32 $0xFFFFFF00  }
0x272: {  	_ =	swait.ge [sflag:s30], $0x100  }
0x273: {  	[sflag:s30] =	ssyncset.done $0x0  }
0x274: {  	[sflag:s30] =	ssyncadd.s32 $0xFFFFFF00  }
0x275: {  	_ =	swait.ge [sflag:s30], $0x100  }
0x276: {  	[sflag:s30] =	ssyncset.done $0x0  }
0x277: {  	[sflag:s30] =	ssyncadd.s32 $0xFFFFFF00  }
0x278: {  	_ =	swait.ge [sflag:s30], $0x100  }
0x279: {  	[sflag:s30] =	ssyncset.done $0x0  }
0x27a: {  	[sflag:s30] =	ssyncadd.s32 $0xFFFFFF00  }
0x27b: {  	_ =	swait.ge [sflag:s30], $0x100  }
0x27c: {  	[sflag:s30] =	ssyncset.done $0x0  }
0x27d: {  	[sflag:s30] =	ssyncadd.s32 $0xFFFFFF00  }
0x27e: {  	_ =	swait.ge [sflag:s30], $0x100  }
0x27f: {  	[sflag:s30] =	ssyncset.done $0x0  }
0x280: {  	[sflag:s30] =	ssyncadd.s32 $0xFFFFFF00  }
0x281: {  	_ =	swait.ge [sflag:s30], $0x100  }
0x282: {  	[sflag:s30] =	ssyncset.done $0x0  }
0x283: {  	[sflag:s30] =	ssyncadd.s32 $0xFFFFFF00  }
0x284: {  	_ =	swait.ge [sflag:s30], $0x100  }
0x285: {  	[sflag:s30] =	ssyncset.done $0x0  }
0x286: {  	[sflag:s30] =	ssyncadd.s32 $0xFFFFFF00  }
0x287: {  	_ =	swait.ge [sflag:s30], $0x100  }
0x288: {  	[sflag:s30] =	ssyncset.done $0x0  }
0x289: {  	[sflag:s30] =	ssyncadd.s32 $0xFFFFFF00  }
0x28a: {  	_ =	swait.ge [sflag:s30], $0x100  }
0x28b: {  	[sflag:s30] =	ssyncset.done $0x0  }
0x28c: {  	[sflag:s30] =	ssyncadd.s32 $0xFFFFFF00  }
0x28d: {  	_ =	swait.ge [sflag:s30], $0x100  }
0x28e: {  	[sflag:s30] =	ssyncset.done $0x0  }
0x28f: {  	[sflag:s30] =	ssyncadd.s32 $0xFFFFFF00  }
0x290: {  	_ =	swait.ge [sflag:s30], $0x100  }
0x291: {  	[sflag:s30] =	ssyncset.done $0x0  }
0x292: {  	[sflag:s30] =	ssyncadd.s32 $0xFFFFFF00  }
0x293: {  	_ =	swait.ge [sflag:s30], $0x100  }
0x294: {  	[sflag:s30] =	ssyncset.done $0x0  }
0x295: {  	[sflag:s30] =	ssyncadd.s32 $0xFFFFFF00  }
0x296: {  	_ =	swait.ge [sflag:s30], $0x100  }
0x297: {  	[sflag:s30] =	ssyncset.done $0x0  }
0x298: {  	[sflag:s30] =	ssyncadd.s32 $0xFFFFFF00  }
0x299: {  	_ =	swait.ge [sflag:s30], $0x100  }
0x29a: {  	[sflag:s30] =	ssyncset.done $0x0  }
0x29b: {  	[sflag:s30] =	ssyncadd.s32 $0xFFFFFF00  }
0x29c: {  	_ =	swait.ge [sflag:s30], $0x100  }
0x29d: {  	s2 =	rddreg [dreg:$0x18]  }
0x29e: {  	s31 =	rddreg [dreg:$0x15];
	s2 =	sadd.s32 $0x1, s2  }
0x29f: {  	p0 =	sne.s32 s2, s31  }
.Ltmp1:
0x2a0: {  	_ = 	snop;
	(pc) =	sbr.rel @p0 .LBB2_1-.Ltmp1, $3  }
0x2a1: {  	_ =	sdelay $0x1  }
0x2a2: {  	[sflag:s30] =	ssyncset.done $0x0  }
0x2a3: {  	[sflag:s30] =	ssyncadd.s32 $0xFFFFFF00  }
0x2a4: {  	_ =	sfence.sel $0x180000  }
0x2a5: {  	[bflag:$0x0] =	sbarrier.arrive $0xFFFF  }
0x2a6: {  	_ =	strace $0x90000047  }
0x2a7: {  	s0 =	stileid.u32;
	[bflag:$0x2] =	sbarrier.arrive $0xFFFF  }
0x2a8: {  	p0 =	sne.s32 s0, $0x0;
	s0 =	rddreg [dreg:$0x3]  }
0x2a9: {  	s0 =	sadd.s32 @!p0 $0x100000, s0  }
0x2aa: {  	[sflag:s0] =	ssyncadd.tile.s32 @!p0 $0x1;
	_ =	shalt  }
.Lfunc_end2:
_tile_overlayer_lowered:
.L_overlay_start_2:
0x2ab: {  	(tag) =	ssettag $0x2  }
0x2ac: {  	s0 =	rddreg [dreg:$0x0];
	s2 =	stileid.u32  }
0x2ad: {  	s1 =	rddreg [dreg:$0x1];
	p0 =	sne.s32 s2, $0x0  }
0x2ae: {  	s3 =	rddreg [dreg:$0x2];
	[bflag:$0x3] =	sbarrier.arrive $0xFFFF;
	s2 =	simm.s32 @!p0 $0x1C04  }
0x2af: {  	[timem:s3], [sflag:s2] =	dma.local @!p0 [hbm:s0], s1  }
0x2b0: {  	s0 =	simm.s32 @!p0 $0x4  }
0x2b1: {  	_ =	swait.ge @!p0 [sflag:s0], s1  }
0x2b2: {  	s1 =	ssub.s32 @!p0 $0x0, s1;
	[sflag:s0] =	ssyncset.done @!p0 $0x0  }
0x2b3: {  	[sflag:s0] =	ssyncadd.s32 @!p0 s1  }
0x2b4: {  	[bflag:$0x3] =	sbarrier.arrive $0xFFFF  }
0x2b5: {  	_ =	shalt  }

</sc_bundles>
